<compile_context>
chip_gen: v7x
topology: tpu7x:2x2x1
jax: 0.10.2.dev20260603
libtpu: 0.0.44.dev20260713+nightly
codegen_flags: <defaults>
</compile_context>

<pallas_src>
import functools

import jax
import jax.numpy as jnp
from jax import lax
from jax.experimental import pallas as pl
from jax.experimental.pallas import tpu as pltpu
from jax.experimental.pallas import tpu_sc as plsc

N_NODES = 10000
N_PAD = 10112
N_EDGES = 320000
D_FEAT = 128
D_AUG = 144

N_CORES = 2
N_SUB = 16
CHUNK = 40

_EDGES_PER_CORE = N_EDGES // N_CORES
_EDGES_PER_TILE = _EDGES_PER_CORE // N_SUB
_CHUNKS_PER_TILE = _EDGES_PER_TILE // CHUNK
_ROWS_PER_TILE = N_PAD // N_SUB
_ZFULL = _ROWS_PER_TILE // CHUNK
_ZREM = _ROWS_PER_TILE - _ZFULL * CHUNK


def _make_agg(d):
    mesh = plsc.VectorSubcoreMesh(core_axis_name="c", subcore_axis_name="s")

    @functools.partial(
        pl.kernel,
        out_type=jax.ShapeDtypeStruct((N_CORES, N_PAD, d), jnp.float32),
        mesh=mesh,
        compiler_params=pltpu.CompilerParams(use_tc_tiling_on_sc=False),
        scratch_types=[
            pltpu.VMEM((_CHUNKS_PER_TILE, CHUNK), jnp.int32),
            [pltpu.VMEM((CHUNK,), jnp.int32) for _ in range(5)],
            [pltpu.VMEM((CHUNK, d), jnp.float32) for _ in range(5)],
            pltpu.VMEM_SHARED((N_PAD, d), jnp.float32),
            [pltpu.SemaphoreType.DMA for _ in range(5)],
            [pltpu.SemaphoreType.DMA for _ in range(5)],
            [pltpu.SemaphoreType.DMA for _ in range(5)],
        ],
    )
    def agg(table_hbm, src_hbm, dst_hbm, out_hbm, idx_s, idx_d,
            bufs, acc, gsems, ssems, isems):
        c = lax.axis_index("c")
        s = lax.axis_index("s")

        row_base = c * (_EDGES_PER_CORE // CHUNK) + s * _CHUNKS_PER_TILE
        pltpu.async_copy(src_hbm.at[pl.ds(row_base, _CHUNKS_PER_TILE)], idx_s, gsems[0])

        def ifetch(i, q):
            pltpu.async_copy(dst_hbm.at[row_base + i], idx_d[q], isems[q])

        def iwait(q):
            pltpu.make_async_copy(dst_hbm.at[row_base], idx_d[q], isems[q]).wait()

        def zrow(r, _):
            def zlane(j, _):
                bufs[0][r, pl.ds(j * 16, 16)] = jnp.zeros((16,), jnp.float32)
                return 0

            return lax.fori_loop(0, d // 16, zlane, 0)

        lax.fori_loop(0, CHUNK, zrow, 0)
        for k in range(_ZFULL):
            pltpu.async_copy(bufs[0], acc.at[pl.ds(s * _ROWS_PER_TILE + k * CHUNK, CHUNK)], ssems[0])
        if _ZREM:
            pltpu.async_copy(
                bufs[0].at[pl.ds(0, _ZREM)],
                acc.at[pl.ds(s * _ROWS_PER_TILE + _ZFULL * CHUNK, _ZREM)],
                ssems[1],
            )
        for k in range(_ZFULL):
            pltpu.make_async_copy(bufs[0], acc.at[pl.ds(0, CHUNK)], ssems[0]).wait()
        if _ZREM:
            pltpu.make_async_copy(bufs[0].at[pl.ds(0, _ZREM)], acc.at[pl.ds(0, _ZREM)], ssems[1]).wait()
        pltpu.make_async_copy(src_hbm.at[pl.ds(row_base, _CHUNKS_PER_TILE)], idx_s, gsems[0]).wait()
        plsc.subcore_barrier()

        def gather(i, p):
            pltpu.async_copy(table_hbm.at[idx_s.at[i]], bufs[p], gsems[p])

        def gwait(p):
            pltpu.make_async_copy(table_hbm.at[idx_s.at[0]], bufs[p], gsems[p]).wait()

        def scat(i, p):
            pltpu.async_copy(bufs[p], acc.at[idx_d[p]], ssems[p], add=True)

        def swait(p):
            pltpu.make_async_copy(bufs[p], acc.at[idx_d[0]], ssems[p]).wait()

        for p in range(4):
            ifetch(p, p)
            gather(p, p)

        def chunk(i, _):
            def step(p):
                pn = (p + 4) % 5
                gwait(p)
                iwait(p)
                scat(i, p)

                @pl.when(i >= 1)
                def _():
                    swait(pn)

                @pl.when(i + 4 < _CHUNKS_PER_TILE)
                def _():
                    ifetch(i + 4, pn)
                    gather(i + 4, pn)

            for p in range(5):

                @pl.when(i % 5 == p)
                def _(p=p):
                    step(p)

            return 0

        lax.fori_loop(0, _CHUNKS_PER_TILE, chunk, 0)
        swait((_CHUNKS_PER_TILE - 1) % 5)
        plsc.subcore_barrier()

        pltpu.sync_copy(
            acc.at[pl.ds(s * _ROWS_PER_TILE, _ROWS_PER_TILE)],
            out_hbm.at[c, pl.ds(s * _ROWS_PER_TILE, _ROWS_PER_TILE)],
        )

    return agg


_agg_aug = _make_agg(D_AUG)
_agg_feat = _make_agg(D_FEAT)


def _tcr_body(x_ref, wr_ref, b_ref, o_ref):
    o_ref[:, :] = (
        jnp.dot(x_ref[:, :], wr_ref[:, :], precision=lax.Precision.HIGHEST)
        + b_ref[:][None, :]
    )


def _tc1_body(p_ref, xr_ref, wl_ref, h_ref, cnt_ref):
    pa = p_ref[0]
    pb = p_ref[1]
    agg = pa[:, :D_FEAT] + pb[:, :D_FEAT]
    cnt = jnp.maximum(pa[:, D_FEAT:D_FEAT + 1] + pb[:, D_FEAT:D_FEAT + 1], 1.0)
    mean = agg / cnt
    h = jnp.dot(mean, wl_ref[:, :], precision=lax.Precision.HIGHEST) + xr_ref[:, :]
    h_ref[:, :] = jnp.maximum(h, 0.0)
    cnt_ref[:, :] = cnt


def _tc2_body(p_ref, xr_ref, cnt_ref, wl_ref, out_ref):
    mean = (p_ref[0] + p_ref[1]) / cnt_ref[:, :]
    out_ref[:, :] = (
        jnp.dot(mean, wl_ref[:, :], precision=lax.Precision.HIGHEST) + xr_ref[:, :]
    )


_ROW_BLK = 2000

_tcr = pl.pallas_call(
    _tcr_body,
    grid=(N_NODES // _ROW_BLK,),
    in_specs=[
        pl.BlockSpec((_ROW_BLK, D_FEAT), lambda i: (i, 0)),
        pl.BlockSpec((D_FEAT, D_FEAT), lambda i: (0, 0)),
        pl.BlockSpec((D_FEAT,), lambda i: (0,)),
    ],
    out_specs=pl.BlockSpec((_ROW_BLK, D_FEAT), lambda i: (i, 0)),
    out_shape=jax.ShapeDtypeStruct((N_NODES, D_FEAT), jnp.float32),
)

_tc1 = pl.pallas_call(
    _tc1_body,
    grid=(N_NODES // _ROW_BLK,),
    in_specs=[
        pl.BlockSpec((N_CORES, _ROW_BLK, D_AUG), lambda i: (0, i, 0)),
        pl.BlockSpec((_ROW_BLK, D_FEAT), lambda i: (i, 0)),
        pl.BlockSpec((D_FEAT, D_FEAT), lambda i: (0, 0)),
    ],
    out_specs=[
        pl.BlockSpec((_ROW_BLK, D_FEAT), lambda i: (i, 0)),
        pl.BlockSpec((_ROW_BLK, 1), lambda i: (i, 0)),
    ],
    out_shape=[
        jax.ShapeDtypeStruct((N_NODES, D_FEAT), jnp.float32),
        jax.ShapeDtypeStruct((N_NODES, 1), jnp.float32),
    ],
)

_tc2 = pl.pallas_call(
    _tc2_body,
    grid=(N_NODES // _ROW_BLK,),
    in_specs=[
        pl.BlockSpec((N_CORES, _ROW_BLK, D_FEAT), lambda i: (0, i, 0)),
        pl.BlockSpec((_ROW_BLK, D_FEAT), lambda i: (i, 0)),
        pl.BlockSpec((_ROW_BLK, 1), lambda i: (i, 0)),
        pl.BlockSpec((D_FEAT, D_FEAT), lambda i: (0, 0)),
    ],
    out_specs=pl.BlockSpec((_ROW_BLK, D_FEAT), lambda i: (i, 0)),
    out_shape=jax.ShapeDtypeStruct((N_NODES, D_FEAT), jnp.float32),
)


@jax.jit
def kernel(x, edge_index, W1_l, W1_r, b1, W2_l, W2_r, b2):
    src = edge_index[0].astype(jnp.int32).reshape(N_EDGES // CHUNK, CHUNK)
    dst = edge_index[1].astype(jnp.int32).reshape(N_EDGES // CHUNK, CHUNK)

    x_aug = jnp.concatenate(
        [x, jnp.ones((N_NODES, 1), jnp.float32), jnp.zeros((N_NODES, D_AUG - D_FEAT - 1), jnp.float32)],
        axis=1,
    )

    p1 = _agg_aug(x_aug, src, dst)
    xr1 = _tcr(x, W1_r, b1)
    h, cnt = _tc1(p1, xr1, W1_l)

    p2 = _agg_feat(h, src, dst)
    xr2 = _tcr(h, W2_r, b2)
    out = _tc2(p2, xr2, cnt, W2_l)
    return out

# --- scband reference (transcript-rebuilt; emitter-appended) ---
"""Pipeline reference for scband-graph-sage-fraud-detector-45432164057403 (READ-ONLY COPY).

The authoritative reference and input builder live on the scoring server;
editing this copy changes nothing except your own understanding.
"""

import jax, jax.numpy as jnp
import numpy as np

N_NODES = 10000
N_EDGES = 320000
D_IN = 128
D_HID = 128
D_OUT = 128


def setup_inputs(seed: int = 0) -> dict:
    key = jax.random.key(seed)
    ks = jax.random.split(key, 10)
    x = jax.random.normal(ks[0], (N_NODES, D_IN), dtype=jnp.float32)
    edge_index = jax.random.randint(ks[1], (2, N_EDGES), 0, N_NODES, dtype=jnp.int64 if jax.config.read('jax_enable_x64') else jnp.int32)
    s1 = 1.0 / np.sqrt(D_IN)
    s2 = 1.0 / np.sqrt(D_HID)
    W1_l = jax.random.uniform(ks[2], (D_IN, D_HID), jnp.float32, -s1, s1)
    W1_r = jax.random.uniform(ks[3], (D_IN, D_HID), jnp.float32, -s1, s1)
    b1 = jax.random.uniform(ks[4], (D_HID,), jnp.float32, -s1, s1)
    W2_l = jax.random.uniform(ks[5], (D_HID, D_OUT), jnp.float32, -s2, s2)
    W2_r = jax.random.uniform(ks[6], (D_HID, D_OUT), jnp.float32, -s2, s2)
    b2 = jax.random.uniform(ks[7], (D_OUT,), jnp.float32, -s2, s2)
    return {"x": x, "edge_index": edge_index, "W1_l": W1_l, "W1_r": W1_r, "b1": b1, "W2_l": W2_l, "W2_r": W2_r, "b2": b2}


def _sage_conv(x, edge_index, W_l, W_r, b):
    # PyG SAGEConv with mean aggregation:
    # out_i = lin_l(mean_{j in N(i)} x_j) + lin_r(x_i)
    src = edge_index[0]
    dst = edge_index[1]
    msgs = jnp.take(x, src, axis=0)
    agg = jax.ops.segment_sum(msgs, dst, num_segments=N_NODES)
    cnt = jax.ops.segment_sum(jnp.ones((msgs.shape[0],), dtype=x.dtype), dst, num_segments=N_NODES)
    mean = agg / jnp.clip(cnt, 1.0)[:, None]
    return mean @ W_l + x @ W_r + b


def reference(x, edge_index, W1_l, W1_r, b1, W2_l, W2_r, b2):
    h = _sage_conv(x, edge_index, W1_l, W1_r, b1)
    h = jax.nn.relu(h)
    out = _sage_conv(h, edge_index, W2_l, W2_r, b2)
    return out

if __name__ == "__main__":
    import jax
    _d = setup_inputs()
    print(jax.jit(kernel)(*tuple(_d.values())))

</pallas_src>

<mosaic_0001>
#map = affine_map<(d0, d1) -> (0, 0)>
#map1 = affine_map<(d0, d1) -> (0, 0, 0)>
module attributes {stable_mosaic.version = 14 : i64} {
  func.func @agg(%arg0: i32, %arg1: i32, %arg2: memref<10000x128xf32, #tpu.memory_space<hbm>>, %arg3: memref<8000x40xi32, #tpu.memory_space<hbm>>, %arg4: memref<8000x40xi32, #tpu.memory_space<hbm>>, %arg5: memref<2x10112x128xf32, #tpu.memory_space<hbm>>, %arg6: memref<250x40xi32, #tpu.memory_space<vmem>>, %arg7: memref<40xi32, #tpu.memory_space<vmem>>, %arg8: memref<40xi32, #tpu.memory_space<vmem>>, %arg9: memref<40xi32, #tpu.memory_space<vmem>>, %arg10: memref<40xi32, #tpu.memory_space<vmem>>, %arg11: memref<40xi32, #tpu.memory_space<vmem>>, %arg12: memref<40x128xf32, #tpu.memory_space<vmem>>, %arg13: memref<40x128xf32, #tpu.memory_space<vmem>>, %arg14: memref<40x128xf32, #tpu.memory_space<vmem>>, %arg15: memref<40x128xf32, #tpu.memory_space<vmem>>, %arg16: memref<40x128xf32, #tpu.memory_space<vmem>>, %arg17: memref<10112x128xf32, #tpu.memory_space<vmem_shared>>, %arg18: memref<!tpu.dma_semaphore, #tpu.memory_space<semaphore_mem>>, %arg19: memref<!tpu.dma_semaphore, #tpu.memory_space<semaphore_mem>>, %arg20: memref<!tpu.dma_semaphore, #tpu.memory_space<semaphore_mem>>, %arg21: memref<!tpu.dma_semaphore, #tpu.memory_space<semaphore_mem>>, %arg22: memref<!tpu.dma_semaphore, #tpu.memory_space<semaphore_mem>>, %arg23: memref<!tpu.dma_semaphore, #tpu.memory_space<semaphore_mem>>, %arg24: memref<!tpu.dma_semaphore, #tpu.memory_space<semaphore_mem>>, %arg25: memref<!tpu.dma_semaphore, #tpu.memory_space<semaphore_mem>>, %arg26: memref<!tpu.dma_semaphore, #tpu.memory_space<semaphore_mem>>, %arg27: memref<!tpu.dma_semaphore, #tpu.memory_space<semaphore_mem>>, %arg28: memref<!tpu.dma_semaphore, #tpu.memory_space<semaphore_mem>>, %arg29: memref<!tpu.dma_semaphore, #tpu.memory_space<semaphore_mem>>, %arg30: memref<!tpu.dma_semaphore, #tpu.memory_space<semaphore_mem>>, %arg31: memref<!tpu.dma_semaphore, #tpu.memory_space<semaphore_mem>>, %arg32: memref<!tpu.dma_semaphore, #tpu.memory_space<semaphore_mem>>) attributes {dimension_semantics = [#tpu.dimension_semantics<core_parallel>, #tpu.dimension_semantics<subcore_parallel>], iteration_bounds = array<i64: 2, 16>, scalar_prefetch = 0 : i64, scratch_operands = 27 : i64, tpu.core_type = #tpu.core_type<sc_vector_subcore>, window_params = [{transform_indices = #map}, {transform_indices = #map}, {transform_indices = #map}, {transform_indices = #map1}]} {
    %mul3A = arith.constant 4000 : i32
    %mul3A_0 = arith.muli %arg0, %mul3A : i32
    %mul3A_1 = arith.constant 250 : i32
    %mul3A_2 = arith.muli %arg1, %mul3A_1 : i32
    %add3A = arith.addi %mul3A_0, %mul3A_2 : i32
    %dma_start3A = arith.constant 0 : i32
    %dma_start3A_3 = tpu.memref_slice %arg3[%add3A, %dma_start3A] : memref<8000x40xi32, #tpu.memory_space<hbm>> -> memref<250x40xi32, #tpu.memory_space<hbm>>
    %dma_start3A_4 = arith.constant 0 : i32
    %dma_start3A_5 = tpu.memref_slice %arg3[%add3A, %dma_start3A_4] : memref<8000x40xi32, #tpu.memory_space<hbm>> -> memref<250x40xi32, #tpu.memory_space<hbm>>
    tpu.enqueue_dma source(%dma_start3A_5 : memref<250x40xi32, #tpu.memory_space<hbm>>) target(%arg6 : memref<250x40xi32, #tpu.memory_space<vmem>>) target_semaphore(%arg18 : memref<!tpu.dma_semaphore, #tpu.memory_space<semaphore_mem>>)
    %scan3A = arith.constant 0 : i32
    %scan3A_6 = arith.constant 0 : i32
    %scan3A_7 = arith.constant 40 : i32
    %scan3A_8 = arith.addi %scan3A_6, %scan3A_7 : i32
    %scan3A_9 = arith.constant 1 : i32
    %scan3A_10 = scf.for %scan3A_326 = %scan3A_6 to %scan3A_8 step %scan3A_9 iter_args(%scan3A_327 = %scan3A) -> (i32)  : i32 {
      %scan3A_328 = arith.constant 0 : i32
      %scan3A_329 = arith.constant 0 : i32
      %scan3A_330 = arith.constant 8 : i32
      %scan3A_331 = arith.addi %scan3A_329, %scan3A_330 : i32
      %scan3A_332 = arith.constant 1 : i32
      %scan3A_333 = scf.for %scan3A_335 = %scan3A_329 to %scan3A_331 step %scan3A_332 iter_args(%scan3A_336 = %scan3A_328) -> (i32)  : i32 {
        %broadcast_in_dim3A = arith.constant 0.000000e+00 : f32
        %broadcast_in_dim3A_337 = vector.broadcast %broadcast_in_dim3A : f32 to vector<16xf32>
        %mul3A_338 = arith.constant 16 : i32
        %mul3A_339 = arith.muli %scan3A_335, %mul3A_338 : i32
        %swap3A = arith.index_cast %scan3A_326 : i32 to index
        %swap3A_340 = arith.index_cast %mul3A_339 : i32 to index
        %swap3A_341 = tpu.vector_load %arg12[%swap3A, %swap3A_340] {strides = array<i32>} : memref<40x128xf32, #tpu.memory_space<vmem>>, vector<1x16xf32>,
        %swap3A_342 = vector.shape_cast %swap3A_341 : vector<1x16xf32> to vector<16xf32>
        %swap3A_343 = vector.shape_cast %broadcast_in_dim3A_337 : vector<16xf32> to vector<1x16xf32>
        tpu.vector_store %arg12[%swap3A, %swap3A_340], %swap3A_343 {strides = array<i32>} : memref<40x128xf32, #tpu.memory_space<vmem>>, vector<1x16xf32>,
        %scan3A_344 = arith.constant 0 : i32
        scf.yield %scan3A_344 : i32
      }
      %scan3A_334 = arith.constant 8 : i32
      scf.yield %scan3A_333 : i32
    }
    %scan3A_11 = arith.constant 40 : i32
    %mul3A_12 = arith.constant 632 : i32
    %mul3A_13 = arith.muli %arg1, %mul3A_12 : i32
    %add3A_14 = arith.constant 0 : i32
    %add3A_15 = arith.addi %mul3A_13, %add3A_14 : i32
    %dma_start3A_16 = arith.constant 0 : i32
    %dma_start3A_17 = tpu.memref_slice %arg17[%add3A_15, %dma_start3A_16] : memref<10112x128xf32, #tpu.memory_space<vmem_shared>> -> memref<40x128xf32, #tpu.memory_space<vmem_shared>>
    %dma_start3A_18 = arith.constant 0 : i32
    %dma_start3A_19 = tpu.memref_slice %arg17[%add3A_15, %dma_start3A_18] : memref<10112x128xf32, #tpu.memory_space<vmem_shared>> -> memref<40x128xf32, #tpu.memory_space<vmem_shared>>
    tpu.enqueue_dma source(%arg12 : memref<40x128xf32, #tpu.memory_space<vmem>>) target(%dma_start3A_19 : memref<40x128xf32, #tpu.memory_space<vmem_shared>>) target_semaphore(%arg23 : memref<!tpu.dma_semaphore, #tpu.memory_space<semaphore_mem>>)
    %mul3A_20 = arith.constant 632 : i32
    %mul3A_21 = arith.muli %arg1, %mul3A_20 : i32
    %add3A_22 = arith.constant 40 : i32
    %add3A_23 = arith.addi %mul3A_21, %add3A_22 : i32
    %dma_start3A_24 = arith.constant 0 : i32
    %dma_start3A_25 = tpu.memref_slice %arg17[%add3A_23, %dma_start3A_24] : memref<10112x128xf32, #tpu.memory_space<vmem_shared>> -> memref<40x128xf32, #tpu.memory_space<vmem_shared>>
    %dma_start3A_26 = arith.constant 0 : i32
    %dma_start3A_27 = tpu.memref_slice %arg17[%add3A_23, %dma_start3A_26] : memref<10112x128xf32, #tpu.memory_space<vmem_shared>> -> memref<40x128xf32, #tpu.memory_space<vmem_shared>>
    tpu.enqueue_dma source(%arg12 : memref<40x128xf32, #tpu.memory_space<vmem>>) target(%dma_start3A_27 : memref<40x128xf32, #tpu.memory_space<vmem_shared>>) target_semaphore(%arg23 : memref<!tpu.dma_semaphore, #tpu.memory_space<semaphore_mem>>)
    %mul3A_28 = arith.constant 632 : i32
    %mul3A_29 = arith.muli %arg1, %mul3A_28 : i32
    %add3A_30 = arith.constant 80 : i32
    %add3A_31 = arith.addi %mul3A_29, %add3A_30 : i32
    %dma_start3A_32 = arith.constant 0 : i32
    %dma_start3A_33 = tpu.memref_slice %arg17[%add3A_31, %dma_start3A_32] : memref<10112x128xf32, #tpu.memory_space<vmem_shared>> -> memref<40x128xf32, #tpu.memory_space<vmem_shared>>
    %dma_start3A_34 = arith.constant 0 : i32
    %dma_start3A_35 = tpu.memref_slice %arg17[%add3A_31, %dma_start3A_34] : memref<10112x128xf32, #tpu.memory_space<vmem_shared>> -> memref<40x128xf32, #tpu.memory_space<vmem_shared>>
    tpu.enqueue_dma source(%arg12 : memref<40x128xf32, #tpu.memory_space<vmem>>) target(%dma_start3A_35 : memref<40x128xf32, #tpu.memory_space<vmem_shared>>) target_semaphore(%arg23 : memref<!tpu.dma_semaphore, #tpu.memory_space<semaphore_mem>>)
    %mul3A_36 = arith.constant 632 : i32
    %mul3A_37 = arith.muli %arg1, %mul3A_36 : i32
    %add3A_38 = arith.constant 120 : i32
    %add3A_39 = arith.addi %mul3A_37, %add3A_38 : i32
    %dma_start3A_40 = arith.constant 0 : i32
    %dma_start3A_41 = tpu.memref_slice %arg17[%add3A_39, %dma_start3A_40] : memref<10112x128xf32, #tpu.memory_space<vmem_shared>> -> memref<40x128xf32, #tpu.memory_space<vmem_shared>>
    %dma_start3A_42 = arith.constant 0 : i32
    %dma_start3A_43 = tpu.memref_slice %arg17[%add3A_39, %dma_start3A_42] : memref<10112x128xf32, #tpu.memory_space<vmem_shared>> -> memref<40x128xf32, #tpu.memory_space<vmem_shared>>
    tpu.enqueue_dma source(%arg12 : memref<40x128xf32, #tpu.memory_space<vmem>>) target(%dma_start3A_43 : memref<40x128xf32, #tpu.memory_space<vmem_shared>>) target_semaphore(%arg23 : memref<!tpu.dma_semaphore, #tpu.memory_space<semaphore_mem>>)
    %mul3A_44 = arith.constant 632 : i32
    %mul3A_45 = arith.muli %arg1, %mul3A_44 : i32
    %add3A_46 = arith.constant 160 : i32
    %add3A_47 = arith.addi %mul3A_45, %add3A_46 : i32
    %dma_start3A_48 = arith.constant 0 : i32
    %dma_start3A_49 = tpu.memref_slice %arg17[%add3A_47, %dma_start3A_48] : memref<10112x128xf32, #tpu.memory_space<vmem_shared>> -> memref<40x128xf32, #tpu.memory_space<vmem_shared>>
    %dma_start3A_50 = arith.constant 0 : i32
    %dma_start3A_51 = tpu.memref_slice %arg17[%add3A_47, %dma_start3A_50] : memref<10112x128xf32, #tpu.memory_space<vmem_shared>> -> memref<40x128xf32, #tpu.memory_space<vmem_shared>>
    tpu.enqueue_dma source(%arg12 : memref<40x128xf32, #tpu.memory_space<vmem>>) target(%dma_start3A_51 : memref<40x128xf32, #tpu.memory_space<vmem_shared>>) target_semaphore(%arg23 : memref<!tpu.dma_semaphore, #tpu.memory_space<semaphore_mem>>)
    %mul3A_52 = arith.constant 632 : i32
    %mul3A_53 = arith.muli %arg1, %mul3A_52 : i32
    %add3A_54 = arith.constant 200 : i32
    %add3A_55 = arith.addi %mul3A_53, %add3A_54 : i32
    %dma_start3A_56 = arith.constant 0 : i32
    %dma_start3A_57 = tpu.memref_slice %arg17[%add3A_55, %dma_start3A_56] : memref<10112x128xf32, #tpu.memory_space<vmem_shared>> -> memref<40x128xf32, #tpu.memory_space<vmem_shared>>
    %dma_start3A_58 = arith.constant 0 : i32
    %dma_start3A_59 = tpu.memref_slice %arg17[%add3A_55, %dma_start3A_58] : memref<10112x128xf32, #tpu.memory_space<vmem_shared>> -> memref<40x128xf32, #tpu.memory_space<vmem_shared>>
    tpu.enqueue_dma source(%arg12 : memref<40x128xf32, #tpu.memory_space<vmem>>) target(%dma_start3A_59 : memref<40x128xf32, #tpu.memory_space<vmem_shared>>) target_semaphore(%arg23 : memref<!tpu.dma_semaphore, #tpu.memory_space<semaphore_mem>>)
    %mul3A_60 = arith.constant 632 : i32
    %mul3A_61 = arith.muli %arg1, %mul3A_60 : i32
    %add3A_62 = arith.constant 240 : i32
    %add3A_63 = arith.addi %mul3A_61, %add3A_62 : i32
    %dma_start3A_64 = arith.constant 0 : i32
    %dma_start3A_65 = tpu.memref_slice %arg17[%add3A_63, %dma_start3A_64] : memref<10112x128xf32, #tpu.memory_space<vmem_shared>> -> memref<40x128xf32, #tpu.memory_space<vmem_shared>>
    %dma_start3A_66 = arith.constant 0 : i32
    %dma_start3A_67 = tpu.memref_slice %arg17[%add3A_63, %dma_start3A_66] : memref<10112x128xf32, #tpu.memory_space<vmem_shared>> -> memref<40x128xf32, #tpu.memory_space<vmem_shared>>
    tpu.enqueue_dma source(%arg12 : memref<40x128xf32, #tpu.memory_space<vmem>>) target(%dma_start3A_67 : memref<40x128xf32, #tpu.memory_space<vmem_shared>>) target_semaphore(%arg23 : memref<!tpu.dma_semaphore, #tpu.memory_space<semaphore_mem>>)
    %mul3A_68 = arith.constant 632 : i32
    %mul3A_69 = arith.muli %arg1, %mul3A_68 : i32
    %add3A_70 = arith.constant 280 : i32
    %add3A_71 = arith.addi %mul3A_69, %add3A_70 : i32
    %dma_start3A_72 = arith.constant 0 : i32
    %dma_start3A_73 = tpu.memref_slice %arg17[%add3A_71, %dma_start3A_72] : memref<10112x128xf32, #tpu.memory_space<vmem_shared>> -> memref<40x128xf32, #tpu.memory_space<vmem_shared>>
    %dma_start3A_74 = arith.constant 0 : i32
    %dma_start3A_75 = tpu.memref_slice %arg17[%add3A_71, %dma_start3A_74] : memref<10112x128xf32, #tpu.memory_space<vmem_shared>> -> memref<40x128xf32, #tpu.memory_space<vmem_shared>>
    tpu.enqueue_dma source(%arg12 : memref<40x128xf32, #tpu.memory_space<vmem>>) target(%dma_start3A_75 : memref<40x128xf32, #tpu.memory_space<vmem_shared>>) target_semaphore(%arg23 : memref<!tpu.dma_semaphore, #tpu.memory_space<semaphore_mem>>)
    %mul3A_76 = arith.constant 632 : i32
    %mul3A_77 = arith.muli %arg1, %mul3A_76 : i32
    %add3A_78 = arith.constant 320 : i32
    %add3A_79 = arith.addi %mul3A_77, %add3A_78 : i32
    %dma_start3A_80 = arith.constant 0 : i32
    %dma_start3A_81 = tpu.memref_slice %arg17[%add3A_79, %dma_start3A_80] : memref<10112x128xf32, #tpu.memory_space<vmem_shared>> -> memref<40x128xf32, #tpu.memory_space<vmem_shared>>
    %dma_start3A_82 = arith.constant 0 : i32
    %dma_start3A_83 = tpu.memref_slice %arg17[%add3A_79, %dma_start3A_82] : memref<10112x128xf32, #tpu.memory_space<vmem_shared>> -> memref<40x128xf32, #tpu.memory_space<vmem_shared>>
    tpu.enqueue_dma source(%arg12 : memref<40x128xf32, #tpu.memory_space<vmem>>) target(%dma_start3A_83 : memref<40x128xf32, #tpu.memory_space<vmem_shared>>) target_semaphore(%arg23 : memref<!tpu.dma_semaphore, #tpu.memory_space<semaphore_mem>>)
    %mul3A_84 = arith.constant 632 : i32
    %mul3A_85 = arith.muli %arg1, %mul3A_84 : i32
    %add3A_86 = arith.constant 360 : i32
    %add3A_87 = arith.addi %mul3A_85, %add3A_86 : i32
    %dma_start3A_88 = arith.constant 0 : i32
    %dma_start3A_89 = tpu.memref_slice %arg17[%add3A_87, %dma_start3A_88] : memref<10112x128xf32, #tpu.memory_space<vmem_shared>> -> memref<40x128xf32, #tpu.memory_space<vmem_shared>>
    %dma_start3A_90 = arith.constant 0 : i32
    %dma_start3A_91 = tpu.memref_slice %arg17[%add3A_87, %dma_start3A_90] : memref<10112x128xf32, #tpu.memory_space<vmem_shared>> -> memref<40x128xf32, #tpu.memory_space<vmem_shared>>
    tpu.enqueue_dma source(%arg12 : memref<40x128xf32, #tpu.memory_space<vmem>>) target(%dma_start3A_91 : memref<40x128xf32, #tpu.memory_space<vmem_shared>>) target_semaphore(%arg23 : memref<!tpu.dma_semaphore, #tpu.memory_space<semaphore_mem>>)
    %mul3A_92 = arith.constant 632 : i32
    %mul3A_93 = arith.muli %arg1, %mul3A_92 : i32
    %add3A_94 = arith.constant 400 : i32
    %add3A_95 = arith.addi %mul3A_93, %add3A_94 : i32
    %dma_start3A_96 = arith.constant 0 : i32
    %dma_start3A_97 = tpu.memref_slice %arg17[%add3A_95, %dma_start3A_96] : memref<10112x128xf32, #tpu.memory_space<vmem_shared>> -> memref<40x128xf32, #tpu.memory_space<vmem_shared>>
    %dma_start3A_98 = arith.constant 0 : i32
    %dma_start3A_99 = tpu.memref_slice %arg17[%add3A_95, %dma_start3A_98] : memref<10112x128xf32, #tpu.memory_space<vmem_shared>> -> memref<40x128xf32, #tpu.memory_space<vmem_shared>>
    tpu.enqueue_dma source(%arg12 : memref<40x128xf32, #tpu.memory_space<vmem>>) target(%dma_start3A_99 : memref<40x128xf32, #tpu.memory_space<vmem_shared>>) target_semaphore(%arg23 : memref<!tpu.dma_semaphore, #tpu.memory_space<semaphore_mem>>)
    %mul3A_100 = arith.constant 632 : i32
    %mul3A_101 = arith.muli %arg1, %mul3A_100 : i32
    %add3A_102 = arith.constant 440 : i32
    %add3A_103 = arith.addi %mul3A_101, %add3A_102 : i32
    %dma_start3A_104 = arith.constant 0 : i32
    %dma_start3A_105 = tpu.memref_slice %arg17[%add3A_103, %dma_start3A_104] : memref<10112x128xf32, #tpu.memory_space<vmem_shared>> -> memref<40x128xf32, #tpu.memory_space<vmem_shared>>
    %dma_start3A_106 = arith.constant 0 : i32
    %dma_start3A_107 = tpu.memref_slice %arg17[%add3A_103, %dma_start3A_106] : memref<10112x128xf32, #tpu.memory_space<vmem_shared>> -> memref<40x128xf32, #tpu.memory_space<vmem_shared>>
    tpu.enqueue_dma source(%arg12 : memref<40x128xf32, #tpu.memory_space<vmem>>) target(%dma_start3A_107 : memref<40x128xf32, #tpu.memory_space<vmem_shared>>) target_semaphore(%arg23 : memref<!tpu.dma_semaphore, #tpu.memory_space<semaphore_mem>>)
    %mul3A_108 = arith.constant 632 : i32
    %mul3A_109 = arith.muli %arg1, %mul3A_108 : i32
    %add3A_110 = arith.constant 480 : i32
    %add3A_111 = arith.addi %mul3A_109, %add3A_110 : i32
    %dma_start3A_112 = arith.constant 0 : i32
    %dma_start3A_113 = tpu.memref_slice %arg17[%add3A_111, %dma_start3A_112] : memref<10112x128xf32, #tpu.memory_space<vmem_shared>> -> memref<40x128xf32, #tpu.memory_space<vmem_shared>>
    %dma_start3A_114 = arith.constant 0 : i32
    %dma_start3A_115 = tpu.memref_slice %arg17[%add3A_111, %dma_start3A_114] : memref<10112x128xf32, #tpu.memory_space<vmem_shared>> -> memref<40x128xf32, #tpu.memory_space<vmem_shared>>
    tpu.enqueue_dma source(%arg12 : memref<40x128xf32, #tpu.memory_space<vmem>>) target(%dma_start3A_115 : memref<40x128xf32, #tpu.memory_space<vmem_shared>>) target_semaphore(%arg23 : memref<!tpu.dma_semaphore, #tpu.memory_space<semaphore_mem>>)
    %mul3A_116 = arith.constant 632 : i32
    %mul3A_117 = arith.muli %arg1, %mul3A_116 : i32
    %add3A_118 = arith.constant 520 : i32
    %add3A_119 = arith.addi %mul3A_117, %add3A_118 : i32
    %dma_start3A_120 = arith.constant 0 : i32
    %dma_start3A_121 = tpu.memref_slice %arg17[%add3A_119, %dma_start3A_120] : memref<10112x128xf32, #tpu.memory_space<vmem_shared>> -> memref<40x128xf32, #tpu.memory_space<vmem_shared>>
    %dma_start3A_122 = arith.constant 0 : i32
    %dma_start3A_123 = tpu.memref_slice %arg17[%add3A_119, %dma_start3A_122] : memref<10112x128xf32, #tpu.memory_space<vmem_shared>> -> memref<40x128xf32, #tpu.memory_space<vmem_shared>>
    tpu.enqueue_dma source(%arg12 : memref<40x128xf32, #tpu.memory_space<vmem>>) target(%dma_start3A_123 : memref<40x128xf32, #tpu.memory_space<vmem_shared>>) target_semaphore(%arg23 : memref<!tpu.dma_semaphore, #tpu.memory_space<semaphore_mem>>)
    %mul3A_124 = arith.constant 632 : i32
    %mul3A_125 = arith.muli %arg1, %mul3A_124 : i32
    %add3A_126 = arith.constant 560 : i32
    %add3A_127 = arith.addi %mul3A_125, %add3A_126 : i32
    %dma_start3A_128 = arith.constant 0 : i32
    %dma_start3A_129 = tpu.memref_slice %arg17[%add3A_127, %dma_start3A_128] : memref<10112x128xf32, #tpu.memory_space<vmem_shared>> -> memref<40x128xf32, #tpu.memory_space<vmem_shared>>
    %dma_start3A_130 = arith.constant 0 : i32
    %dma_start3A_131 = tpu.memref_slice %arg17[%add3A_127, %dma_start3A_130] : memref<10112x128xf32, #tpu.memory_space<vmem_shared>> -> memref<40x128xf32, #tpu.memory_space<vmem_shared>>
    tpu.enqueue_dma source(%arg12 : memref<40x128xf32, #tpu.memory_space<vmem>>) target(%dma_start3A_131 : memref<40x128xf32, #tpu.memory_space<vmem_shared>>) target_semaphore(%arg23 : memref<!tpu.dma_semaphore, #tpu.memory_space<semaphore_mem>>)
    %mul3A_132 = arith.constant 632 : i32
    %mul3A_133 = arith.muli %arg1, %mul3A_132 : i32
    %add3A_134 = arith.constant 600 : i32
    %add3A_135 = arith.addi %mul3A_133, %add3A_134 : i32
    %dma_start3A_136 = arith.constant 0 : i32
    %dma_start3A_137 = arith.constant 0 : i32
    %dma_start3A_138 = tpu.memref_slice %arg12[%dma_start3A_136, %dma_start3A_137] : memref<40x128xf32, #tpu.memory_space<vmem>> -> memref<32x128xf32, #tpu.memory_space<vmem>>
    %dma_start3A_139 = arith.constant 0 : i32
    %dma_start3A_140 = tpu.memref_slice %arg17[%add3A_135, %dma_start3A_139] : memref<10112x128xf32, #tpu.memory_space<vmem_shared>> -> memref<32x128xf32, #tpu.memory_space<vmem_shared>>
    %dma_start3A_141 = arith.constant 0 : i32
    %dma_start3A_142 = tpu.memref_slice %arg17[%add3A_135, %dma_start3A_141] : memref<10112x128xf32, #tpu.memory_space<vmem_shared>> -> memref<32x128xf32, #tpu.memory_space<vmem_shared>>
    %dma_start3A_143 = arith.constant 0 : i32
    %dma_start3A_144 = arith.constant 0 : i32
    %dma_start3A_145 = tpu.memref_slice %arg12[%dma_start3A_143, %dma_start3A_144] : memref<40x128xf32, #tpu.memory_space<vmem>> -> memref<32x128xf32, #tpu.memory_space<vmem>>
    tpu.enqueue_dma source(%dma_start3A_145 : memref<32x128xf32, #tpu.memory_space<vmem>>) target(%dma_start3A_142 : memref<32x128xf32, #tpu.memory_space<vmem_shared>>) target_semaphore(%arg24 : memref<!tpu.dma_semaphore, #tpu.memory_space<semaphore_mem>>)
    %dma_wait3A = arith.constant 0 : i32
    %dma_wait3A_146 = arith.constant 0 : i32
    %dma_wait3A_147 = tpu.memref_slice %arg17[%dma_wait3A, %dma_wait3A_146] : memref<10112x128xf32, #tpu.memory_space<vmem_shared>> -> memref<40x128xf32, #tpu.memory_space<vmem_shared>>
    %dma_wait3A_148 = arith.constant 0 : i32
    %dma_wait3A_149 = arith.constant 0 : i32
    %dma_wait3A_150 = tpu.memref_slice %arg17[%dma_wait3A_148, %dma_wait3A_149] : memref<10112x128xf32, #tpu.memory_space<vmem_shared>> -> memref<40x128xf32, #tpu.memory_space<vmem_shared>>
    tpu.wait_dma2 semaphore(%arg23 : memref<!tpu.dma_semaphore, #tpu.memory_space<semaphore_mem>>) src(%arg12 : memref<40x128xf32, #tpu.memory_space<vmem>>) dst(%dma_wait3A_150 : memref<40x128xf32, #tpu.memory_space<vmem_shared>>)
    %dma_wait3A_151 = arith.constant 0 : i32
    %dma_wait3A_152 = arith.constant 0 : i32
    %dma_wait3A_153 = tpu.memref_slice %arg17[%dma_wait3A_151, %dma_wait3A_152] : memref<10112x128xf32, #tpu.memory_space<vmem_shared>> -> memref<40x128xf32, #tpu.memory_space<vmem_shared>>
    %dma_wait3A_154 = arith.constant 0 : i32
    %dma_wait3A_155 = arith.constant 0 : i32
    %dma_wait3A_156 = tpu.memref_slice %arg17[%dma_wait3A_154, %dma_wait3A_155] : memref<10112x128xf32, #tpu.memory_space<vmem_shared>> -> memref<40x128xf32, #tpu.memory_space<vmem_shared>>
    tpu.wait_dma2 semaphore(%arg23 : memref<!tpu.dma_semaphore, #tpu.memory_space<semaphore_mem>>) src(%arg12 : memref<40x128xf32, #tpu.memory_space<vmem>>) dst(%dma_wait3A_156 : memref<40x128xf32, #tpu.memory_space<vmem_shared>>)
    %dma_wait3A_157 = arith.constant 0 : i32
    %dma_wait3A_158 = arith.constant 0 : i32
    %dma_wait3A_159 = tpu.memref_slice %arg17[%dma_wait3A_157, %dma_wait3A_158] : memref<10112x128xf32, #tpu.memory_space<vmem_shared>> -> memref<40x128xf32, #tpu.memory_space<vmem_shared>>
    %dma_wait3A_160 = arith.constant 0 : i32
    %dma_wait3A_161 = arith.constant 0 : i32
    %dma_wait3A_162 = tpu.memref_slice %arg17[%dma_wait3A_160, %dma_wait3A_161] : memref<10112x128xf32, #tpu.memory_space<vmem_shared>> -> memref<40x128xf32, #tpu.memory_space<vmem_shared>>
    tpu.wait_dma2 semaphore(%arg23 : memref<!tpu.dma_semaphore, #tpu.memory_space<semaphore_mem>>) src(%arg12 : memref<40x128xf32, #tpu.memory_space<vmem>>) dst(%dma_wait3A_162 : memref<40x128xf32, #tpu.memory_space<vmem_shared>>)
    %dma_wait3A_163 = arith.constant 0 : i32
    %dma_wait3A_164 = arith.constant 0 : i32
    %dma_wait3A_165 = tpu.memref_slice %arg17[%dma_wait3A_163, %dma_wait3A_164] : memref<10112x128xf32, #tpu.memory_space<vmem_shared>> -> memref<40x128xf32, #tpu.memory_space<vmem_shared>>
    %dma_wait3A_166 = arith.constant 0 : i32
    %dma_wait3A_167 = arith.constant 0 : i32
    %dma_wait3A_168 = tpu.memref_slice %arg17[%dma_wait3A_166, %dma_wait3A_167] : memref<10112x128xf32, #tpu.memory_space<vmem_shared>> -> memref<40x128xf32, #tpu.memory_space<vmem_shared>>
    tpu.wait_dma2 semaphore(%arg23 : memref<!tpu.dma_semaphore, #tpu.memory_space<semaphore_mem>>) src(%arg12 : memref<40x128xf32, #tpu.memory_space<vmem>>) dst(%dma_wait3A_168 : memref<40x128xf32, #tpu.memory_space<vmem_shared>>)
    %dma_wait3A_169 = arith.constant 0 : i32
    %dma_wait3A_170 = arith.constant 0 : i32
    %dma_wait3A_171 = tpu.memref_slice %arg17[%dma_wait3A_169, %dma_wait3A_170] : memref<10112x128xf32, #tpu.memory_space<vmem_shared>> -> memref<40x128xf32, #tpu.memory_space<vmem_shared>>
    %dma_wait3A_172 = arith.constant 0 : i32
    %dma_wait3A_173 = arith.constant 0 : i32
    %dma_wait3A_174 = tpu.memref_slice %arg17[%dma_wait3A_172, %dma_wait3A_173] : memref<10112x128xf32, #tpu.memory_space<vmem_shared>> -> memref<40x128xf32, #tpu.memory_space<vmem_shared>>
    tpu.wait_dma2 semaphore(%arg23 : memref<!tpu.dma_semaphore, #tpu.memory_space<semaphore_mem>>) src(%arg12 : memref<40x128xf32, #tpu.memory_space<vmem>>) dst(%dma_wait3A_174 : memref<40x128xf32, #tpu.memory_space<vmem_shared>>)
    %dma_wait3A_175 = arith.constant 0 : i32
    %dma_wait3A_176 = arith.constant 0 : i32
    %dma_wait3A_177 = tpu.memref_slice %arg17[%dma_wait3A_175, %dma_wait3A_176] : memref<10112x128xf32, #tpu.memory_space<vmem_shared>> -> memref<40x128xf32, #tpu.memory_space<vmem_shared>>
    %dma_wait3A_178 = arith.constant 0 : i32
    %dma_wait3A_179 = arith.constant 0 : i32
    %dma_wait3A_180 = tpu.memref_slice %arg17[%dma_wait3A_178, %dma_wait3A_179] : memref<10112x128xf32, #tpu.memory_space<vmem_shared>> -> memref<40x128xf32, #tpu.memory_space<vmem_shared>>
    tpu.wait_dma2 semaphore(%arg23 : memref<!tpu.dma_semaphore, #tpu.memory_space<semaphore_mem>>) src(%arg12 : memref<40x128xf32, #tpu.memory_space<vmem>>) dst(%dma_wait3A_180 : memref<40x128xf32, #tpu.memory_space<vmem_shared>>)
    %dma_wait3A_181 = arith.constant 0 : i32
    %dma_wait3A_182 = arith.constant 0 : i32
    %dma_wait3A_183 = tpu.memref_slice %arg17[%dma_wait3A_181, %dma_wait3A_182] : memref<10112x128xf32, #tpu.memory_space<vmem_shared>> -> memref<40x128xf32, #tpu.memory_space<vmem_shared>>
    %dma_wait3A_184 = arith.constant 0 : i32
    %dma_wait3A_185 = arith.constant 0 : i32
    %dma_wait3A_186 = tpu.memref_slice %arg17[%dma_wait3A_184, %dma_wait3A_185] : memref<10112x128xf32, #tpu.memory_space<vmem_shared>> -> memref<40x128xf32, #tpu.memory_space<vmem_shared>>
    tpu.wait_dma2 semaphore(%arg23 : memref<!tpu.dma_semaphore, #tpu.memory_space<semaphore_mem>>) src(%arg12 : memref<40x128xf32, #tpu.memory_space<vmem>>) dst(%dma_wait3A_186 : memref<40x128xf32, #tpu.memory_space<vmem_shared>>)
    %dma_wait3A_187 = arith.constant 0 : i32
    %dma_wait3A_188 = arith.constant 0 : i32
    %dma_wait3A_189 = tpu.memref_slice %arg17[%dma_wait3A_187, %dma_wait3A_188] : memref<10112x128xf32, #tpu.memory_space<vmem_shared>> -> memref<40x128xf32, #tpu.memory_space<vmem_shared>>
    %dma_wait3A_190 = arith.constant 0 : i32
    %dma_wait3A_191 = arith.constant 0 : i32
    %dma_wait3A_192 = tpu.memref_slice %arg17[%dma_wait3A_190, %dma_wait3A_191] : memref<10112x128xf32, #tpu.memory_space<vmem_shared>> -> memref<40x128xf32, #tpu.memory_space<vmem_shared>>
    tpu.wait_dma2 semaphore(%arg23 : memref<!tpu.dma_semaphore, #tpu.memory_space<semaphore_mem>>) src(%arg12 : memref<40x128xf32, #tpu.memory_space<vmem>>) dst(%dma_wait3A_192 : memref<40x128xf32, #tpu.memory_space<vmem_shared>>)
    %dma_wait3A_193 = arith.constant 0 : i32
    %dma_wait3A_194 = arith.constant 0 : i32
    %dma_wait3A_195 = tpu.memref_slice %arg17[%dma_wait3A_193, %dma_wait3A_194] : memref<10112x128xf32, #tpu.memory_space<vmem_shared>> -> memref<40x128xf32, #tpu.memory_space<vmem_shared>>
    %dma_wait3A_196 = arith.constant 0 : i32
    %dma_wait3A_197 = arith.constant 0 : i32
    %dma_wait3A_198 = tpu.memref_slice %arg17[%dma_wait3A_196, %dma_wait3A_197] : memref<10112x128xf32, #tpu.memory_space<vmem_shared>> -> memref<40x128xf32, #tpu.memory_space<vmem_shared>>
    tpu.wait_dma2 semaphore(%arg23 : memref<!tpu.dma_semaphore, #tpu.memory_space<semaphore_mem>>) src(%arg12 : memref<40x128xf32, #tpu.memory_space<vmem>>) dst(%dma_wait3A_198 : memref<40x128xf32, #tpu.memory_space<vmem_shared>>)
    %dma_wait3A_199 = arith.constant 0 : i32
    %dma_wait3A_200 = arith.constant 0 : i32
    %dma_wait3A_201 = tpu.memref_slice %arg17[%dma_wait3A_199, %dma_wait3A_200] : memref<10112x128xf32, #tpu.memory_space<vmem_shared>> -> memref<40x128xf32, #tpu.memory_space<vmem_shared>>
    %dma_wait3A_202 = arith.constant 0 : i32
    %dma_wait3A_203 = arith.constant 0 : i32
    %dma_wait3A_204 = tpu.memref_slice %arg17[%dma_wait3A_202, %dma_wait3A_203] : memref<10112x128xf32, #tpu.memory_space<vmem_shared>> -> memref<40x128xf32, #tpu.memory_space<vmem_shared>>
    tpu.wait_dma2 semaphore(%arg23 : memref<!tpu.dma_semaphore, #tpu.memory_space<semaphore_mem>>) src(%arg12 : memref<40x128xf32, #tpu.memory_space<vmem>>) dst(%dma_wait3A_204 : memref<40x128xf32, #tpu.memory_space<vmem_shared>>)
    %dma_wait3A_205 = arith.constant 0 : i32
    %dma_wait3A_206 = arith.constant 0 : i32
    %dma_wait3A_207 = tpu.memref_slice %arg17[%dma_wait3A_205, %dma_wait3A_206] : memref<10112x128xf32, #tpu.memory_space<vmem_shared>> -> memref<40x128xf32, #tpu.memory_space<vmem_shared>>
    %dma_wait3A_208 = arith.constant 0 : i32
    %dma_wait3A_209 = arith.constant 0 : i32
    %dma_wait3A_210 = tpu.memref_slice %arg17[%dma_wait3A_208, %dma_wait3A_209] : memref<10112x128xf32, #tpu.memory_space<vmem_shared>> -> memref<40x128xf32, #tpu.memory_space<vmem_shared>>
    tpu.wait_dma2 semaphore(%arg23 : memref<!tpu.dma_semaphore, #tpu.memory_space<semaphore_mem>>) src(%arg12 : memref<40x128xf32, #tpu.memory_space<vmem>>) dst(%dma_wait3A_210 : memref<40x128xf32, #tpu.memory_space<vmem_shared>>)
    %dma_wait3A_211 = arith.constant 0 : i32
    %dma_wait3A_212 = arith.constant 0 : i32
    %dma_wait3A_213 = tpu.memref_slice %arg17[%dma_wait3A_211, %dma_wait3A_212] : memref<10112x128xf32, #tpu.memory_space<vmem_shared>> -> memref<40x128xf32, #tpu.memory_space<vmem_shared>>
    %dma_wait3A_214 = arith.constant 0 : i32
    %dma_wait3A_215 = arith.constant 0 : i32
    %dma_wait3A_216 = tpu.memref_slice %arg17[%dma_wait3A_214, %dma_wait3A_215] : memref<10112x128xf32, #tpu.memory_space<vmem_shared>> -> memref<40x128xf32, #tpu.memory_space<vmem_shared>>
    tpu.wait_dma2 semaphore(%arg23 : memref<!tpu.dma_semaphore, #tpu.memory_space<semaphore_mem>>) src(%arg12 : memref<40x128xf32, #tpu.memory_space<vmem>>) dst(%dma_wait3A_216 : memref<40x128xf32, #tpu.memory_space<vmem_shared>>)
    %dma_wait3A_217 = arith.constant 0 : i32
    %dma_wait3A_218 = arith.constant 0 : i32
    %dma_wait3A_219 = tpu.memref_slice %arg17[%dma_wait3A_217, %dma_wait3A_218] : memref<10112x128xf32, #tpu.memory_space<vmem_shared>> -> memref<40x128xf32, #tpu.memory_space<vmem_shared>>
    %dma_wait3A_220 = arith.constant 0 : i32
    %dma_wait3A_221 = arith.constant 0 : i32
    %dma_wait3A_222 = tpu.memref_slice %arg17[%dma_wait3A_220, %dma_wait3A_221] : memref<10112x128xf32, #tpu.memory_space<vmem_shared>> -> memref<40x128xf32, #tpu.memory_space<vmem_shared>>
    tpu.wait_dma2 semaphore(%arg23 : memref<!tpu.dma_semaphore, #tpu.memory_space<semaphore_mem>>) src(%arg12 : memref<40x128xf32, #tpu.memory_space<vmem>>) dst(%dma_wait3A_222 : memref<40x128xf32, #tpu.memory_space<vmem_shared>>)
    %dma_wait3A_223 = arith.constant 0 : i32
    %dma_wait3A_224 = arith.constant 0 : i32
    %dma_wait3A_225 = tpu.memref_slice %arg17[%dma_wait3A_223, %dma_wait3A_224] : memref<10112x128xf32, #tpu.memory_space<vmem_shared>> -> memref<40x128xf32, #tpu.memory_space<vmem_shared>>
    %dma_wait3A_226 = arith.constant 0 : i32
    %dma_wait3A_227 = arith.constant 0 : i32
    %dma_wait3A_228 = tpu.memref_slice %arg17[%dma_wait3A_226, %dma_wait3A_227] : memref<10112x128xf32, #tpu.memory_space<vmem_shared>> -> memref<40x128xf32, #tpu.memory_space<vmem_shared>>
    tpu.wait_dma2 semaphore(%arg23 : memref<!tpu.dma_semaphore, #tpu.memory_space<semaphore_mem>>) src(%arg12 : memref<40x128xf32, #tpu.memory_space<vmem>>) dst(%dma_wait3A_228 : memref<40x128xf32, #tpu.memory_space<vmem_shared>>)
    %dma_wait3A_229 = arith.constant 0 : i32
    %dma_wait3A_230 = arith.constant 0 : i32
    %dma_wait3A_231 = tpu.memref_slice %arg17[%dma_wait3A_229, %dma_wait3A_230] : memref<10112x128xf32, #tpu.memory_space<vmem_shared>> -> memref<40x128xf32, #tpu.memory_space<vmem_shared>>
    %dma_wait3A_232 = arith.constant 0 : i32
    %dma_wait3A_233 = arith.constant 0 : i32
    %dma_wait3A_234 = tpu.memref_slice %arg17[%dma_wait3A_232, %dma_wait3A_233] : memref<10112x128xf32, #tpu.memory_space<vmem_shared>> -> memref<40x128xf32, #tpu.memory_space<vmem_shared>>
    tpu.wait_dma2 semaphore(%arg23 : memref<!tpu.dma_semaphore, #tpu.memory_space<semaphore_mem>>) src(%arg12 : memref<40x128xf32, #tpu.memory_space<vmem>>) dst(%dma_wait3A_234 : memref<40x128xf32, #tpu.memory_space<vmem_shared>>)
    %dma_wait3A_235 = arith.constant 0 : i32
    %dma_wait3A_236 = arith.constant 0 : i32
    %dma_wait3A_237 = tpu.memref_slice %arg12[%dma_wait3A_235, %dma_wait3A_236] : memref<40x128xf32, #tpu.memory_space<vmem>> -> memref<32x128xf32, #tpu.memory_space<vmem>>
    %dma_wait3A_238 = arith.constant 0 : i32
    %dma_wait3A_239 = arith.constant 0 : i32
    %dma_wait3A_240 = tpu.memref_slice %arg17[%dma_wait3A_238, %dma_wait3A_239] : memref<10112x128xf32, #tpu.memory_space<vmem_shared>> -> memref<32x128xf32, #tpu.memory_space<vmem_shared>>
    %dma_wait3A_241 = arith.constant 0 : i32
    %dma_wait3A_242 = arith.constant 0 : i32
    %dma_wait3A_243 = tpu.memref_slice %arg17[%dma_wait3A_241, %dma_wait3A_242] : memref<10112x128xf32, #tpu.memory_space<vmem_shared>> -> memref<32x128xf32, #tpu.memory_space<vmem_shared>>
    %dma_wait3A_244 = arith.constant 0 : i32
    %dma_wait3A_245 = arith.constant 0 : i32
    %dma_wait3A_246 = tpu.memref_slice %arg12[%dma_wait3A_244, %dma_wait3A_245] : memref<40x128xf32, #tpu.memory_space<vmem>> -> memref<32x128xf32, #tpu.memory_space<vmem>>
    tpu.wait_dma2 semaphore(%arg24 : memref<!tpu.dma_semaphore, #tpu.memory_space<semaphore_mem>>) src(%dma_wait3A_246 : memref<32x128xf32, #tpu.memory_space<vmem>>) dst(%dma_wait3A_243 : memref<32x128xf32, #tpu.memory_space<vmem_shared>>)
    %dma_wait3A_247 = arith.constant 0 : i32
    %dma_wait3A_248 = tpu.memref_slice %arg3[%add3A, %dma_wait3A_247] : memref<8000x40xi32, #tpu.memory_space<hbm>> -> memref<250x40xi32, #tpu.memory_space<hbm>>
    %dma_wait3A_249 = arith.constant 0 : i32
    %dma_wait3A_250 = tpu.memref_slice %arg3[%add3A, %dma_wait3A_249] : memref<8000x40xi32, #tpu.memory_space<hbm>> -> memref<250x40xi32, #tpu.memory_space<hbm>>
    tpu.wait_dma2 semaphore(%arg18 : memref<!tpu.dma_semaphore, #tpu.memory_space<semaphore_mem>>) src(%dma_wait3A_250 : memref<250x40xi32, #tpu.memory_space<hbm>>) dst(%arg6 : memref<250x40xi32, #tpu.memory_space<vmem>>)
    %barrier3A = arith.constant 0 : index
    tpu.barrier barrier_id(%barrier3A)
    %add3A_251 = arith.constant 0 : i32
    %add3A_252 = arith.addi %add3A, %add3A_251 : i32
    %dma_start3A_253 = arith.constant 0 : i32
    %dma_start3A_254 = tpu.memref_slice %arg4[%add3A_252, %dma_start3A_253] : memref<8000x40xi32, #tpu.memory_space<hbm>> -> memref<1x40xi32, #tpu.memory_space<hbm>>
    %dma_start3A_255 = tpu.memref_squeeze %dma_start3A_254 : memref<1x40xi32, #tpu.memory_space<hbm>> -> memref<40xi32, #tpu.memory_space<hbm>>
    %dma_start3A_256 = arith.constant 0 : i32
    %dma_start3A_257 = tpu.memref_slice %arg4[%add3A_252, %dma_start3A_256] : memref<8000x40xi32, #tpu.memory_space<hbm>> -> memref<1x40xi32, #tpu.memory_space<hbm>>
    %dma_start3A_258 = tpu.memref_squeeze %dma_start3A_257 : memref<1x40xi32, #tpu.memory_space<hbm>> -> memref<40xi32, #tpu.memory_space<hbm>>
    tpu.enqueue_dma source(%dma_start3A_258 : memref<40xi32, #tpu.memory_space<hbm>>) target(%arg7 : memref<40xi32, #tpu.memory_space<vmem>>) target_semaphore(%arg28 : memref<!tpu.dma_semaphore, #tpu.memory_space<semaphore_mem>>)
    %dma_start3A_259 = arith.constant 0 : i32
    %dma_start3A_260 = arith.constant 0 : i32
    %dma_start3A_261 = tpu.memref_slice %arg6[%dma_start3A_259, %dma_start3A_260] : memref<250x40xi32, #tpu.memory_space<vmem>> -> memref<1x40xi32, #tpu.memory_space<vmem>>
    %dma_start3A_262 = tpu.memref_squeeze %dma_start3A_261 : memref<1x40xi32, #tpu.memory_space<vmem>> -> memref<40xi32, #tpu.memory_space<vmem>>
    %dma_start3A_263 = arith.constant 0 : i32
    %dma_start3A_264 = arith.constant 0 : i32
    %dma_start3A_265 = tpu.memref_slice %arg2[%dma_start3A_263, %dma_start3A_264] : memref<10000x128xf32, #tpu.memory_space<hbm>> -> memref<10000x128xf32, #tpu.memory_space<hbm>>
    tpu.enqueue_indirect_dma source(%dma_start3A_265 : memref<10000x128xf32, #tpu.memory_space<hbm>>) target(%arg12 : memref<40x128xf32, #tpu.memory_space<vmem>>) offsets(%dma_start3A_262 : memref<40xi32, #tpu.memory_space<vmem>>) semaphore(%arg18 : memref<!tpu.dma_semaphore, #tpu.memory_space<semaphore_mem>>)
    %add3A_266 = arith.constant 1 : i32
    %add3A_267 = arith.addi %add3A, %add3A_266 : i32
    %dma_start3A_268 = arith.constant 0 : i32
    %dma_start3A_269 = tpu.memref_slice %arg4[%add3A_267, %dma_start3A_268] : memref<8000x40xi32, #tpu.memory_space<hbm>> -> memref<1x40xi32, #tpu.memory_space<hbm>>
    %dma_start3A_270 = tpu.memref_squeeze %dma_start3A_269 : memref<1x40xi32, #tpu.memory_space<hbm>> -> memref<40xi32, #tpu.memory_space<hbm>>
    %dma_start3A_271 = arith.constant 0 : i32
    %dma_start3A_272 = tpu.memref_slice %arg4[%add3A_267, %dma_start3A_271] : memref<8000x40xi32, #tpu.memory_space<hbm>> -> memref<1x40xi32, #tpu.memory_space<hbm>>
    %dma_start3A_273 = tpu.memref_squeeze %dma_start3A_272 : memref<1x40xi32, #tpu.memory_space<hbm>> -> memref<40xi32, #tpu.memory_space<hbm>>
    tpu.enqueue_dma source(%dma_start3A_273 : memref<40xi32, #tpu.memory_space<hbm>>) target(%arg8 : memref<40xi32, #tpu.memory_space<vmem>>) target_semaphore(%arg29 : memref<!tpu.dma_semaphore, #tpu.memory_space<semaphore_mem>>)
    %dma_start3A_274 = arith.constant 1 : i32
    %dma_start3A_275 = arith.constant 0 : i32
    %dma_start3A_276 = tpu.memref_slice %arg6[%dma_start3A_274, %dma_start3A_275] : memref<250x40xi32, #tpu.memory_space<vmem>> -> memref<1x40xi32, #tpu.memory_space<vmem>>
    %dma_start3A_277 = tpu.memref_squeeze %dma_start3A_276 : memref<1x40xi32, #tpu.memory_space<vmem>> -> memref<40xi32, #tpu.memory_space<vmem>>
    %dma_start3A_278 = arith.constant 0 : i32
    %dma_start3A_279 = arith.constant 0 : i32
    %dma_start3A_280 = tpu.memref_slice %arg2[%dma_start3A_278, %dma_start3A_279] : memref<10000x128xf32, #tpu.memory_space<hbm>> -> memref<10000x128xf32, #tpu.memory_space<hbm>>
    tpu.enqueue_indirect_dma source(%dma_start3A_280 : memref<10000x128xf32, #tpu.memory_space<hbm>>) target(%arg13 : memref<40x128xf32, #tpu.memory_space<vmem>>) offsets(%dma_start3A_277 : memref<40xi32, #tpu.memory_space<vmem>>) semaphore(%arg19 : memref<!tpu.dma_semaphore, #tpu.memory_space<semaphore_mem>>)
    %add3A_281 = arith.constant 2 : i32
    %add3A_282 = arith.addi %add3A, %add3A_281 : i32
    %dma_start3A_283 = arith.constant 0 : i32
    %dma_start3A_284 = tpu.memref_slice %arg4[%add3A_282, %dma_start3A_283] : memref<8000x40xi32, #tpu.memory_space<hbm>> -> memref<1x40xi32, #tpu.memory_space<hbm>>
    %dma_start3A_285 = tpu.memref_squeeze %dma_start3A_284 : memref<1x40xi32, #tpu.memory_space<hbm>> -> memref<40xi32, #tpu.memory_space<hbm>>
    %dma_start3A_286 = arith.constant 0 : i32
    %dma_start3A_287 = tpu.memref_slice %arg4[%add3A_282, %dma_start3A_286] : memref<8000x40xi32, #tpu.memory_space<hbm>> -> memref<1x40xi32, #tpu.memory_space<hbm>>
    %dma_start3A_288 = tpu.memref_squeeze %dma_start3A_287 : memref<1x40xi32, #tpu.memory_space<hbm>> -> memref<40xi32, #tpu.memory_space<hbm>>
    tpu.enqueue_dma source(%dma_start3A_288 : memref<40xi32, #tpu.memory_space<hbm>>) target(%arg9 : memref<40xi32, #tpu.memory_space<vmem>>) target_semaphore(%arg30 : memref<!tpu.dma_semaphore, #tpu.memory_space<semaphore_mem>>)
    %dma_start3A_289 = arith.constant 2 : i32
    %dma_start3A_290 = arith.constant 0 : i32
    %dma_start3A_291 = tpu.memref_slice %arg6[%dma_start3A_289, %dma_start3A_290] : memref<250x40xi32, #tpu.memory_space<vmem>> -> memref<1x40xi32, #tpu.memory_space<vmem>>
    %dma_start3A_292 = tpu.memref_squeeze %dma_start3A_291 : memref<1x40xi32, #tpu.memory_space<vmem>> -> memref<40xi32, #tpu.memory_space<vmem>>
    %dma_start3A_293 = arith.constant 0 : i32
    %dma_start3A_294 = arith.constant 0 : i32
    %dma_start3A_295 = tpu.memref_slice %arg2[%dma_start3A_293, %dma_start3A_294] : memref<10000x128xf32, #tpu.memory_space<hbm>> -> memref<10000x128xf32, #tpu.memory_space<hbm>>
    tpu.enqueue_indirect_dma source(%dma_start3A_295 : memref<10000x128xf32, #tpu.memory_space<hbm>>) target(%arg14 : memref<40x128xf32, #tpu.memory_space<vmem>>) offsets(%dma_start3A_292 : memref<40xi32, #tpu.memory_space<vmem>>) semaphore(%arg20 : memref<!tpu.dma_semaphore, #tpu.memory_space<semaphore_mem>>)
    %add3A_296 = arith.constant 3 : i32
    %add3A_297 = arith.addi %add3A, %add3A_296 : i32
    %dma_start3A_298 = arith.constant 0 : i32
    %dma_start3A_299 = tpu.memref_slice %arg4[%add3A_297, %dma_start3A_298] : memref<8000x40xi32, #tpu.memory_space<hbm>> -> memref<1x40xi32, #tpu.memory_space<hbm>>
    %dma_start3A_300 = tpu.memref_squeeze %dma_start3A_299 : memref<1x40xi32, #tpu.memory_space<hbm>> -> memref<40xi32, #tpu.memory_space<hbm>>
    %dma_start3A_301 = arith.constant 0 : i32
    %dma_start3A_302 = tpu.memref_slice %arg4[%add3A_297, %dma_start3A_301] : memref<8000x40xi32, #tpu.memory_space<hbm>> -> memref<1x40xi32, #tpu.memory_space<hbm>>
    %dma_start3A_303 = tpu.memref_squeeze %dma_start3A_302 : memref<1x40xi32, #tpu.memory_space<hbm>> -> memref<40xi32, #tpu.memory_space<hbm>>
    tpu.enqueue_dma source(%dma_start3A_303 : memref<40xi32, #tpu.memory_space<hbm>>) target(%arg10 : memref<40xi32, #tpu.memory_space<vmem>>) target_semaphore(%arg31 : memref<!tpu.dma_semaphore, #tpu.memory_space<semaphore_mem>>)
    %dma_start3A_304 = arith.constant 3 : i32
    %dma_start3A_305 = arith.constant 0 : i32
    %dma_start3A_306 = tpu.memref_slice %arg6[%dma_start3A_304, %dma_start3A_305] : memref<250x40xi32, #tpu.memory_space<vmem>> -> memref<1x40xi32, #tpu.memory_space<vmem>>
    %dma_start3A_307 = tpu.memref_squeeze %dma_start3A_306 : memref<1x40xi32, #tpu.memory_space<vmem>> -> memref<40xi32, #tpu.memory_space<vmem>>
    %dma_start3A_308 = arith.constant 0 : i32
    %dma_start3A_309 = arith.constant 0 : i32
    %dma_start3A_310 = tpu.memref_slice %arg2[%dma_start3A_308, %dma_start3A_309] : memref<10000x128xf32, #tpu.memory_space<hbm>> -> memref<10000x128xf32, #tpu.memory_space<hbm>>
    tpu.enqueue_indirect_dma source(%dma_start3A_310 : memref<10000x128xf32, #tpu.memory_space<hbm>>) target(%arg15 : memref<40x128xf32, #tpu.memory_space<vmem>>) offsets(%dma_start3A_307 : memref<40xi32, #tpu.memory_space<vmem>>) semaphore(%arg21 : memref<!tpu.dma_semaphore, #tpu.memory_space<semaphore_mem>>)
    %scan3A_311 = arith.constant 0 : i32
    %scan3A_312 = arith.constant 0 : i32
    %scan3A_313 = arith.constant 250 : i32
    %scan3A_314 = arith.addi %scan3A_312, %scan3A_313 : i32
    %scan3A_315 = arith.constant 1 : i32
    %scan3A_316 = scf.for %scan3A_326 = %scan3A_312 to %scan3A_314 step %scan3A_315 iter_args(%scan3A_327 = %scan3A_311) -> (i32)  : i32 {
      %jit3A = arith.constant 5 : i32
      %eq3A = arith.constant 0 : i32
      %eq3A_328 = arith.cmpi eq, %jit3A, %eq3A : i32
      %jit3A_329 = arith.constant 1 : i32
      %select_n3A = arith.select %eq3A_328, %jit3A_329, %jit3A : i32
      %rem3A = arith.remsi %scan3A_326, %select_n3A : i32
      %ne3A = arith.constant 0 : i32
      %ne3A_330 = arith.cmpi ne, %rem3A, %ne3A : i32
      %lt3A = arith.constant 0 : i32
      %lt3A_331 = arith.cmpi slt, %rem3A, %lt3A : i32
      %lt3A_332 = arith.constant 0 : i32
      %lt3A_333 = arith.cmpi slt, %select_n3A, %lt3A_332 : i32
      %ne3A_334 = arith.xori %lt3A_331, %lt3A_333 : i1
      %and3A = arith.andi %ne3A_334, %ne3A_330 : i1
      %add3A_335 = arith.addi %rem3A, %select_n3A : i32
      %select_n3A_336 = arith.select %and3A, %add3A_335, %rem3A : i32
      %eq3A_337 = arith.constant 0 : i32
      %eq3A_338 = arith.cmpi eq, %select_n3A_336, %eq3A_337 : i32
      %convert_element_type3A = arith.extui %eq3A_338 : i1 to i32
      %cond3A = arith.constant 0 : i32
      %cond3A_339 = arith.cmpi ne, %convert_element_type3A, %cond3A : i32
      scf.if %cond3A_339 {
        %dma_wait3A_425 = arith.constant 0 : i32
        %dma_wait3A_426 = arith.constant 0 : i32
        %dma_wait3A_427 = tpu.memref_slice %arg6[%dma_wait3A_425, %dma_wait3A_426] : memref<250x40xi32, #tpu.memory_space<vmem>> -> memref<1x40xi32, #tpu.memory_space<vmem>>
        %dma_wait3A_428 = tpu.memref_squeeze %dma_wait3A_427 : memref<1x40xi32, #tpu.memory_space<vmem>> -> memref<40xi32, #tpu.memory_space<vmem>>
        %dma_wait3A_429 = arith.constant 0 : i32
        %dma_wait3A_430 = arith.constant 0 : i32
        %dma_wait3A_431 = tpu.memref_slice %arg2[%dma_wait3A_429, %dma_wait3A_430] : memref<10000x128xf32, #tpu.memory_space<hbm>> -> memref<10000x128xf32, #tpu.memory_space<hbm>>
        tpu.wait_indirect_dma semaphore(%arg18 : memref<!tpu.dma_semaphore, #tpu.memory_space<semaphore_mem>>) src(%dma_wait3A_431 : memref<10000x128xf32, #tpu.memory_space<hbm>>) dst(%arg12 : memref<40x128xf32, #tpu.memory_space<vmem>>)
        %dma_wait3A_432 = arith.constant 0 : i32
        %dma_wait3A_433 = tpu.memref_slice %arg4[%add3A, %dma_wait3A_432] : memref<8000x40xi32, #tpu.memory_space<hbm>> -> memref<1x40xi32, #tpu.memory_space<hbm>>
        %dma_wait3A_434 = tpu.memref_squeeze %dma_wait3A_433 : memref<1x40xi32, #tpu.memory_space<hbm>> -> memref<40xi32, #tpu.memory_space<hbm>>
        %dma_wait3A_435 = arith.constant 0 : i32
        %dma_wait3A_436 = tpu.memref_slice %arg4[%add3A, %dma_wait3A_435] : memref<8000x40xi32, #tpu.memory_space<hbm>> -> memref<1x40xi32, #tpu.memory_space<hbm>>
        %dma_wait3A_437 = tpu.memref_squeeze %dma_wait3A_436 : memref<1x40xi32, #tpu.memory_space<hbm>> -> memref<40xi32, #tpu.memory_space<hbm>>
        tpu.wait_dma2 semaphore(%arg28 : memref<!tpu.dma_semaphore, #tpu.memory_space<semaphore_mem>>) src(%dma_wait3A_437 : memref<40xi32, #tpu.memory_space<hbm>>) dst(%arg7 : memref<40xi32, #tpu.memory_space<vmem>>)
        %dma_start3A_438 = arith.constant 0 : i32
        %dma_start3A_439 = arith.constant 0 : i32
        %dma_start3A_440 = tpu.memref_slice %arg17[%dma_start3A_438, %dma_start3A_439] : memref<10112x128xf32, #tpu.memory_space<vmem_shared>> -> memref<10112x128xf32, #tpu.memory_space<vmem_shared>>
        tpu.enqueue_indirect_dma source(%arg12 : memref<40x128xf32, #tpu.memory_space<vmem>>) target(%dma_start3A_440 : memref<10112x128xf32, #tpu.memory_space<vmem_shared>>) offsets(%arg7 : memref<40xi32, #tpu.memory_space<vmem>>) semaphore(%arg23 : memref<!tpu.dma_semaphore, #tpu.memory_space<semaphore_mem>>) {add = true}
        %ge3A = arith.constant 1 : i32
        %ge3A_441 = arith.cmpi sge, %scan3A_326, %ge3A : i32
        %convert_element_type3A_442 = arith.extui %ge3A_441 : i1 to i32
        %cond3A_443 = arith.constant 0 : i32
        %cond3A_444 = arith.cmpi ne, %convert_element_type3A_442, %cond3A_443 : i32
        scf.if %cond3A_444 {
          %dma_wait3A_452 = arith.constant 0 : i32
          %dma_wait3A_453 = arith.constant 0 : i32
          %dma_wait3A_454 = tpu.memref_slice %arg17[%dma_wait3A_452, %dma_wait3A_453] : memref<10112x128xf32, #tpu.memory_space<vmem_shared>> -> memref<10112x128xf32, #tpu.memory_space<vmem_shared>>
          tpu.wait_indirect_dma semaphore(%arg27 : memref<!tpu.dma_semaphore, #tpu.memory_space<semaphore_mem>>) src(%arg16 : memref<40x128xf32, #tpu.memory_space<vmem>>) dst(%dma_wait3A_454 : memref<10112x128xf32, #tpu.memory_space<vmem_shared>>)
        } else {
        }
        %add3A_445 = arith.constant 4 : i32
        %add3A_446 = arith.addi %scan3A_326, %add3A_445 : i32
        %lt3A_447 = arith.constant 250 : i32
        %lt3A_448 = arith.cmpi slt, %add3A_446, %lt3A_447 : i32
        %convert_element_type3A_449 = arith.extui %lt3A_448 : i1 to i32
        %cond3A_450 = arith.constant 0 : i32
        %cond3A_451 = arith.cmpi ne, %convert_element_type3A_449, %cond3A_450 : i32
        scf.if %cond3A_451 {
          %add3A_452 = arith.constant 4 : i32
          %add3A_453 = arith.addi %scan3A_326, %add3A_452 : i32
          %add3A_454 = arith.addi %add3A, %add3A_453 : i32
          %dma_start3A_455 = arith.constant 0 : i32
          %dma_start3A_456 = tpu.memref_slice %arg4[%add3A_454, %dma_start3A_455] : memref<8000x40xi32, #tpu.memory_space<hbm>> -> memref<1x40xi32, #tpu.memory_space<hbm>>
          %dma_start3A_457 = tpu.memref_squeeze %dma_start3A_456 : memref<1x40xi32, #tpu.memory_space<hbm>> -> memref<40xi32, #tpu.memory_space<hbm>>
          %dma_start3A_458 = arith.constant 0 : i32
          %dma_start3A_459 = tpu.memref_slice %arg4[%add3A_454, %dma_start3A_458] : memref<8000x40xi32, #tpu.memory_space<hbm>> -> memref<1x40xi32, #tpu.memory_space<hbm>>
          %dma_start3A_460 = tpu.memref_squeeze %dma_start3A_459 : memref<1x40xi32, #tpu.memory_space<hbm>> -> memref<40xi32, #tpu.memory_space<hbm>>
          tpu.enqueue_dma source(%dma_start3A_460 : memref<40xi32, #tpu.memory_space<hbm>>) target(%arg11 : memref<40xi32, #tpu.memory_space<vmem>>) target_semaphore(%arg32 : memref<!tpu.dma_semaphore, #tpu.memory_space<semaphore_mem>>)
          %add3A_461 = arith.constant 4 : i32
          %add3A_462 = arith.addi %scan3A_326, %add3A_461 : i32
          %dma_start3A_463 = arith.constant 0 : i32
          %dma_start3A_464 = tpu.memref_slice %arg6[%add3A_462, %dma_start3A_463] : memref<250x40xi32, #tpu.memory_space<vmem>> -> memref<1x40xi32, #tpu.memory_space<vmem>>
          %dma_start3A_465 = tpu.memref_squeeze %dma_start3A_464 : memref<1x40xi32, #tpu.memory_space<vmem>> -> memref<40xi32, #tpu.memory_space<vmem>>
          %dma_start3A_466 = arith.constant 0 : i32
          %dma_start3A_467 = arith.constant 0 : i32
          %dma_start3A_468 = tpu.memref_slice %arg2[%dma_start3A_466, %dma_start3A_467] : memref<10000x128xf32, #tpu.memory_space<hbm>> -> memref<10000x128xf32, #tpu.memory_space<hbm>>
          tpu.enqueue_indirect_dma source(%dma_start3A_468 : memref<10000x128xf32, #tpu.memory_space<hbm>>) target(%arg16 : memref<40x128xf32, #tpu.memory_space<vmem>>) offsets(%dma_start3A_465 : memref<40xi32, #tpu.memory_space<vmem>>) semaphore(%arg22 : memref<!tpu.dma_semaphore, #tpu.memory_space<semaphore_mem>>)
        } else {
        }
      } else {
      }
      %jit3A_340 = arith.constant 5 : i32
      %eq3A_341 = arith.constant 0 : i32
      %eq3A_342 = arith.cmpi eq, %jit3A_340, %eq3A_341 : i32
      %jit3A_343 = arith.constant 1 : i32
      %select_n3A_344 = arith.select %eq3A_342, %jit3A_343, %jit3A_340 : i32
      %rem3A_345 = arith.remsi %scan3A_326, %select_n3A_344 : i32
      %ne3A_346 = arith.constant 0 : i32
      %ne3A_347 = arith.cmpi ne, %rem3A_345, %ne3A_346 : i32
      %lt3A_348 = arith.constant 0 : i32
      %lt3A_349 = arith.cmpi slt, %rem3A_345, %lt3A_348 : i32
      %lt3A_350 = arith.constant 0 : i32
      %lt3A_351 = arith.cmpi slt, %select_n3A_344, %lt3A_350 : i32
      %ne3A_352 = arith.xori %lt3A_349, %lt3A_351 : i1
      %and3A_353 = arith.andi %ne3A_352, %ne3A_347 : i1
      %add3A_354 = arith.addi %rem3A_345, %select_n3A_344 : i32
      %select_n3A_355 = arith.select %and3A_353, %add3A_354, %rem3A_345 : i32
      %eq3A_356 = arith.constant 1 : i32
      %eq3A_357 = arith.cmpi eq, %select_n3A_355, %eq3A_356 : i32
      %convert_element_type3A_358 = arith.extui %eq3A_357 : i1 to i32
      %cond3A_359 = arith.constant 0 : i32
      %cond3A_360 = arith.cmpi ne, %convert_element_type3A_358, %cond3A_359 : i32
      scf.if %cond3A_360 {
        %dma_wait3A_425 = arith.constant 0 : i32
        %dma_wait3A_426 = arith.constant 0 : i32
        %dma_wait3A_427 = tpu.memref_slice %arg6[%dma_wait3A_425, %dma_wait3A_426] : memref<250x40xi32, #tpu.memory_space<vmem>> -> memref<1x40xi32, #tpu.memory_space<vmem>>
        %dma_wait3A_428 = tpu.memref_squeeze %dma_wait3A_427 : memref<1x40xi32, #tpu.memory_space<vmem>> -> memref<40xi32, #tpu.memory_space<vmem>>
        %dma_wait3A_429 = arith.constant 0 : i32
        %dma_wait3A_430 = arith.constant 0 : i32
        %dma_wait3A_431 = tpu.memref_slice %arg2[%dma_wait3A_429, %dma_wait3A_430] : memref<10000x128xf32, #tpu.memory_space<hbm>> -> memref<10000x128xf32, #tpu.memory_space<hbm>>
        tpu.wait_indirect_dma semaphore(%arg19 : memref<!tpu.dma_semaphore, #tpu.memory_space<semaphore_mem>>) src(%dma_wait3A_431 : memref<10000x128xf32, #tpu.memory_space<hbm>>) dst(%arg13 : memref<40x128xf32, #tpu.memory_space<vmem>>)
        %dma_wait3A_432 = arith.constant 0 : i32
        %dma_wait3A_433 = tpu.memref_slice %arg4[%add3A, %dma_wait3A_432] : memref<8000x40xi32, #tpu.memory_space<hbm>> -> memref<1x40xi32, #tpu.memory_space<hbm>>
        %dma_wait3A_434 = tpu.memref_squeeze %dma_wait3A_433 : memref<1x40xi32, #tpu.memory_space<hbm>> -> memref<40xi32, #tpu.memory_space<hbm>>
        %dma_wait3A_435 = arith.constant 0 : i32
        %dma_wait3A_436 = tpu.memref_slice %arg4[%add3A, %dma_wait3A_435] : memref<8000x40xi32, #tpu.memory_space<hbm>> -> memref<1x40xi32, #tpu.memory_space<hbm>>
        %dma_wait3A_437 = tpu.memref_squeeze %dma_wait3A_436 : memref<1x40xi32, #tpu.memory_space<hbm>> -> memref<40xi32, #tpu.memory_space<hbm>>
        tpu.wait_dma2 semaphore(%arg29 : memref<!tpu.dma_semaphore, #tpu.memory_space<semaphore_mem>>) src(%dma_wait3A_437 : memref<40xi32, #tpu.memory_space<hbm>>) dst(%arg8 : memref<40xi32, #tpu.memory_space<vmem>>)
        %dma_start3A_438 = arith.constant 0 : i32
        %dma_start3A_439 = arith.constant 0 : i32
        %dma_start3A_440 = tpu.memref_slice %arg17[%dma_start3A_438, %dma_start3A_439] : memref<10112x128xf32, #tpu.memory_space<vmem_shared>> -> memref<10112x128xf32, #tpu.memory_space<vmem_shared>>
        tpu.enqueue_indirect_dma source(%arg13 : memref<40x128xf32, #tpu.memory_space<vmem>>) target(%dma_start3A_440 : memref<10112x128xf32, #tpu.memory_space<vmem_shared>>) offsets(%arg8 : memref<40xi32, #tpu.memory_space<vmem>>) semaphore(%arg24 : memref<!tpu.dma_semaphore, #tpu.memory_space<semaphore_mem>>) {add = true}
        %ge3A = arith.constant 1 : i32
        %ge3A_441 = arith.cmpi sge, %scan3A_326, %ge3A : i32
        %convert_element_type3A_442 = arith.extui %ge3A_441 : i1 to i32
        %cond3A_443 = arith.constant 0 : i32
        %cond3A_444 = arith.cmpi ne, %convert_element_type3A_442, %cond3A_443 : i32
        scf.if %cond3A_444 {
          %dma_wait3A_452 = arith.constant 0 : i32
          %dma_wait3A_453 = arith.constant 0 : i32
          %dma_wait3A_454 = tpu.memref_slice %arg17[%dma_wait3A_452, %dma_wait3A_453] : memref<10112x128xf32, #tpu.memory_space<vmem_shared>> -> memref<10112x128xf32, #tpu.memory_space<vmem_shared>>
          tpu.wait_indirect_dma semaphore(%arg23 : memref<!tpu.dma_semaphore, #tpu.memory_space<semaphore_mem>>) src(%arg12 : memref<40x128xf32, #tpu.memory_space<vmem>>) dst(%dma_wait3A_454 : memref<10112x128xf32, #tpu.memory_space<vmem_shared>>)
        } else {
        }
        %add3A_445 = arith.constant 4 : i32
        %add3A_446 = arith.addi %scan3A_326, %add3A_445 : i32
        %lt3A_447 = arith.constant 250 : i32
        %lt3A_448 = arith.cmpi slt, %add3A_446, %lt3A_447 : i32
        %convert_element_type3A_449 = arith.extui %lt3A_448 : i1 to i32
        %cond3A_450 = arith.constant 0 : i32
        %cond3A_451 = arith.cmpi ne, %convert_element_type3A_449, %cond3A_450 : i32
        scf.if %cond3A_451 {
          %add3A_452 = arith.constant 4 : i32
          %add3A_453 = arith.addi %scan3A_326, %add3A_452 : i32
          %add3A_454 = arith.addi %add3A, %add3A_453 : i32
          %dma_start3A_455 = arith.constant 0 : i32
          %dma_start3A_456 = tpu.memref_slice %arg4[%add3A_454, %dma_start3A_455] : memref<8000x40xi32, #tpu.memory_space<hbm>> -> memref<1x40xi32, #tpu.memory_space<hbm>>
          %dma_start3A_457 = tpu.memref_squeeze %dma_start3A_456 : memref<1x40xi32, #tpu.memory_space<hbm>> -> memref<40xi32, #tpu.memory_space<hbm>>
          %dma_start3A_458 = arith.constant 0 : i32
          %dma_start3A_459 = tpu.memref_slice %arg4[%add3A_454, %dma_start3A_458] : memref<8000x40xi32, #tpu.memory_space<hbm>> -> memref<1x40xi32, #tpu.memory_space<hbm>>
          %dma_start3A_460 = tpu.memref_squeeze %dma_start3A_459 : memref<1x40xi32, #tpu.memory_space<hbm>> -> memref<40xi32, #tpu.memory_space<hbm>>
          tpu.enqueue_dma source(%dma_start3A_460 : memref<40xi32, #tpu.memory_space<hbm>>) target(%arg7 : memref<40xi32, #tpu.memory_space<vmem>>) target_semaphore(%arg28 : memref<!tpu.dma_semaphore, #tpu.memory_space<semaphore_mem>>)
          %add3A_461 = arith.constant 4 : i32
          %add3A_462 = arith.addi %scan3A_326, %add3A_461 : i32
          %dma_start3A_463 = arith.constant 0 : i32
          %dma_start3A_464 = tpu.memref_slice %arg6[%add3A_462, %dma_start3A_463] : memref<250x40xi32, #tpu.memory_space<vmem>> -> memref<1x40xi32, #tpu.memory_space<vmem>>
          %dma_start3A_465 = tpu.memref_squeeze %dma_start3A_464 : memref<1x40xi32, #tpu.memory_space<vmem>> -> memref<40xi32, #tpu.memory_space<vmem>>
          %dma_start3A_466 = arith.constant 0 : i32
          %dma_start3A_467 = arith.constant 0 : i32
          %dma_start3A_468 = tpu.memref_slice %arg2[%dma_start3A_466, %dma_start3A_467] : memref<10000x128xf32, #tpu.memory_space<hbm>> -> memref<10000x128xf32, #tpu.memory_space<hbm>>
          tpu.enqueue_indirect_dma source(%dma_start3A_468 : memref<10000x128xf32, #tpu.memory_space<hbm>>) target(%arg12 : memref<40x128xf32, #tpu.memory_space<vmem>>) offsets(%dma_start3A_465 : memref<40xi32, #tpu.memory_space<vmem>>) semaphore(%arg18 : memref<!tpu.dma_semaphore, #tpu.memory_space<semaphore_mem>>)
        } else {
        }
      } else {
      }
      %jit3A_361 = arith.constant 5 : i32
      %eq3A_362 = arith.constant 0 : i32
      %eq3A_363 = arith.cmpi eq, %jit3A_361, %eq3A_362 : i32
      %jit3A_364 = arith.constant 1 : i32
      %select_n3A_365 = arith.select %eq3A_363, %jit3A_364, %jit3A_361 : i32
      %rem3A_366 = arith.remsi %scan3A_326, %select_n3A_365 : i32
      %ne3A_367 = arith.constant 0 : i32
      %ne3A_368 = arith.cmpi ne, %rem3A_366, %ne3A_367 : i32
      %lt3A_369 = arith.constant 0 : i32
      %lt3A_370 = arith.cmpi slt, %rem3A_366, %lt3A_369 : i32
      %lt3A_371 = arith.constant 0 : i32
      %lt3A_372 = arith.cmpi slt, %select_n3A_365, %lt3A_371 : i32
      %ne3A_373 = arith.xori %lt3A_370, %lt3A_372 : i1
      %and3A_374 = arith.andi %ne3A_373, %ne3A_368 : i1
      %add3A_375 = arith.addi %rem3A_366, %select_n3A_365 : i32
      %select_n3A_376 = arith.select %and3A_374, %add3A_375, %rem3A_366 : i32
      %eq3A_377 = arith.constant 2 : i32
      %eq3A_378 = arith.cmpi eq, %select_n3A_376, %eq3A_377 : i32
      %convert_element_type3A_379 = arith.extui %eq3A_378 : i1 to i32
      %cond3A_380 = arith.constant 0 : i32
      %cond3A_381 = arith.cmpi ne, %convert_element_type3A_379, %cond3A_380 : i32
      scf.if %cond3A_381 {
        %dma_wait3A_425 = arith.constant 0 : i32
        %dma_wait3A_426 = arith.constant 0 : i32
        %dma_wait3A_427 = tpu.memref_slice %arg6[%dma_wait3A_425, %dma_wait3A_426] : memref<250x40xi32, #tpu.memory_space<vmem>> -> memref<1x40xi32, #tpu.memory_space<vmem>>
        %dma_wait3A_428 = tpu.memref_squeeze %dma_wait3A_427 : memref<1x40xi32, #tpu.memory_space<vmem>> -> memref<40xi32, #tpu.memory_space<vmem>>
        %dma_wait3A_429 = arith.constant 0 : i32
        %dma_wait3A_430 = arith.constant 0 : i32
        %dma_wait3A_431 = tpu.memref_slice %arg2[%dma_wait3A_429, %dma_wait3A_430] : memref<10000x128xf32, #tpu.memory_space<hbm>> -> memref<10000x128xf32, #tpu.memory_space<hbm>>
        tpu.wait_indirect_dma semaphore(%arg20 : memref<!tpu.dma_semaphore, #tpu.memory_space<semaphore_mem>>) src(%dma_wait3A_431 : memref<10000x128xf32, #tpu.memory_space<hbm>>) dst(%arg14 : memref<40x128xf32, #tpu.memory_space<vmem>>)
        %dma_wait3A_432 = arith.constant 0 : i32
        %dma_wait3A_433 = tpu.memref_slice %arg4[%add3A, %dma_wait3A_432] : memref<8000x40xi32, #tpu.memory_space<hbm>> -> memref<1x40xi32, #tpu.memory_space<hbm>>
        %dma_wait3A_434 = tpu.memref_squeeze %dma_wait3A_433 : memref<1x40xi32, #tpu.memory_space<hbm>> -> memref<40xi32, #tpu.memory_space<hbm>>
        %dma_wait3A_435 = arith.constant 0 : i32
        %dma_wait3A_436 = tpu.memref_slice %arg4[%add3A, %dma_wait3A_435] : memref<8000x40xi32, #tpu.memory_space<hbm>> -> memref<1x40xi32, #tpu.memory_space<hbm>>
        %dma_wait3A_437 = tpu.memref_squeeze %dma_wait3A_436 : memref<1x40xi32, #tpu.memory_space<hbm>> -> memref<40xi32, #tpu.memory_space<hbm>>
        tpu.wait_dma2 semaphore(%arg30 : memref<!tpu.dma_semaphore, #tpu.memory_space<semaphore_mem>>) src(%dma_wait3A_437 : memref<40xi32, #tpu.memory_space<hbm>>) dst(%arg9 : memref<40xi32, #tpu.memory_space<vmem>>)
        %dma_start3A_438 = arith.constant 0 : i32
        %dma_start3A_439 = arith.constant 0 : i32
        %dma_start3A_440 = tpu.memref_slice %arg17[%dma_start3A_438, %dma_start3A_439] : memref<10112x128xf32, #tpu.memory_space<vmem_shared>> -> memref<10112x128xf32, #tpu.memory_space<vmem_shared>>
        tpu.enqueue_indirect_dma source(%arg14 : memref<40x128xf32, #tpu.memory_space<vmem>>) target(%dma_start3A_440 : memref<10112x128xf32, #tpu.memory_space<vmem_shared>>) offsets(%arg9 : memref<40xi32, #tpu.memory_space<vmem>>) semaphore(%arg25 : memref<!tpu.dma_semaphore, #tpu.memory_space<semaphore_mem>>) {add = true}
        %ge3A = arith.constant 1 : i32
        %ge3A_441 = arith.cmpi sge, %scan3A_326, %ge3A : i32
        %convert_element_type3A_442 = arith.extui %ge3A_441 : i1 to i32
        %cond3A_443 = arith.constant 0 : i32
        %cond3A_444 = arith.cmpi ne, %convert_element_type3A_442, %cond3A_443 : i32
        scf.if %cond3A_444 {
          %dma_wait3A_452 = arith.constant 0 : i32
          %dma_wait3A_453 = arith.constant 0 : i32
          %dma_wait3A_454 = tpu.memref_slice %arg17[%dma_wait3A_452, %dma_wait3A_453] : memref<10112x128xf32, #tpu.memory_space<vmem_shared>> -> memref<10112x128xf32, #tpu.memory_space<vmem_shared>>
          tpu.wait_indirect_dma semaphore(%arg24 : memref<!tpu.dma_semaphore, #tpu.memory_space<semaphore_mem>>) src(%arg13 : memref<40x128xf32, #tpu.memory_space<vmem>>) dst(%dma_wait3A_454 : memref<10112x128xf32, #tpu.memory_space<vmem_shared>>)
        } else {
        }
        %add3A_445 = arith.constant 4 : i32
        %add3A_446 = arith.addi %scan3A_326, %add3A_445 : i32
        %lt3A_447 = arith.constant 250 : i32
        %lt3A_448 = arith.cmpi slt, %add3A_446, %lt3A_447 : i32
        %convert_element_type3A_449 = arith.extui %lt3A_448 : i1 to i32
        %cond3A_450 = arith.constant 0 : i32
        %cond3A_451 = arith.cmpi ne, %convert_element_type3A_449, %cond3A_450 : i32
        scf.if %cond3A_451 {
          %add3A_452 = arith.constant 4 : i32
          %add3A_453 = arith.addi %scan3A_326, %add3A_452 : i32
          %add3A_454 = arith.addi %add3A, %add3A_453 : i32
          %dma_start3A_455 = arith.constant 0 : i32
          %dma_start3A_456 = tpu.memref_slice %arg4[%add3A_454, %dma_start3A_455] : memref<8000x40xi32, #tpu.memory_space<hbm>> -> memref<1x40xi32, #tpu.memory_space<hbm>>
          %dma_start3A_457 = tpu.memref_squeeze %dma_start3A_456 : memref<1x40xi32, #tpu.memory_space<hbm>> -> memref<40xi32, #tpu.memory_space<hbm>>
          %dma_start3A_458 = arith.constant 0 : i32
          %dma_start3A_459 = tpu.memref_slice %arg4[%add3A_454, %dma_start3A_458] : memref<8000x40xi32, #tpu.memory_space<hbm>> -> memref<1x40xi32, #tpu.memory_space<hbm>>
          %dma_start3A_460 = tpu.memref_squeeze %dma_start3A_459 : memref<1x40xi32, #tpu.memory_space<hbm>> -> memref<40xi32, #tpu.memory_space<hbm>>
          tpu.enqueue_dma source(%dma_start3A_460 : memref<40xi32, #tpu.memory_space<hbm>>) target(%arg8 : memref<40xi32, #tpu.memory_space<vmem>>) target_semaphore(%arg29 : memref<!tpu.dma_semaphore, #tpu.memory_space<semaphore_mem>>)
          %add3A_461 = arith.constant 4 : i32
          %add3A_462 = arith.addi %scan3A_326, %add3A_461 : i32
          %dma_start3A_463 = arith.constant 0 : i32
          %dma_start3A_464 = tpu.memref_slice %arg6[%add3A_462, %dma_start3A_463] : memref<250x40xi32, #tpu.memory_space<vmem>> -> memref<1x40xi32, #tpu.memory_space<vmem>>
          %dma_start3A_465 = tpu.memref_squeeze %dma_start3A_464 : memref<1x40xi32, #tpu.memory_space<vmem>> -> memref<40xi32, #tpu.memory_space<vmem>>
          %dma_start3A_466 = arith.constant 0 : i32
          %dma_start3A_467 = arith.constant 0 : i32
          %dma_start3A_468 = tpu.memref_slice %arg2[%dma_start3A_466, %dma_start3A_467] : memref<10000x128xf32, #tpu.memory_space<hbm>> -> memref<10000x128xf32, #tpu.memory_space<hbm>>
          tpu.enqueue_indirect_dma source(%dma_start3A_468 : memref<10000x128xf32, #tpu.memory_space<hbm>>) target(%arg13 : memref<40x128xf32, #tpu.memory_space<vmem>>) offsets(%dma_start3A_465 : memref<40xi32, #tpu.memory_space<vmem>>) semaphore(%arg19 : memref<!tpu.dma_semaphore, #tpu.memory_space<semaphore_mem>>)
        } else {
        }
      } else {
      }
      %jit3A_382 = arith.constant 5 : i32
      %eq3A_383 = arith.constant 0 : i32
      %eq3A_384 = arith.cmpi eq, %jit3A_382, %eq3A_383 : i32
      %jit3A_385 = arith.constant 1 : i32
      %select_n3A_386 = arith.select %eq3A_384, %jit3A_385, %jit3A_382 : i32
      %rem3A_387 = arith.remsi %scan3A_326, %select_n3A_386 : i32
      %ne3A_388 = arith.constant 0 : i32
      %ne3A_389 = arith.cmpi ne, %rem3A_387, %ne3A_388 : i32
      %lt3A_390 = arith.constant 0 : i32
      %lt3A_391 = arith.cmpi slt, %rem3A_387, %lt3A_390 : i32
      %lt3A_392 = arith.constant 0 : i32
      %lt3A_393 = arith.cmpi slt, %select_n3A_386, %lt3A_392 : i32
      %ne3A_394 = arith.xori %lt3A_391, %lt3A_393 : i1
      %and3A_395 = arith.andi %ne3A_394, %ne3A_389 : i1
      %add3A_396 = arith.addi %rem3A_387, %select_n3A_386 : i32
      %select_n3A_397 = arith.select %and3A_395, %add3A_396, %rem3A_387 : i32
      %eq3A_398 = arith.constant 3 : i32
      %eq3A_399 = arith.cmpi eq, %select_n3A_397, %eq3A_398 : i32
      %convert_element_type3A_400 = arith.extui %eq3A_399 : i1 to i32
      %cond3A_401 = arith.constant 0 : i32
      %cond3A_402 = arith.cmpi ne, %convert_element_type3A_400, %cond3A_401 : i32
      scf.if %cond3A_402 {
        %dma_wait3A_425 = arith.constant 0 : i32
        %dma_wait3A_426 = arith.constant 0 : i32
        %dma_wait3A_427 = tpu.memref_slice %arg6[%dma_wait3A_425, %dma_wait3A_426] : memref<250x40xi32, #tpu.memory_space<vmem>> -> memref<1x40xi32, #tpu.memory_space<vmem>>
        %dma_wait3A_428 = tpu.memref_squeeze %dma_wait3A_427 : memref<1x40xi32, #tpu.memory_space<vmem>> -> memref<40xi32, #tpu.memory_space<vmem>>
        %dma_wait3A_429 = arith.constant 0 : i32
        %dma_wait3A_430 = arith.constant 0 : i32
        %dma_wait3A_431 = tpu.memref_slice %arg2[%dma_wait3A_429, %dma_wait3A_430] : memref<10000x128xf32, #tpu.memory_space<hbm>> -> memref<10000x128xf32, #tpu.memory_space<hbm>>
        tpu.wait_indirect_dma semaphore(%arg21 : memref<!tpu.dma_semaphore, #tpu.memory_space<semaphore_mem>>) src(%dma_wait3A_431 : memref<10000x128xf32, #tpu.memory_space<hbm>>) dst(%arg15 : memref<40x128xf32, #tpu.memory_space<vmem>>)
        %dma_wait3A_432 = arith.constant 0 : i32
        %dma_wait3A_433 = tpu.memref_slice %arg4[%add3A, %dma_wait3A_432] : memref<8000x40xi32, #tpu.memory_space<hbm>> -> memref<1x40xi32, #tpu.memory_space<hbm>>
        %dma_wait3A_434 = tpu.memref_squeeze %dma_wait3A_433 : memref<1x40xi32, #tpu.memory_space<hbm>> -> memref<40xi32, #tpu.memory_space<hbm>>
        %dma_wait3A_435 = arith.constant 0 : i32
        %dma_wait3A_436 = tpu.memref_slice %arg4[%add3A, %dma_wait3A_435] : memref<8000x40xi32, #tpu.memory_space<hbm>> -> memref<1x40xi32, #tpu.memory_space<hbm>>
        %dma_wait3A_437 = tpu.memref_squeeze %dma_wait3A_436 : memref<1x40xi32, #tpu.memory_space<hbm>> -> memref<40xi32, #tpu.memory_space<hbm>>
        tpu.wait_dma2 semaphore(%arg31 : memref<!tpu.dma_semaphore, #tpu.memory_space<semaphore_mem>>) src(%dma_wait3A_437 : memref<40xi32, #tpu.memory_space<hbm>>) dst(%arg10 : memref<40xi32, #tpu.memory_space<vmem>>)
        %dma_start3A_438 = arith.constant 0 : i32
        %dma_start3A_439 = arith.constant 0 : i32
        %dma_start3A_440 = tpu.memref_slice %arg17[%dma_start3A_438, %dma_start3A_439] : memref<10112x128xf32, #tpu.memory_space<vmem_shared>> -> memref<10112x128xf32, #tpu.memory_space<vmem_shared>>
        tpu.enqueue_indirect_dma source(%arg15 : memref<40x128xf32, #tpu.memory_space<vmem>>) target(%dma_start3A_440 : memref<10112x128xf32, #tpu.memory_space<vmem_shared>>) offsets(%arg10 : memref<40xi32, #tpu.memory_space<vmem>>) semaphore(%arg26 : memref<!tpu.dma_semaphore, #tpu.memory_space<semaphore_mem>>) {add = true}
        %ge3A = arith.constant 1 : i32
        %ge3A_441 = arith.cmpi sge, %scan3A_326, %ge3A : i32
        %convert_element_type3A_442 = arith.extui %ge3A_441 : i1 to i32
        %cond3A_443 = arith.constant 0 : i32
        %cond3A_444 = arith.cmpi ne, %convert_element_type3A_442, %cond3A_443 : i32
        scf.if %cond3A_444 {
          %dma_wait3A_452 = arith.constant 0 : i32
          %dma_wait3A_453 = arith.constant 0 : i32
          %dma_wait3A_454 = tpu.memref_slice %arg17[%dma_wait3A_452, %dma_wait3A_453] : memref<10112x128xf32, #tpu.memory_space<vmem_shared>> -> memref<10112x128xf32, #tpu.memory_space<vmem_shared>>
          tpu.wait_indirect_dma semaphore(%arg25 : memref<!tpu.dma_semaphore, #tpu.memory_space<semaphore_mem>>) src(%arg14 : memref<40x128xf32, #tpu.memory_space<vmem>>) dst(%dma_wait3A_454 : memref<10112x128xf32, #tpu.memory_space<vmem_shared>>)
        } else {
        }
        %add3A_445 = arith.constant 4 : i32
        %add3A_446 = arith.addi %scan3A_326, %add3A_445 : i32
        %lt3A_447 = arith.constant 250 : i32
        %lt3A_448 = arith.cmpi slt, %add3A_446, %lt3A_447 : i32
        %convert_element_type3A_449 = arith.extui %lt3A_448 : i1 to i32
        %cond3A_450 = arith.constant 0 : i32
        %cond3A_451 = arith.cmpi ne, %convert_element_type3A_449, %cond3A_450 : i32
        scf.if %cond3A_451 {
          %add3A_452 = arith.constant 4 : i32
          %add3A_453 = arith.addi %scan3A_326, %add3A_452 : i32
          %add3A_454 = arith.addi %add3A, %add3A_453 : i32
          %dma_start3A_455 = arith.constant 0 : i32
          %dma_start3A_456 = tpu.memref_slice %arg4[%add3A_454, %dma_start3A_455] : memref<8000x40xi32, #tpu.memory_space<hbm>> -> memref<1x40xi32, #tpu.memory_space<hbm>>
          %dma_start3A_457 = tpu.memref_squeeze %dma_start3A_456 : memref<1x40xi32, #tpu.memory_space<hbm>> -> memref<40xi32, #tpu.memory_space<hbm>>
          %dma_start3A_458 = arith.constant 0 : i32
          %dma_start3A_459 = tpu.memref_slice %arg4[%add3A_454, %dma_start3A_458] : memref<8000x40xi32, #tpu.memory_space<hbm>> -> memref<1x40xi32, #tpu.memory_space<hbm>>
          %dma_start3A_460 = tpu.memref_squeeze %dma_start3A_459 : memref<1x40xi32, #tpu.memory_space<hbm>> -> memref<40xi32, #tpu.memory_space<hbm>>
          tpu.enqueue_dma source(%dma_start3A_460 : memref<40xi32, #tpu.memory_space<hbm>>) target(%arg9 : memref<40xi32, #tpu.memory_space<vmem>>) target_semaphore(%arg30 : memref<!tpu.dma_semaphore, #tpu.memory_space<semaphore_mem>>)
          %add3A_461 = arith.constant 4 : i32
          %add3A_462 = arith.addi %scan3A_326, %add3A_461 : i32
          %dma_start3A_463 = arith.constant 0 : i32
          %dma_start3A_464 = tpu.memref_slice %arg6[%add3A_462, %dma_start3A_463] : memref<250x40xi32, #tpu.memory_space<vmem>> -> memref<1x40xi32, #tpu.memory_space<vmem>>
          %dma_start3A_465 = tpu.memref_squeeze %dma_start3A_464 : memref<1x40xi32, #tpu.memory_space<vmem>> -> memref<40xi32, #tpu.memory_space<vmem>>
          %dma_start3A_466 = arith.constant 0 : i32
          %dma_start3A_467 = arith.constant 0 : i32
          %dma_start3A_468 = tpu.memref_slice %arg2[%dma_start3A_466, %dma_start3A_467] : memref<10000x128xf32, #tpu.memory_space<hbm>> -> memref<10000x128xf32, #tpu.memory_space<hbm>>
          tpu.enqueue_indirect_dma source(%dma_start3A_468 : memref<10000x128xf32, #tpu.memory_space<hbm>>) target(%arg14 : memref<40x128xf32, #tpu.memory_space<vmem>>) offsets(%dma_start3A_465 : memref<40xi32, #tpu.memory_space<vmem>>) semaphore(%arg20 : memref<!tpu.dma_semaphore, #tpu.memory_space<semaphore_mem>>)
        } else {
        }
      } else {
      }
      %jit3A_403 = arith.constant 5 : i32
      %eq3A_404 = arith.constant 0 : i32
      %eq3A_405 = arith.cmpi eq, %jit3A_403, %eq3A_404 : i32
      %jit3A_406 = arith.constant 1 : i32
      %select_n3A_407 = arith.select %eq3A_405, %jit3A_406, %jit3A_403 : i32
      %rem3A_408 = arith.remsi %scan3A_326, %select_n3A_407 : i32
      %ne3A_409 = arith.constant 0 : i32
      %ne3A_410 = arith.cmpi ne, %rem3A_408, %ne3A_409 : i32
      %lt3A_411 = arith.constant 0 : i32
      %lt3A_412 = arith.cmpi slt, %rem3A_408, %lt3A_411 : i32
      %lt3A_413 = arith.constant 0 : i32
      %lt3A_414 = arith.cmpi slt, %select_n3A_407, %lt3A_413 : i32
      %ne3A_415 = arith.xori %lt3A_412, %lt3A_414 : i1
      %and3A_416 = arith.andi %ne3A_415, %ne3A_410 : i1
      %add3A_417 = arith.addi %rem3A_408, %select_n3A_407 : i32
      %select_n3A_418 = arith.select %and3A_416, %add3A_417, %rem3A_408 : i32
      %eq3A_419 = arith.constant 4 : i32
      %eq3A_420 = arith.cmpi eq, %select_n3A_418, %eq3A_419 : i32
      %convert_element_type3A_421 = arith.extui %eq3A_420 : i1 to i32
      %cond3A_422 = arith.constant 0 : i32
      %cond3A_423 = arith.cmpi ne, %convert_element_type3A_421, %cond3A_422 : i32
      scf.if %cond3A_423 {
        %dma_wait3A_425 = arith.constant 0 : i32
        %dma_wait3A_426 = arith.constant 0 : i32
        %dma_wait3A_427 = tpu.memref_slice %arg6[%dma_wait3A_425, %dma_wait3A_426] : memref<250x40xi32, #tpu.memory_space<vmem>> -> memref<1x40xi32, #tpu.memory_space<vmem>>
        %dma_wait3A_428 = tpu.memref_squeeze %dma_wait3A_427 : memref<1x40xi32, #tpu.memory_space<vmem>> -> memref<40xi32, #tpu.memory_space<vmem>>
        %dma_wait3A_429 = arith.constant 0 : i32
        %dma_wait3A_430 = arith.constant 0 : i32
        %dma_wait3A_431 = tpu.memref_slice %arg2[%dma_wait3A_429, %dma_wait3A_430] : memref<10000x128xf32, #tpu.memory_space<hbm>> -> memref<10000x128xf32, #tpu.memory_space<hbm>>
        tpu.wait_indirect_dma semaphore(%arg22 : memref<!tpu.dma_semaphore, #tpu.memory_space<semaphore_mem>>) src(%dma_wait3A_431 : memref<10000x128xf32, #tpu.memory_space<hbm>>) dst(%arg16 : memref<40x128xf32, #tpu.memory_space<vmem>>)
        %dma_wait3A_432 = arith.constant 0 : i32
        %dma_wait3A_433 = tpu.memref_slice %arg4[%add3A, %dma_wait3A_432] : memref<8000x40xi32, #tpu.memory_space<hbm>> -> memref<1x40xi32, #tpu.memory_space<hbm>>
        %dma_wait3A_434 = tpu.memref_squeeze %dma_wait3A_433 : memref<1x40xi32, #tpu.memory_space<hbm>> -> memref<40xi32, #tpu.memory_space<hbm>>
        %dma_wait3A_435 = arith.constant 0 : i32
        %dma_wait3A_436 = tpu.memref_slice %arg4[%add3A, %dma_wait3A_435] : memref<8000x40xi32, #tpu.memory_space<hbm>> -> memref<1x40xi32, #tpu.memory_space<hbm>>
        %dma_wait3A_437 = tpu.memref_squeeze %dma_wait3A_436 : memref<1x40xi32, #tpu.memory_space<hbm>> -> memref<40xi32, #tpu.memory_space<hbm>>
        tpu.wait_dma2 semaphore(%arg32 : memref<!tpu.dma_semaphore, #tpu.memory_space<semaphore_mem>>) src(%dma_wait3A_437 : memref<40xi32, #tpu.memory_space<hbm>>) dst(%arg11 : memref<40xi32, #tpu.memory_space<vmem>>)
        %dma_start3A_438 = arith.constant 0 : i32
        %dma_start3A_439 = arith.constant 0 : i32
        %dma_start3A_440 = tpu.memref_slice %arg17[%dma_start3A_438, %dma_start3A_439] : memref<10112x128xf32, #tpu.memory_space<vmem_shared>> -> memref<10112x128xf32, #tpu.memory_space<vmem_shared>>
        tpu.enqueue_indirect_dma source(%arg16 : memref<40x128xf32, #tpu.memory_space<vmem>>) target(%dma_start3A_440 : memref<10112x128xf32, #tpu.memory_space<vmem_shared>>) offsets(%arg11 : memref<40xi32, #tpu.memory_space<vmem>>) semaphore(%arg27 : memref<!tpu.dma_semaphore, #tpu.memory_space<semaphore_mem>>) {add = true}
        %ge3A = arith.constant 1 : i32
        %ge3A_441 = arith.cmpi sge, %scan3A_326, %ge3A : i32
        %convert_element_type3A_442 = arith.extui %ge3A_441 : i1 to i32
        %cond3A_443 = arith.constant 0 : i32
        %cond3A_444 = arith.cmpi ne, %convert_element_type3A_442, %cond3A_443 : i32
        scf.if %cond3A_444 {
          %dma_wait3A_452 = arith.constant 0 : i32
          %dma_wait3A_453 = arith.constant 0 : i32
          %dma_wait3A_454 = tpu.memref_slice %arg17[%dma_wait3A_452, %dma_wait3A_453] : memref<10112x128xf32, #tpu.memory_space<vmem_shared>> -> memref<10112x128xf32, #tpu.memory_space<vmem_shared>>
          tpu.wait_indirect_dma semaphore(%arg26 : memref<!tpu.dma_semaphore, #tpu.memory_space<semaphore_mem>>) src(%arg15 : memref<40x128xf32, #tpu.memory_space<vmem>>) dst(%dma_wait3A_454 : memref<10112x128xf32, #tpu.memory_space<vmem_shared>>)
        } else {
        }
        %add3A_445 = arith.constant 4 : i32
        %add3A_446 = arith.addi %scan3A_326, %add3A_445 : i32
        %lt3A_447 = arith.constant 250 : i32
        %lt3A_448 = arith.cmpi slt, %add3A_446, %lt3A_447 : i32
        %convert_element_type3A_449 = arith.extui %lt3A_448 : i1 to i32
        %cond3A_450 = arith.constant 0 : i32
        %cond3A_451 = arith.cmpi ne, %convert_element_type3A_449, %cond3A_450 : i32
        scf.if %cond3A_451 {
          %add3A_452 = arith.constant 4 : i32
          %add3A_453 = arith.addi %scan3A_326, %add3A_452 : i32
          %add3A_454 = arith.addi %add3A, %add3A_453 : i32
          %dma_start3A_455 = arith.constant 0 : i32
          %dma_start3A_456 = tpu.memref_slice %arg4[%add3A_454, %dma_start3A_455] : memref<8000x40xi32, #tpu.memory_space<hbm>> -> memref<1x40xi32, #tpu.memory_space<hbm>>
          %dma_start3A_457 = tpu.memref_squeeze %dma_start3A_456 : memref<1x40xi32, #tpu.memory_space<hbm>> -> memref<40xi32, #tpu.memory_space<hbm>>
          %dma_start3A_458 = arith.constant 0 : i32
          %dma_start3A_459 = tpu.memref_slice %arg4[%add3A_454, %dma_start3A_458] : memref<8000x40xi32, #tpu.memory_space<hbm>> -> memref<1x40xi32, #tpu.memory_space<hbm>>
          %dma_start3A_460 = tpu.memref_squeeze %dma_start3A_459 : memref<1x40xi32, #tpu.memory_space<hbm>> -> memref<40xi32, #tpu.memory_space<hbm>>
          tpu.enqueue_dma source(%dma_start3A_460 : memref<40xi32, #tpu.memory_space<hbm>>) target(%arg10 : memref<40xi32, #tpu.memory_space<vmem>>) target_semaphore(%arg31 : memref<!tpu.dma_semaphore, #tpu.memory_space<semaphore_mem>>)
          %add3A_461 = arith.constant 4 : i32
          %add3A_462 = arith.addi %scan3A_326, %add3A_461 : i32
          %dma_start3A_463 = arith.constant 0 : i32
          %dma_start3A_464 = tpu.memref_slice %arg6[%add3A_462, %dma_start3A_463] : memref<250x40xi32, #tpu.memory_space<vmem>> -> memref<1x40xi32, #tpu.memory_space<vmem>>
          %dma_start3A_465 = tpu.memref_squeeze %dma_start3A_464 : memref<1x40xi32, #tpu.memory_space<vmem>> -> memref<40xi32, #tpu.memory_space<vmem>>
          %dma_start3A_466 = arith.constant 0 : i32
          %dma_start3A_467 = arith.constant 0 : i32
          %dma_start3A_468 = tpu.memref_slice %arg2[%dma_start3A_466, %dma_start3A_467] : memref<10000x128xf32, #tpu.memory_space<hbm>> -> memref<10000x128xf32, #tpu.memory_space<hbm>>
          tpu.enqueue_indirect_dma source(%dma_start3A_468 : memref<10000x128xf32, #tpu.memory_space<hbm>>) target(%arg15 : memref<40x128xf32, #tpu.memory_space<vmem>>) offsets(%dma_start3A_465 : memref<40xi32, #tpu.memory_space<vmem>>) semaphore(%arg21 : memref<!tpu.dma_semaphore, #tpu.memory_space<semaphore_mem>>)
        } else {
        }
      } else {
      }
      %scan3A_424 = arith.constant 0 : i32
      scf.yield %scan3A_424 : i32
    }
    %scan3A_317 = arith.constant 250 : i32
    %dma_wait3A_318 = arith.constant 0 : i32
    %dma_wait3A_319 = arith.constant 0 : i32
    %dma_wait3A_320 = tpu.memref_slice %arg17[%dma_wait3A_318, %dma_wait3A_319] : memref<10112x128xf32, #tpu.memory_space<vmem_shared>> -> memref<10112x128xf32, #tpu.memory_space<vmem_shared>>
    tpu.wait_indirect_dma semaphore(%arg27 : memref<!tpu.dma_semaphore, #tpu.memory_space<semaphore_mem>>) src(%arg16 : memref<40x128xf32, #tpu.memory_space<vmem>>) dst(%dma_wait3A_320 : memref<10112x128xf32, #tpu.memory_space<vmem_shared>>)
    %barrier3A_321 = arith.constant 0 : index
    tpu.barrier barrier_id(%barrier3A_321)
    %mul3A_322 = arith.constant 632 : i32
    %mul3A_323 = arith.muli %arg1, %mul3A_322 : i32
    %mul3A_324 = arith.constant 632 : i32
    %mul3A_325 = arith.muli %arg1, %mul3A_324 : i32
    "tpu.region"() ({
      %run_scoped3A = tpu.sem_alloc : memref<!tpu.dma_semaphore, #tpu.memory_space<semaphore_mem>>
      %dma_start3A_326 = arith.constant 0 : i32
      %dma_start3A_327 = tpu.memref_slice %arg5[%arg0, %mul3A_325, %dma_start3A_326] : memref<2x10112x128xf32, #tpu.memory_space<hbm>> -> memref<1x632x128xf32, #tpu.memory_space<hbm>>
      %dma_start3A_328 = tpu.memref_squeeze %dma_start3A_327 : memref<1x632x128xf32, #tpu.memory_space<hbm>> -> memref<632x128xf32, #tpu.memory_space<hbm>>
      %dma_start3A_329 = arith.constant 0 : i32
      %dma_start3A_330 = tpu.memref_slice %arg17[%mul3A_323, %dma_start3A_329] : memref<10112x128xf32, #tpu.memory_space<vmem_shared>> -> memref<632x128xf32, #tpu.memory_space<vmem_shared>>
      tpu.enqueue_dma source(%dma_start3A_330 : memref<632x128xf32, #tpu.memory_space<vmem_shared>>) target(%dma_start3A_328 : memref<632x128xf32, #tpu.memory_space<hbm>>) target_semaphore(%run_scoped3A : memref<!tpu.dma_semaphore, #tpu.memory_space<semaphore_mem>>)
      %dma_wait3A_331 = arith.constant 0 : i32
      %dma_wait3A_332 = tpu.memref_slice %arg5[%arg0, %mul3A_325, %dma_wait3A_331] : memref<2x10112x128xf32, #tpu.memory_space<hbm>> -> memref<1x632x128xf32, #tpu.memory_space<hbm>>
      %dma_wait3A_333 = tpu.memref_squeeze %dma_wait3A_332 : memref<1x632x128xf32, #tpu.memory_space<hbm>> -> memref<632x128xf32, #tpu.memory_space<hbm>>
      %dma_wait3A_334 = arith.constant 0 : i32
      %dma_wait3A_335 = tpu.memref_slice %arg17[%mul3A_323, %dma_wait3A_334] : memref<10112x128xf32, #tpu.memory_space<vmem_shared>> -> memref<632x128xf32, #tpu.memory_space<vmem_shared>>
      tpu.wait_dma2 semaphore(%run_scoped3A : memref<!tpu.dma_semaphore, #tpu.memory_space<semaphore_mem>>) src(%dma_wait3A_335 : memref<632x128xf32, #tpu.memory_space<vmem_shared>>) dst(%dma_wait3A_333 : memref<632x128xf32, #tpu.memory_space<hbm>>)
      tpu.yield
    }) : () -> ()
    return
  }
}

#map = affine_map<(d0, d1) -> (0, 0)>
#map1 = affine_map<(d0, d1) -> (0, 0, 0)>
module attributes {stable_mosaic.version = 14 : i64} {
  func.func @agg(%arg0: i32, %arg1: i32, %arg2: memref<10000x144xf32, #tpu.memory_space<hbm>>, %arg3: memref<8000x40xi32, #tpu.memory_space<hbm>>, %arg4: memref<8000x40xi32, #tpu.memory_space<hbm>>, %arg5: memref<2x10112x144xf32, #tpu.memory_space<hbm>>, %arg6: memref<250x40xi32, #tpu.memory_space<vmem>>, %arg7: memref<40xi32, #tpu.memory_space<vmem>>, %arg8: memref<40xi32, #tpu.memory_space<vmem>>, %arg9: memref<40xi32, #tpu.memory_space<vmem>>, %arg10: memref<40xi32, #tpu.memory_space<vmem>>, %arg11: memref<40xi32, #tpu.memory_space<vmem>>, %arg12: memref<40x144xf32, #tpu.memory_space<vmem>>, %arg13: memref<40x144xf32, #tpu.memory_space<vmem>>, %arg14: memref<40x144xf32, #tpu.memory_space<vmem>>, %arg15: memref<40x144xf32, #tpu.memory_space<vmem>>, %arg16: memref<40x144xf32, #tpu.memory_space<vmem>>, %arg17: memref<10112x144xf32, #tpu.memory_space<vmem_shared>>, %arg18: memref<!tpu.dma_semaphore, #tpu.memory_space<semaphore_mem>>, %arg19: memref<!tpu.dma_semaphore, #tpu.memory_space<semaphore_mem>>, %arg20: memref<!tpu.dma_semaphore, #tpu.memory_space<semaphore_mem>>, %arg21: memref<!tpu.dma_semaphore, #tpu.memory_space<semaphore_mem>>, %arg22: memref<!tpu.dma_semaphore, #tpu.memory_space<semaphore_mem>>, %arg23: memref<!tpu.dma_semaphore, #tpu.memory_space<semaphore_mem>>, %arg24: memref<!tpu.dma_semaphore, #tpu.memory_space<semaphore_mem>>, %arg25: memref<!tpu.dma_semaphore, #tpu.memory_space<semaphore_mem>>, %arg26: memref<!tpu.dma_semaphore, #tpu.memory_space<semaphore_mem>>, %arg27: memref<!tpu.dma_semaphore, #tpu.memory_space<semaphore_mem>>, %arg28: memref<!tpu.dma_semaphore, #tpu.memory_space<semaphore_mem>>, %arg29: memref<!tpu.dma_semaphore, #tpu.memory_space<semaphore_mem>>, %arg30: memref<!tpu.dma_semaphore, #tpu.memory_space<semaphore_mem>>, %arg31: memref<!tpu.dma_semaphore, #tpu.memory_space<semaphore_mem>>, %arg32: memref<!tpu.dma_semaphore, #tpu.memory_space<semaphore_mem>>) attributes {dimension_semantics = [#tpu.dimension_semantics<core_parallel>, #tpu.dimension_semantics<subcore_parallel>], iteration_bounds = array<i64: 2, 16>, scalar_prefetch = 0 : i64, scratch_operands = 27 : i64, tpu.core_type = #tpu.core_type<sc_vector_subcore>, window_params = [{transform_indices = #map}, {transform_indices = #map}, {transform_indices = #map}, {transform_indices = #map1}]} {
    %mul3A = arith.constant 4000 : i32
    %mul3A_0 = arith.muli %arg0, %mul3A : i32
    %mul3A_1 = arith.constant 250 : i32
    %mul3A_2 = arith.muli %arg1, %mul3A_1 : i32
    %add3A = arith.addi %mul3A_0, %mul3A_2 : i32
    %dma_start3A = arith.constant 0 : i32
    %dma_start3A_3 = tpu.memref_slice %arg3[%add3A, %dma_start3A] : memref<8000x40xi32, #tpu.memory_space<hbm>> -> memref<250x40xi32, #tpu.memory_space<hbm>>
    %dma_start3A_4 = arith.constant 0 : i32
    %dma_start3A_5 = tpu.memref_slice %arg3[%add3A, %dma_start3A_4] : memref<8000x40xi32, #tpu.memory_space<hbm>> -> memref<250x40xi32, #tpu.memory_space<hbm>>
    tpu.enqueue_dma source(%dma_start3A_5 : memref<250x40xi32, #tpu.memory_space<hbm>>) target(%arg6 : memref<250x40xi32, #tpu.memory_space<vmem>>) target_semaphore(%arg18 : memref<!tpu.dma_semaphore, #tpu.memory_space<semaphore_mem>>)
    %scan3A = arith.constant 0 : i32
    %scan3A_6 = arith.constant 0 : i32
    %scan3A_7 = arith.constant 40 : i32
    %scan3A_8 = arith.addi %scan3A_6, %scan3A_7 : i32
    %scan3A_9 = arith.constant 1 : i32
    %scan3A_10 = scf.for %scan3A_326 = %scan3A_6 to %scan3A_8 step %scan3A_9 iter_args(%scan3A_327 = %scan3A) -> (i32)  : i32 {
      %scan3A_328 = arith.constant 0 : i32
      %scan3A_329 = arith.constant 0 : i32
      %scan3A_330 = arith.constant 9 : i32
      %scan3A_331 = arith.addi %scan3A_329, %scan3A_330 : i32
      %scan3A_332 = arith.constant 1 : i32
      %scan3A_333 = scf.for %scan3A_335 = %scan3A_329 to %scan3A_331 step %scan3A_332 iter_args(%scan3A_336 = %scan3A_328) -> (i32)  : i32 {
        %broadcast_in_dim3A = arith.constant 0.000000e+00 : f32
        %broadcast_in_dim3A_337 = vector.broadcast %broadcast_in_dim3A : f32 to vector<16xf32>
        %mul3A_338 = arith.constant 16 : i32
        %mul3A_339 = arith.muli %scan3A_335, %mul3A_338 : i32
        %swap3A = arith.index_cast %scan3A_326 : i32 to index
        %swap3A_340 = arith.index_cast %mul3A_339 : i32 to index
        %swap3A_341 = tpu.vector_load %arg12[%swap3A, %swap3A_340] {strides = array<i32>} : memref<40x144xf32, #tpu.memory_space<vmem>>, vector<1x16xf32>,
        %swap3A_342 = vector.shape_cast %swap3A_341 : vector<1x16xf32> to vector<16xf32>
        %swap3A_343 = vector.shape_cast %broadcast_in_dim3A_337 : vector<16xf32> to vector<1x16xf32>
        tpu.vector_store %arg12[%swap3A, %swap3A_340], %swap3A_343 {strides = array<i32>} : memref<40x144xf32, #tpu.memory_space<vmem>>, vector<1x16xf32>,
        %scan3A_344 = arith.constant 0 : i32
        scf.yield %scan3A_344 : i32
      }
      %scan3A_334 = arith.constant 9 : i32
      scf.yield %scan3A_333 : i32
    }
    %scan3A_11 = arith.constant 40 : i32
    %mul3A_12 = arith.constant 632 : i32
    %mul3A_13 = arith.muli %arg1, %mul3A_12 : i32
    %add3A_14 = arith.constant 0 : i32
    %add3A_15 = arith.addi %mul3A_13, %add3A_14 : i32
    %dma_start3A_16 = arith.constant 0 : i32
    %dma_start3A_17 = tpu.memref_slice %arg17[%add3A_15, %dma_start3A_16] : memref<10112x144xf32, #tpu.memory_space<vmem_shared>> -> memref<40x144xf32, #tpu.memory_space<vmem_shared>>
    %dma_start3A_18 = arith.constant 0 : i32
    %dma_start3A_19 = tpu.memref_slice %arg17[%add3A_15, %dma_start3A_18] : memref<10112x144xf32, #tpu.memory_space<vmem_shared>> -> memref<40x144xf32, #tpu.memory_space<vmem_shared>>
    tpu.enqueue_dma source(%arg12 : memref<40x144xf32, #tpu.memory_space<vmem>>) target(%dma_start3A_19 : memref<40x144xf32, #tpu.memory_space<vmem_shared>>) target_semaphore(%arg23 : memref<!tpu.dma_semaphore, #tpu.memory_space<semaphore_mem>>)
    %mul3A_20 = arith.constant 632 : i32
    %mul3A_21 = arith.muli %arg1, %mul3A_20 : i32
    %add3A_22 = arith.constant 40 : i32
    %add3A_23 = arith.addi %mul3A_21, %add3A_22 : i32
    %dma_start3A_24 = arith.constant 0 : i32
    %dma_start3A_25 = tpu.memref_slice %arg17[%add3A_23, %dma_start3A_24] : memref<10112x144xf32, #tpu.memory_space<vmem_shared>> -> memref<40x144xf32, #tpu.memory_space<vmem_shared>>
    %dma_start3A_26 = arith.constant 0 : i32
    %dma_start3A_27 = tpu.memref_slice %arg17[%add3A_23, %dma_start3A_26] : memref<10112x144xf32, #tpu.memory_space<vmem_shared>> -> memref<40x144xf32, #tpu.memory_space<vmem_shared>>
    tpu.enqueue_dma source(%arg12 : memref<40x144xf32, #tpu.memory_space<vmem>>) target(%dma_start3A_27 : memref<40x144xf32, #tpu.memory_space<vmem_shared>>) target_semaphore(%arg23 : memref<!tpu.dma_semaphore, #tpu.memory_space<semaphore_mem>>)
    %mul3A_28 = arith.constant 632 : i32
    %mul3A_29 = arith.muli %arg1, %mul3A_28 : i32
    %add3A_30 = arith.constant 80 : i32
    %add3A_31 = arith.addi %mul3A_29, %add3A_30 : i32
    %dma_start3A_32 = arith.constant 0 : i32
    %dma_start3A_33 = tpu.memref_slice %arg17[%add3A_31, %dma_start3A_32] : memref<10112x144xf32, #tpu.memory_space<vmem_shared>> -> memref<40x144xf32, #tpu.memory_space<vmem_shared>>
    %dma_start3A_34 = arith.constant 0 : i32
    %dma_start3A_35 = tpu.memref_slice %arg17[%add3A_31, %dma_start3A_34] : memref<10112x144xf32, #tpu.memory_space<vmem_shared>> -> memref<40x144xf32, #tpu.memory_space<vmem_shared>>
    tpu.enqueue_dma source(%arg12 : memref<40x144xf32, #tpu.memory_space<vmem>>) target(%dma_start3A_35 : memref<40x144xf32, #tpu.memory_space<vmem_shared>>) target_semaphore(%arg23 : memref<!tpu.dma_semaphore, #tpu.memory_space<semaphore_mem>>)
    %mul3A_36 = arith.constant 632 : i32
    %mul3A_37 = arith.muli %arg1, %mul3A_36 : i32
    %add3A_38 = arith.constant 120 : i32
    %add3A_39 = arith.addi %mul3A_37, %add3A_38 : i32
    %dma_start3A_40 = arith.constant 0 : i32
    %dma_start3A_41 = tpu.memref_slice %arg17[%add3A_39, %dma_start3A_40] : memref<10112x144xf32, #tpu.memory_space<vmem_shared>> -> memref<40x144xf32, #tpu.memory_space<vmem_shared>>
    %dma_start3A_42 = arith.constant 0 : i32
    %dma_start3A_43 = tpu.memref_slice %arg17[%add3A_39, %dma_start3A_42] : memref<10112x144xf32, #tpu.memory_space<vmem_shared>> -> memref<40x144xf32, #tpu.memory_space<vmem_shared>>
    tpu.enqueue_dma source(%arg12 : memref<40x144xf32, #tpu.memory_space<vmem>>) target(%dma_start3A_43 : memref<40x144xf32, #tpu.memory_space<vmem_shared>>) target_semaphore(%arg23 : memref<!tpu.dma_semaphore, #tpu.memory_space<semaphore_mem>>)
    %mul3A_44 = arith.constant 632 : i32
    %mul3A_45 = arith.muli %arg1, %mul3A_44 : i32
    %add3A_46 = arith.constant 160 : i32
    %add3A_47 = arith.addi %mul3A_45, %add3A_46 : i32
    %dma_start3A_48 = arith.constant 0 : i32
    %dma_start3A_49 = tpu.memref_slice %arg17[%add3A_47, %dma_start3A_48] : memref<10112x144xf32, #tpu.memory_space<vmem_shared>> -> memref<40x144xf32, #tpu.memory_space<vmem_shared>>
    %dma_start3A_50 = arith.constant 0 : i32
    %dma_start3A_51 = tpu.memref_slice %arg17[%add3A_47, %dma_start3A_50] : memref<10112x144xf32, #tpu.memory_space<vmem_shared>> -> memref<40x144xf32, #tpu.memory_space<vmem_shared>>
    tpu.enqueue_dma source(%arg12 : memref<40x144xf32, #tpu.memory_space<vmem>>) target(%dma_start3A_51 : memref<40x144xf32, #tpu.memory_space<vmem_shared>>) target_semaphore(%arg23 : memref<!tpu.dma_semaphore, #tpu.memory_space<semaphore_mem>>)
    %mul3A_52 = arith.constant 632 : i32
    %mul3A_53 = arith.muli %arg1, %mul3A_52 : i32
    %add3A_54 = arith.constant 200 : i32
    %add3A_55 = arith.addi %mul3A_53, %add3A_54 : i32
    %dma_start3A_56 = arith.constant 0 : i32
    %dma_start3A_57 = tpu.memref_slice %arg17[%add3A_55, %dma_start3A_56] : memref<10112x144xf32, #tpu.memory_space<vmem_shared>> -> memref<40x144xf32, #tpu.memory_space<vmem_shared>>
    %dma_start3A_58 = arith.constant 0 : i32
    %dma_start3A_59 = tpu.memref_slice %arg17[%add3A_55, %dma_start3A_58] : memref<10112x144xf32, #tpu.memory_space<vmem_shared>> -> memref<40x144xf32, #tpu.memory_space<vmem_shared>>
    tpu.enqueue_dma source(%arg12 : memref<40x144xf32, #tpu.memory_space<vmem>>) target(%dma_start3A_59 : memref<40x144xf32, #tpu.memory_space<vmem_shared>>) target_semaphore(%arg23 : memref<!tpu.dma_semaphore, #tpu.memory_space<semaphore_mem>>)
    %mul3A_60 = arith.constant 632 : i32
    %mul3A_61 = arith.muli %arg1, %mul3A_60 : i32
    %add3A_62 = arith.constant 240 : i32
    %add3A_63 = arith.addi %mul3A_61, %add3A_62 : i32
    %dma_start3A_64 = arith.constant 0 : i32
    %dma_start3A_65 = tpu.memref_slice %arg17[%add3A_63, %dma_start3A_64] : memref<10112x144xf32, #tpu.memory_space<vmem_shared>> -> memref<40x144xf32, #tpu.memory_space<vmem_shared>>
    %dma_start3A_66 = arith.constant 0 : i32
    %dma_start3A_67 = tpu.memref_slice %arg17[%add3A_63, %dma_start3A_66] : memref<10112x144xf32, #tpu.memory_space<vmem_shared>> -> memref<40x144xf32, #tpu.memory_space<vmem_shared>>
    tpu.enqueue_dma source(%arg12 : memref<40x144xf32, #tpu.memory_space<vmem>>) target(%dma_start3A_67 : memref<40x144xf32, #tpu.memory_space<vmem_shared>>) target_semaphore(%arg23 : memref<!tpu.dma_semaphore, #tpu.memory_space<semaphore_mem>>)
    %mul3A_68 = arith.constant 632 : i32
    %mul3A_69 = arith.muli %arg1, %mul3A_68 : i32
    %add3A_70 = arith.constant 280 : i32
    %add3A_71 = arith.addi %mul3A_69, %add3A_70 : i32
    %dma_start3A_72 = arith.constant 0 : i32
    %dma_start3A_73 = tpu.memref_slice %arg17[%add3A_71, %dma_start3A_72] : memref<10112x144xf32, #tpu.memory_space<vmem_shared>> -> memref<40x144xf32, #tpu.memory_space<vmem_shared>>
    %dma_start3A_74 = arith.constant 0 : i32
    %dma_start3A_75 = tpu.memref_slice %arg17[%add3A_71, %dma_start3A_74] : memref<10112x144xf32, #tpu.memory_space<vmem_shared>> -> memref<40x144xf32, #tpu.memory_space<vmem_shared>>
    tpu.enqueue_dma source(%arg12 : memref<40x144xf32, #tpu.memory_space<vmem>>) target(%dma_start3A_75 : memref<40x144xf32, #tpu.memory_space<vmem_shared>>) target_semaphore(%arg23 : memref<!tpu.dma_semaphore, #tpu.memory_space<semaphore_mem>>)
    %mul3A_76 = arith.constant 632 : i32
    %mul3A_77 = arith.muli %arg1, %mul3A_76 : i32
    %add3A_78 = arith.constant 320 : i32
    %add3A_79 = arith.addi %mul3A_77, %add3A_78 : i32
    %dma_start3A_80 = arith.constant 0 : i32
    %dma_start3A_81 = tpu.memref_slice %arg17[%add3A_79, %dma_start3A_80] : memref<10112x144xf32, #tpu.memory_space<vmem_shared>> -> memref<40x144xf32, #tpu.memory_space<vmem_shared>>
    %dma_start3A_82 = arith.constant 0 : i32
    %dma_start3A_83 = tpu.memref_slice %arg17[%add3A_79, %dma_start3A_82] : memref<10112x144xf32, #tpu.memory_space<vmem_shared>> -> memref<40x144xf32, #tpu.memory_space<vmem_shared>>
    tpu.enqueue_dma source(%arg12 : memref<40x144xf32, #tpu.memory_space<vmem>>) target(%dma_start3A_83 : memref<40x144xf32, #tpu.memory_space<vmem_shared>>) target_semaphore(%arg23 : memref<!tpu.dma_semaphore, #tpu.memory_space<semaphore_mem>>)
    %mul3A_84 = arith.constant 632 : i32
    %mul3A_85 = arith.muli %arg1, %mul3A_84 : i32
    %add3A_86 = arith.constant 360 : i32
    %add3A_87 = arith.addi %mul3A_85, %add3A_86 : i32
    %dma_start3A_88 = arith.constant 0 : i32
    %dma_start3A_89 = tpu.memref_slice %arg17[%add3A_87, %dma_start3A_88] : memref<10112x144xf32, #tpu.memory_space<vmem_shared>> -> memref<40x144xf32, #tpu.memory_space<vmem_shared>>
    %dma_start3A_90 = arith.constant 0 : i32
    %dma_start3A_91 = tpu.memref_slice %arg17[%add3A_87, %dma_start3A_90] : memref<10112x144xf32, #tpu.memory_space<vmem_shared>> -> memref<40x144xf32, #tpu.memory_space<vmem_shared>>
    tpu.enqueue_dma source(%arg12 : memref<40x144xf32, #tpu.memory_space<vmem>>) target(%dma_start3A_91 : memref<40x144xf32, #tpu.memory_space<vmem_shared>>) target_semaphore(%arg23 : memref<!tpu.dma_semaphore, #tpu.memory_space<semaphore_mem>>)
    %mul3A_92 = arith.constant 632 : i32
    %mul3A_93 = arith.muli %arg1, %mul3A_92 : i32
    %add3A_94 = arith.constant 400 : i32
    %add3A_95 = arith.addi %mul3A_93, %add3A_94 : i32
    %dma_start3A_96 = arith.constant 0 : i32
    %dma_start3A_97 = tpu.memref_slice %arg17[%add3A_95, %dma_start3A_96] : memref<10112x144xf32, #tpu.memory_space<vmem_shared>> -> memref<40x144xf32, #tpu.memory_space<vmem_shared>>
    %dma_start3A_98 = arith.constant 0 : i32
    %dma_start3A_99 = tpu.memref_slice %arg17[%add3A_95, %dma_start3A_98] : memref<10112x144xf32, #tpu.memory_space<vmem_shared>> -> memref<40x144xf32, #tpu.memory_space<vmem_shared>>
    tpu.enqueue_dma source(%arg12 : memref<40x144xf32, #tpu.memory_space<vmem>>) target(%dma_start3A_99 : memref<40x144xf32, #tpu.memory_space<vmem_shared>>) target_semaphore(%arg23 : memref<!tpu.dma_semaphore, #tpu.memory_space<semaphore_mem>>)
    %mul3A_100 = arith.constant 632 : i32
    %mul3A_101 = arith.muli %arg1, %mul3A_100 : i32
    %add3A_102 = arith.constant 440 : i32
    %add3A_103 = arith.addi %mul3A_101, %add3A_102 : i32
    %dma_start3A_104 = arith.constant 0 : i32
    %dma_start3A_105 = tpu.memref_slice %arg17[%add3A_103, %dma_start3A_104] : memref<10112x144xf32, #tpu.memory_space<vmem_shared>> -> memref<40x144xf32, #tpu.memory_space<vmem_shared>>
    %dma_start3A_106 = arith.constant 0 : i32
    %dma_start3A_107 = tpu.memref_slice %arg17[%add3A_103, %dma_start3A_106] : memref<10112x144xf32, #tpu.memory_space<vmem_shared>> -> memref<40x144xf32, #tpu.memory_space<vmem_shared>>
    tpu.enqueue_dma source(%arg12 : memref<40x144xf32, #tpu.memory_space<vmem>>) target(%dma_start3A_107 : memref<40x144xf32, #tpu.memory_space<vmem_shared>>) target_semaphore(%arg23 : memref<!tpu.dma_semaphore, #tpu.memory_space<semaphore_mem>>)
    %mul3A_108 = arith.constant 632 : i32
    %mul3A_109 = arith.muli %arg1, %mul3A_108 : i32
    %add3A_110 = arith.constant 480 : i32
    %add3A_111 = arith.addi %mul3A_109, %add3A_110 : i32
    %dma_start3A_112 = arith.constant 0 : i32
    %dma_start3A_113 = tpu.memref_slice %arg17[%add3A_111, %dma_start3A_112] : memref<10112x144xf32, #tpu.memory_space<vmem_shared>> -> memref<40x144xf32, #tpu.memory_space<vmem_shared>>
    %dma_start3A_114 = arith.constant 0 : i32
    %dma_start3A_115 = tpu.memref_slice %arg17[%add3A_111, %dma_start3A_114] : memref<10112x144xf32, #tpu.memory_space<vmem_shared>> -> memref<40x144xf32, #tpu.memory_space<vmem_shared>>
    tpu.enqueue_dma source(%arg12 : memref<40x144xf32, #tpu.memory_space<vmem>>) target(%dma_start3A_115 : memref<40x144xf32, #tpu.memory_space<vmem_shared>>) target_semaphore(%arg23 : memref<!tpu.dma_semaphore, #tpu.memory_space<semaphore_mem>>)
    %mul3A_116 = arith.constant 632 : i32
    %mul3A_117 = arith.muli %arg1, %mul3A_116 : i32
    %add3A_118 = arith.constant 520 : i32
    %add3A_119 = arith.addi %mul3A_117, %add3A_118 : i32
    %dma_start3A_120 = arith.constant 0 : i32
    %dma_start3A_121 = tpu.memref_slice %arg17[%add3A_119, %dma_start3A_120] : memref<10112x144xf32, #tpu.memory_space<vmem_shared>> -> memref<40x144xf32, #tpu.memory_space<vmem_shared>>
    %dma_start3A_122 = arith.constant 0 : i32
    %dma_start3A_123 = tpu.memref_slice %arg17[%add3A_119, %dma_start3A_122] : memref<10112x144xf32, #tpu.memory_space<vmem_shared>> -> memref<40x144xf32, #tpu.memory_space<vmem_shared>>
    tpu.enqueue_dma source(%arg12 : memref<40x144xf32, #tpu.memory_space<vmem>>) target(%dma_start3A_123 : memref<40x144xf32, #tpu.memory_space<vmem_shared>>) target_semaphore(%arg23 : memref<!tpu.dma_semaphore, #tpu.memory_space<semaphore_mem>>)
    %mul3A_124 = arith.constant 632 : i32
    %mul3A_125 = arith.muli %arg1, %mul3A_124 : i32
    %add3A_126 = arith.constant 560 : i32
    %add3A_127 = arith.addi %mul3A_125, %add3A_126 : i32
    %dma_start3A_128 = arith.constant 0 : i32
    %dma_start3A_129 = tpu.memref_slice %arg17[%add3A_127, %dma_start3A_128] : memref<10112x144xf32, #tpu.memory_space<vmem_shared>> -> memref<40x144xf32, #tpu.memory_space<vmem_shared>>
    %dma_start3A_130 = arith.constant 0 : i32
    %dma_start3A_131 = tpu.memref_slice %arg17[%add3A_127, %dma_start3A_130] : memref<10112x144xf32, #tpu.memory_space<vmem_shared>> -> memref<40x144xf32, #tpu.memory_space<vmem_shared>>
    tpu.enqueue_dma source(%arg12 : memref<40x144xf32, #tpu.memory_space<vmem>>) target(%dma_start3A_131 : memref<40x144xf32, #tpu.memory_space<vmem_shared>>) target_semaphore(%arg23 : memref<!tpu.dma_semaphore, #tpu.memory_space<semaphore_mem>>)
    %mul3A_132 = arith.constant 632 : i32
    %mul3A_133 = arith.muli %arg1, %mul3A_132 : i32
    %add3A_134 = arith.constant 600 : i32
    %add3A_135 = arith.addi %mul3A_133, %add3A_134 : i32
    %dma_start3A_136 = arith.constant 0 : i32
    %dma_start3A_137 = arith.constant 0 : i32
    %dma_start3A_138 = tpu.memref_slice %arg12[%dma_start3A_136, %dma_start3A_137] : memref<40x144xf32, #tpu.memory_space<vmem>> -> memref<32x144xf32, #tpu.memory_space<vmem>>
    %dma_start3A_139 = arith.constant 0 : i32
    %dma_start3A_140 = tpu.memref_slice %arg17[%add3A_135, %dma_start3A_139] : memref<10112x144xf32, #tpu.memory_space<vmem_shared>> -> memref<32x144xf32, #tpu.memory_space<vmem_shared>>
    %dma_start3A_141 = arith.constant 0 : i32
    %dma_start3A_142 = tpu.memref_slice %arg17[%add3A_135, %dma_start3A_141] : memref<10112x144xf32, #tpu.memory_space<vmem_shared>> -> memref<32x144xf32, #tpu.memory_space<vmem_shared>>
    %dma_start3A_143 = arith.constant 0 : i32
    %dma_start3A_144 = arith.constant 0 : i32
    %dma_start3A_145 = tpu.memref_slice %arg12[%dma_start3A_143, %dma_start3A_144] : memref<40x144xf32, #tpu.memory_space<vmem>> -> memref<32x144xf32, #tpu.memory_space<vmem>>
    tpu.enqueue_dma source(%dma_start3A_145 : memref<32x144xf32, #tpu.memory_space<vmem>>) target(%dma_start3A_142 : memref<32x144xf32, #tpu.memory_space<vmem_shared>>) target_semaphore(%arg24 : memref<!tpu.dma_semaphore, #tpu.memory_space<semaphore_mem>>)
    %dma_wait3A = arith.constant 0 : i32
    %dma_wait3A_146 = arith.constant 0 : i32
    %dma_wait3A_147 = tpu.memref_slice %arg17[%dma_wait3A, %dma_wait3A_146] : memref<10112x144xf32, #tpu.memory_space<vmem_shared>> -> memref<40x144xf32, #tpu.memory_space<vmem_shared>>
    %dma_wait3A_148 = arith.constant 0 : i32
    %dma_wait3A_149 = arith.constant 0 : i32
    %dma_wait3A_150 = tpu.memref_slice %arg17[%dma_wait3A_148, %dma_wait3A_149] : memref<10112x144xf32, #tpu.memory_space<vmem_shared>> -> memref<40x144xf32, #tpu.memory_space<vmem_shared>>
    tpu.wait_dma2 semaphore(%arg23 : memref<!tpu.dma_semaphore, #tpu.memory_space<semaphore_mem>>) src(%arg12 : memref<40x144xf32, #tpu.memory_space<vmem>>) dst(%dma_wait3A_150 : memref<40x144xf32, #tpu.memory_space<vmem_shared>>)
    %dma_wait3A_151 = arith.constant 0 : i32
    %dma_wait3A_152 = arith.constant 0 : i32
    %dma_wait3A_153 = tpu.memref_slice %arg17[%dma_wait3A_151, %dma_wait3A_152] : memref<10112x144xf32, #tpu.memory_space<vmem_shared>> -> memref<40x144xf32, #tpu.memory_space<vmem_shared>>
    %dma_wait3A_154 = arith.constant 0 : i32
    %dma_wait3A_155 = arith.constant 0 : i32
    %dma_wait3A_156 = tpu.memref_slice %arg17[%dma_wait3A_154, %dma_wait3A_155] : memref<10112x144xf32, #tpu.memory_space<vmem_shared>> -> memref<40x144xf32, #tpu.memory_space<vmem_shared>>
    tpu.wait_dma2 semaphore(%arg23 : memref<!tpu.dma_semaphore, #tpu.memory_space<semaphore_mem>>) src(%arg12 : memref<40x144xf32, #tpu.memory_space<vmem>>) dst(%dma_wait3A_156 : memref<40x144xf32, #tpu.memory_space<vmem_shared>>)
    %dma_wait3A_157 = arith.constant 0 : i32
    %dma_wait3A_158 = arith.constant 0 : i32
    %dma_wait3A_159 = tpu.memref_slice %arg17[%dma_wait3A_157, %dma_wait3A_158] : memref<10112x144xf32, #tpu.memory_space<vmem_shared>> -> memref<40x144xf32, #tpu.memory_space<vmem_shared>>
    %dma_wait3A_160 = arith.constant 0 : i32
    %dma_wait3A_161 = arith.constant 0 : i32
    %dma_wait3A_162 = tpu.memref_slice %arg17[%dma_wait3A_160, %dma_wait3A_161] : memref<10112x144xf32, #tpu.memory_space<vmem_shared>> -> memref<40x144xf32, #tpu.memory_space<vmem_shared>>
    tpu.wait_dma2 semaphore(%arg23 : memref<!tpu.dma_semaphore, #tpu.memory_space<semaphore_mem>>) src(%arg12 : memref<40x144xf32, #tpu.memory_space<vmem>>) dst(%dma_wait3A_162 : memref<40x144xf32, #tpu.memory_space<vmem_shared>>)
    %dma_wait3A_163 = arith.constant 0 : i32
    %dma_wait3A_164 = arith.constant 0 : i32
    %dma_wait3A_165 = tpu.memref_slice %arg17[%dma_wait3A_163, %dma_wait3A_164] : memref<10112x144xf32, #tpu.memory_space<vmem_shared>> -> memref<40x144xf32, #tpu.memory_space<vmem_shared>>
    %dma_wait3A_166 = arith.constant 0 : i32
    %dma_wait3A_167 = arith.constant 0 : i32
    %dma_wait3A_168 = tpu.memref_slice %arg17[%dma_wait3A_166, %dma_wait3A_167] : memref<10112x144xf32, #tpu.memory_space<vmem_shared>> -> memref<40x144xf32, #tpu.memory_space<vmem_shared>>
    tpu.wait_dma2 semaphore(%arg23 : memref<!tpu.dma_semaphore, #tpu.memory_space<semaphore_mem>>) src(%arg12 : memref<40x144xf32, #tpu.memory_space<vmem>>) dst(%dma_wait3A_168 : memref<40x144xf32, #tpu.memory_space<vmem_shared>>)
    %dma_wait3A_169 = arith.constant 0 : i32
    %dma_wait3A_170 = arith.constant 0 : i32
    %dma_wait3A_171 = tpu.memref_slice %arg17[%dma_wait3A_169, %dma_wait3A_170] : memref<10112x144xf32, #tpu.memory_space<vmem_shared>> -> memref<40x144xf32, #tpu.memory_space<vmem_shared>>
    %dma_wait3A_172 = arith.constant 0 : i32
    %dma_wait3A_173 = arith.constant 0 : i32
    %dma_wait3A_174 = tpu.memref_slice %arg17[%dma_wait3A_172, %dma_wait3A_173] : memref<10112x144xf32, #tpu.memory_space<vmem_shared>> -> memref<40x144xf32, #tpu.memory_space<vmem_shared>>
    tpu.wait_dma2 semaphore(%arg23 : memref<!tpu.dma_semaphore, #tpu.memory_space<semaphore_mem>>) src(%arg12 : memref<40x144xf32, #tpu.memory_space<vmem>>) dst(%dma_wait3A_174 : memref<40x144xf32, #tpu.memory_space<vmem_shared>>)
    %dma_wait3A_175 = arith.constant 0 : i32
    %dma_wait3A_176 = arith.constant 0 : i32
    %dma_wait3A_177 = tpu.memref_slice %arg17[%dma_wait3A_175, %dma_wait3A_176] : memref<10112x144xf32, #tpu.memory_space<vmem_shared>> -> memref<40x144xf32, #tpu.memory_space<vmem_shared>>
    %dma_wait3A_178 = arith.constant 0 : i32
    %dma_wait3A_179 = arith.constant 0 : i32
    %dma_wait3A_180 = tpu.memref_slice %arg17[%dma_wait3A_178, %dma_wait3A_179] : memref<10112x144xf32, #tpu.memory_space<vmem_shared>> -> memref<40x144xf32, #tpu.memory_space<vmem_shared>>
    tpu.wait_dma2 semaphore(%arg23 : memref<!tpu.dma_semaphore, #tpu.memory_space<semaphore_mem>>) src(%arg12 : memref<40x144xf32, #tpu.memory_space<vmem>>) dst(%dma_wait3A_180 : memref<40x144xf32, #tpu.memory_space<vmem_shared>>)
    %dma_wait3A_181 = arith.constant 0 : i32
    %dma_wait3A_182 = arith.constant 0 : i32
    %dma_wait3A_183 = tpu.memref_slice %arg17[%dma_wait3A_181, %dma_wait3A_182] : memref<10112x144xf32, #tpu.memory_space<vmem_shared>> -> memref<40x144xf32, #tpu.memory_space<vmem_shared>>
    %dma_wait3A_184 = arith.constant 0 : i32
    %dma_wait3A_185 = arith.constant 0 : i32
    %dma_wait3A_186 = tpu.memref_slice %arg17[%dma_wait3A_184, %dma_wait3A_185] : memref<10112x144xf32, #tpu.memory_space<vmem_shared>> -> memref<40x144xf32, #tpu.memory_space<vmem_shared>>
    tpu.wait_dma2 semaphore(%arg23 : memref<!tpu.dma_semaphore, #tpu.memory_space<semaphore_mem>>) src(%arg12 : memref<40x144xf32, #tpu.memory_space<vmem>>) dst(%dma_wait3A_186 : memref<40x144xf32, #tpu.memory_space<vmem_shared>>)
    %dma_wait3A_187 = arith.constant 0 : i32
    %dma_wait3A_188 = arith.constant 0 : i32
    %dma_wait3A_189 = tpu.memref_slice %arg17[%dma_wait3A_187, %dma_wait3A_188] : memref<10112x144xf32, #tpu.memory_space<vmem_shared>> -> memref<40x144xf32, #tpu.memory_space<vmem_shared>>
    %dma_wait3A_190 = arith.constant 0 : i32
    %dma_wait3A_191 = arith.constant 0 : i32
    %dma_wait3A_192 = tpu.memref_slice %arg17[%dma_wait3A_190, %dma_wait3A_191] : memref<10112x144xf32, #tpu.memory_space<vmem_shared>> -> memref<40x144xf32, #tpu.memory_space<vmem_shared>>
    tpu.wait_dma2 semaphore(%arg23 : memref<!tpu.dma_semaphore, #tpu.memory_space<semaphore_mem>>) src(%arg12 : memref<40x144xf32, #tpu.memory_space<vmem>>) dst(%dma_wait3A_192 : memref<40x144xf32, #tpu.memory_space<vmem_shared>>)
    %dma_wait3A_193 = arith.constant 0 : i32
    %dma_wait3A_194 = arith.constant 0 : i32
    %dma_wait3A_195 = tpu.memref_slice %arg17[%dma_wait3A_193, %dma_wait3A_194] : memref<10112x144xf32, #tpu.memory_space<vmem_shared>> -> memref<40x144xf32, #tpu.memory_space<vmem_shared>>
    %dma_wait3A_196 = arith.constant 0 : i32
    %dma_wait3A_197 = arith.constant 0 : i32
    %dma_wait3A_198 = tpu.memref_slice %arg17[%dma_wait3A_196, %dma_wait3A_197] : memref<10112x144xf32, #tpu.memory_space<vmem_shared>> -> memref<40x144xf32, #tpu.memory_space<vmem_shared>>
    tpu.wait_dma2 semaphore(%arg23 : memref<!tpu.dma_semaphore, #tpu.memory_space<semaphore_mem>>) src(%arg12 : memref<40x144xf32, #tpu.memory_space<vmem>>) dst(%dma_wait3A_198 : memref<40x144xf32, #tpu.memory_space<vmem_shared>>)
    %dma_wait3A_199 = arith.constant 0 : i32
    %dma_wait3A_200 = arith.constant 0 : i32
    %dma_wait3A_201 = tpu.memref_slice %arg17[%dma_wait3A_199, %dma_wait3A_200] : memref<10112x144xf32, #tpu.memory_space<vmem_shared>> -> memref<40x144xf32, #tpu.memory_space<vmem_shared>>
    %dma_wait3A_202 = arith.constant 0 : i32
    %dma_wait3A_203 = arith.constant 0 : i32
    %dma_wait3A_204 = tpu.memref_slice %arg17[%dma_wait3A_202, %dma_wait3A_203] : memref<10112x144xf32, #tpu.memory_space<vmem_shared>> -> memref<40x144xf32, #tpu.memory_space<vmem_shared>>
    tpu.wait_dma2 semaphore(%arg23 : memref<!tpu.dma_semaphore, #tpu.memory_space<semaphore_mem>>) src(%arg12 : memref<40x144xf32, #tpu.memory_space<vmem>>) dst(%dma_wait3A_204 : memref<40x144xf32, #tpu.memory_space<vmem_shared>>)
    %dma_wait3A_205 = arith.constant 0 : i32
    %dma_wait3A_206 = arith.constant 0 : i32
    %dma_wait3A_207 = tpu.memref_slice %arg17[%dma_wait3A_205, %dma_wait3A_206] : memref<10112x144xf32, #tpu.memory_space<vmem_shared>> -> memref<40x144xf32, #tpu.memory_space<vmem_shared>>
    %dma_wait3A_208 = arith.constant 0 : i32
    %dma_wait3A_209 = arith.constant 0 : i32
    %dma_wait3A_210 = tpu.memref_slice %arg17[%dma_wait3A_208, %dma_wait3A_209] : memref<10112x144xf32, #tpu.memory_space<vmem_shared>> -> memref<40x144xf32, #tpu.memory_space<vmem_shared>>
    tpu.wait_dma2 semaphore(%arg23 : memref<!tpu.dma_semaphore, #tpu.memory_space<semaphore_mem>>) src(%arg12 : memref<40x144xf32, #tpu.memory_space<vmem>>) dst(%dma_wait3A_210 : memref<40x144xf32, #tpu.memory_space<vmem_shared>>)
    %dma_wait3A_211 = arith.constant 0 : i32
    %dma_wait3A_212 = arith.constant 0 : i32
    %dma_wait3A_213 = tpu.memref_slice %arg17[%dma_wait3A_211, %dma_wait3A_212] : memref<10112x144xf32, #tpu.memory_space<vmem_shared>> -> memref<40x144xf32, #tpu.memory_space<vmem_shared>>
    %dma_wait3A_214 = arith.constant 0 : i32
    %dma_wait3A_215 = arith.constant 0 : i32
    %dma_wait3A_216 = tpu.memref_slice %arg17[%dma_wait3A_214, %dma_wait3A_215] : memref<10112x144xf32, #tpu.memory_space<vmem_shared>> -> memref<40x144xf32, #tpu.memory_space<vmem_shared>>
    tpu.wait_dma2 semaphore(%arg23 : memref<!tpu.dma_semaphore, #tpu.memory_space<semaphore_mem>>) src(%arg12 : memref<40x144xf32, #tpu.memory_space<vmem>>) dst(%dma_wait3A_216 : memref<40x144xf32, #tpu.memory_space<vmem_shared>>)
    %dma_wait3A_217 = arith.constant 0 : i32
    %dma_wait3A_218 = arith.constant 0 : i32
    %dma_wait3A_219 = tpu.memref_slice %arg17[%dma_wait3A_217, %dma_wait3A_218] : memref<10112x144xf32, #tpu.memory_space<vmem_shared>> -> memref<40x144xf32, #tpu.memory_space<vmem_shared>>
    %dma_wait3A_220 = arith.constant 0 : i32
    %dma_wait3A_221 = arith.constant 0 : i32
    %dma_wait3A_222 = tpu.memref_slice %arg17[%dma_wait3A_220, %dma_wait3A_221] : memref<10112x144xf32, #tpu.memory_space<vmem_shared>> -> memref<40x144xf32, #tpu.memory_space<vmem_shared>>
    tpu.wait_dma2 semaphore(%arg23 : memref<!tpu.dma_semaphore, #tpu.memory_space<semaphore_mem>>) src(%arg12 : memref<40x144xf32, #tpu.memory_space<vmem>>) dst(%dma_wait3A_222 : memref<40x144xf32, #tpu.memory_space<vmem_shared>>)
    %dma_wait3A_223 = arith.constant 0 : i32
    %dma_wait3A_224 = arith.constant 0 : i32
    %dma_wait3A_225 = tpu.memref_slice %arg17[%dma_wait3A_223, %dma_wait3A_224] : memref<10112x144xf32, #tpu.memory_space<vmem_shared>> -> memref<40x144xf32, #tpu.memory_space<vmem_shared>>
    %dma_wait3A_226 = arith.constant 0 : i32
    %dma_wait3A_227 = arith.constant 0 : i32
    %dma_wait3A_228 = tpu.memref_slice %arg17[%dma_wait3A_226, %dma_wait3A_227] : memref<10112x144xf32, #tpu.memory_space<vmem_shared>> -> memref<40x144xf32, #tpu.memory_space<vmem_shared>>
    tpu.wait_dma2 semaphore(%arg23 : memref<!tpu.dma_semaphore, #tpu.memory_space<semaphore_mem>>) src(%arg12 : memref<40x144xf32, #tpu.memory_space<vmem>>) dst(%dma_wait3A_228 : memref<40x144xf32, #tpu.memory_space<vmem_shared>>)
    %dma_wait3A_229 = arith.constant 0 : i32
    %dma_wait3A_230 = arith.constant 0 : i32
    %dma_wait3A_231 = tpu.memref_slice %arg17[%dma_wait3A_229, %dma_wait3A_230] : memref<10112x144xf32, #tpu.memory_space<vmem_shared>> -> memref<40x144xf32, #tpu.memory_space<vmem_shared>>
    %dma_wait3A_232 = arith.constant 0 : i32
    %dma_wait3A_233 = arith.constant 0 : i32
    %dma_wait3A_234 = tpu.memref_slice %arg17[%dma_wait3A_232, %dma_wait3A_233] : memref<10112x144xf32, #tpu.memory_space<vmem_shared>> -> memref<40x144xf32, #tpu.memory_space<vmem_shared>>
    tpu.wait_dma2 semaphore(%arg23 : memref<!tpu.dma_semaphore, #tpu.memory_space<semaphore_mem>>) src(%arg12 : memref<40x144xf32, #tpu.memory_space<vmem>>) dst(%dma_wait3A_234 : memref<40x144xf32, #tpu.memory_space<vmem_shared>>)
    %dma_wait3A_235 = arith.constant 0 : i32
    %dma_wait3A_236 = arith.constant 0 : i32
    %dma_wait3A_237 = tpu.memref_slice %arg12[%dma_wait3A_235, %dma_wait3A_236] : memref<40x144xf32, #tpu.memory_space<vmem>> -> memref<32x144xf32, #tpu.memory_space<vmem>>
    %dma_wait3A_238 = arith.constant 0 : i32
    %dma_wait3A_239 = arith.constant 0 : i32
    %dma_wait3A_240 = tpu.memref_slice %arg17[%dma_wait3A_238, %dma_wait3A_239] : memref<10112x144xf32, #tpu.memory_space<vmem_shared>> -> memref<32x144xf32, #tpu.memory_space<vmem_shared>>
    %dma_wait3A_241 = arith.constant 0 : i32
    %dma_wait3A_242 = arith.constant 0 : i32
    %dma_wait3A_243 = tpu.memref_slice %arg17[%dma_wait3A_241, %dma_wait3A_242] : memref<10112x144xf32, #tpu.memory_space<vmem_shared>> -> memref<32x144xf32, #tpu.memory_space<vmem_shared>>
    %dma_wait3A_244 = arith.constant 0 : i32
    %dma_wait3A_245 = arith.constant 0 : i32
    %dma_wait3A_246 = tpu.memref_slice %arg12[%dma_wait3A_244, %dma_wait3A_245] : memref<40x144xf32, #tpu.memory_space<vmem>> -> memref<32x144xf32, #tpu.memory_space<vmem>>
    tpu.wait_dma2 semaphore(%arg24 : memref<!tpu.dma_semaphore, #tpu.memory_space<semaphore_mem>>) src(%dma_wait3A_246 : memref<32x144xf32, #tpu.memory_space<vmem>>) dst(%dma_wait3A_243 : memref<32x144xf32, #tpu.memory_space<vmem_shared>>)
    %dma_wait3A_247 = arith.constant 0 : i32
    %dma_wait3A_248 = tpu.memref_slice %arg3[%add3A, %dma_wait3A_247] : memref<8000x40xi32, #tpu.memory_space<hbm>> -> memref<250x40xi32, #tpu.memory_space<hbm>>
    %dma_wait3A_249 = arith.constant 0 : i32
    %dma_wait3A_250 = tpu.memref_slice %arg3[%add3A, %dma_wait3A_249] : memref<8000x40xi32, #tpu.memory_space<hbm>> -> memref<250x40xi32, #tpu.memory_space<hbm>>
    tpu.wait_dma2 semaphore(%arg18 : memref<!tpu.dma_semaphore, #tpu.memory_space<semaphore_mem>>) src(%dma_wait3A_250 : memref<250x40xi32, #tpu.memory_space<hbm>>) dst(%arg6 : memref<250x40xi32, #tpu.memory_space<vmem>>)
    %barrier3A = arith.constant 0 : index
    tpu.barrier barrier_id(%barrier3A)
    %add3A_251 = arith.constant 0 : i32
    %add3A_252 = arith.addi %add3A, %add3A_251 : i32
    %dma_start3A_253 = arith.constant 0 : i32
    %dma_start3A_254 = tpu.memref_slice %arg4[%add3A_252, %dma_start3A_253] : memref<8000x40xi32, #tpu.memory_space<hbm>> -> memref<1x40xi32, #tpu.memory_space<hbm>>
    %dma_start3A_255 = tpu.memref_squeeze %dma_start3A_254 : memref<1x40xi32, #tpu.memory_space<hbm>> -> memref<40xi32, #tpu.memory_space<hbm>>
    %dma_start3A_256 = arith.constant 0 : i32
    %dma_start3A_257 = tpu.memref_slice %arg4[%add3A_252, %dma_start3A_256] : memref<8000x40xi32, #tpu.memory_space<hbm>> -> memref<1x40xi32, #tpu.memory_space<hbm>>
    %dma_start3A_258 = tpu.memref_squeeze %dma_start3A_257 : memref<1x40xi32, #tpu.memory_space<hbm>> -> memref<40xi32, #tpu.memory_space<hbm>>
    tpu.enqueue_dma source(%dma_start3A_258 : memref<40xi32, #tpu.memory_space<hbm>>) target(%arg7 : memref<40xi32, #tpu.memory_space<vmem>>) target_semaphore(%arg28 : memref<!tpu.dma_semaphore, #tpu.memory_space<semaphore_mem>>)
    %dma_start3A_259 = arith.constant 0 : i32
    %dma_start3A_260 = arith.constant 0 : i32
    %dma_start3A_261 = tpu.memref_slice %arg6[%dma_start3A_259, %dma_start3A_260] : memref<250x40xi32, #tpu.memory_space<vmem>> -> memref<1x40xi32, #tpu.memory_space<vmem>>
    %dma_start3A_262 = tpu.memref_squeeze %dma_start3A_261 : memref<1x40xi32, #tpu.memory_space<vmem>> -> memref<40xi32, #tpu.memory_space<vmem>>
    %dma_start3A_263 = arith.constant 0 : i32
    %dma_start3A_264 = arith.constant 0 : i32
    %dma_start3A_265 = tpu.memref_slice %arg2[%dma_start3A_263, %dma_start3A_264] : memref<10000x144xf32, #tpu.memory_space<hbm>> -> memref<10000x144xf32, #tpu.memory_space<hbm>>
    tpu.enqueue_indirect_dma source(%dma_start3A_265 : memref<10000x144xf32, #tpu.memory_space<hbm>>) target(%arg12 : memref<40x144xf32, #tpu.memory_space<vmem>>) offsets(%dma_start3A_262 : memref<40xi32, #tpu.memory_space<vmem>>) semaphore(%arg18 : memref<!tpu.dma_semaphore, #tpu.memory_space<semaphore_mem>>)
    %add3A_266 = arith.constant 1 : i32
    %add3A_267 = arith.addi %add3A, %add3A_266 : i32
    %dma_start3A_268 = arith.constant 0 : i32
    %dma_start3A_269 = tpu.memref_slice %arg4[%add3A_267, %dma_start3A_268] : memref<8000x40xi32, #tpu.memory_space<hbm>> -> memref<1x40xi32, #tpu.memory_space<hbm>>
    %dma_start3A_270 = tpu.memref_squeeze %dma_start3A_269 : memref<1x40xi32, #tpu.memory_space<hbm>> -> memref<40xi32, #tpu.memory_space<hbm>>
    %dma_start3A_271 = arith.constant 0 : i32
    %dma_start3A_272 = tpu.memref_slice %arg4[%add3A_267, %dma_start3A_271] : memref<8000x40xi32, #tpu.memory_space<hbm>> -> memref<1x40xi32, #tpu.memory_space<hbm>>
    %dma_start3A_273 = tpu.memref_squeeze %dma_start3A_272 : memref<1x40xi32, #tpu.memory_space<hbm>> -> memref<40xi32, #tpu.memory_space<hbm>>
    tpu.enqueue_dma source(%dma_start3A_273 : memref<40xi32, #tpu.memory_space<hbm>>) target(%arg8 : memref<40xi32, #tpu.memory_space<vmem>>) target_semaphore(%arg29 : memref<!tpu.dma_semaphore, #tpu.memory_space<semaphore_mem>>)
    %dma_start3A_274 = arith.constant 1 : i32
    %dma_start3A_275 = arith.constant 0 : i32
    %dma_start3A_276 = tpu.memref_slice %arg6[%dma_start3A_274, %dma_start3A_275] : memref<250x40xi32, #tpu.memory_space<vmem>> -> memref<1x40xi32, #tpu.memory_space<vmem>>
    %dma_start3A_277 = tpu.memref_squeeze %dma_start3A_276 : memref<1x40xi32, #tpu.memory_space<vmem>> -> memref<40xi32, #tpu.memory_space<vmem>>
    %dma_start3A_278 = arith.constant 0 : i32
    %dma_start3A_279 = arith.constant 0 : i32
    %dma_start3A_280 = tpu.memref_slice %arg2[%dma_start3A_278, %dma_start3A_279] : memref<10000x144xf32, #tpu.memory_space<hbm>> -> memref<10000x144xf32, #tpu.memory_space<hbm>>
    tpu.enqueue_indirect_dma source(%dma_start3A_280 : memref<10000x144xf32, #tpu.memory_space<hbm>>) target(%arg13 : memref<40x144xf32, #tpu.memory_space<vmem>>) offsets(%dma_start3A_277 : memref<40xi32, #tpu.memory_space<vmem>>) semaphore(%arg19 : memref<!tpu.dma_semaphore, #tpu.memory_space<semaphore_mem>>)
    %add3A_281 = arith.constant 2 : i32
    %add3A_282 = arith.addi %add3A, %add3A_281 : i32
    %dma_start3A_283 = arith.constant 0 : i32
    %dma_start3A_284 = tpu.memref_slice %arg4[%add3A_282, %dma_start3A_283] : memref<8000x40xi32, #tpu.memory_space<hbm>> -> memref<1x40xi32, #tpu.memory_space<hbm>>
    %dma_start3A_285 = tpu.memref_squeeze %dma_start3A_284 : memref<1x40xi32, #tpu.memory_space<hbm>> -> memref<40xi32, #tpu.memory_space<hbm>>
    %dma_start3A_286 = arith.constant 0 : i32
    %dma_start3A_287 = tpu.memref_slice %arg4[%add3A_282, %dma_start3A_286] : memref<8000x40xi32, #tpu.memory_space<hbm>> -> memref<1x40xi32, #tpu.memory_space<hbm>>
    %dma_start3A_288 = tpu.memref_squeeze %dma_start3A_287 : memref<1x40xi32, #tpu.memory_space<hbm>> -> memref<40xi32, #tpu.memory_space<hbm>>
    tpu.enqueue_dma source(%dma_start3A_288 : memref<40xi32, #tpu.memory_space<hbm>>) target(%arg9 : memref<40xi32, #tpu.memory_space<vmem>>) target_semaphore(%arg30 : memref<!tpu.dma_semaphore, #tpu.memory_space<semaphore_mem>>)
    %dma_start3A_289 = arith.constant 2 : i32
    %dma_start3A_290 = arith.constant 0 : i32
    %dma_start3A_291 = tpu.memref_slice %arg6[%dma_start3A_289, %dma_start3A_290] : memref<250x40xi32, #tpu.memory_space<vmem>> -> memref<1x40xi32, #tpu.memory_space<vmem>>
    %dma_start3A_292 = tpu.memref_squeeze %dma_start3A_291 : memref<1x40xi32, #tpu.memory_space<vmem>> -> memref<40xi32, #tpu.memory_space<vmem>>
    %dma_start3A_293 = arith.constant 0 : i32
    %dma_start3A_294 = arith.constant 0 : i32
    %dma_start3A_295 = tpu.memref_slice %arg2[%dma_start3A_293, %dma_start3A_294] : memref<10000x144xf32, #tpu.memory_space<hbm>> -> memref<10000x144xf32, #tpu.memory_space<hbm>>
    tpu.enqueue_indirect_dma source(%dma_start3A_295 : memref<10000x144xf32, #tpu.memory_space<hbm>>) target(%arg14 : memref<40x144xf32, #tpu.memory_space<vmem>>) offsets(%dma_start3A_292 : memref<40xi32, #tpu.memory_space<vmem>>) semaphore(%arg20 : memref<!tpu.dma_semaphore, #tpu.memory_space<semaphore_mem>>)
    %add3A_296 = arith.constant 3 : i32
    %add3A_297 = arith.addi %add3A, %add3A_296 : i32
    %dma_start3A_298 = arith.constant 0 : i32
    %dma_start3A_299 = tpu.memref_slice %arg4[%add3A_297, %dma_start3A_298] : memref<8000x40xi32, #tpu.memory_space<hbm>> -> memref<1x40xi32, #tpu.memory_space<hbm>>
    %dma_start3A_300 = tpu.memref_squeeze %dma_start3A_299 : memref<1x40xi32, #tpu.memory_space<hbm>> -> memref<40xi32, #tpu.memory_space<hbm>>
    %dma_start3A_301 = arith.constant 0 : i32
    %dma_start3A_302 = tpu.memref_slice %arg4[%add3A_297, %dma_start3A_301] : memref<8000x40xi32, #tpu.memory_space<hbm>> -> memref<1x40xi32, #tpu.memory_space<hbm>>
    %dma_start3A_303 = tpu.memref_squeeze %dma_start3A_302 : memref<1x40xi32, #tpu.memory_space<hbm>> -> memref<40xi32, #tpu.memory_space<hbm>>
    tpu.enqueue_dma source(%dma_start3A_303 : memref<40xi32, #tpu.memory_space<hbm>>) target(%arg10 : memref<40xi32, #tpu.memory_space<vmem>>) target_semaphore(%arg31 : memref<!tpu.dma_semaphore, #tpu.memory_space<semaphore_mem>>)
    %dma_start3A_304 = arith.constant 3 : i32
    %dma_start3A_305 = arith.constant 0 : i32
    %dma_start3A_306 = tpu.memref_slice %arg6[%dma_start3A_304, %dma_start3A_305] : memref<250x40xi32, #tpu.memory_space<vmem>> -> memref<1x40xi32, #tpu.memory_space<vmem>>
    %dma_start3A_307 = tpu.memref_squeeze %dma_start3A_306 : memref<1x40xi32, #tpu.memory_space<vmem>> -> memref<40xi32, #tpu.memory_space<vmem>>
    %dma_start3A_308 = arith.constant 0 : i32
    %dma_start3A_309 = arith.constant 0 : i32
    %dma_start3A_310 = tpu.memref_slice %arg2[%dma_start3A_308, %dma_start3A_309] : memref<10000x144xf32, #tpu.memory_space<hbm>> -> memref<10000x144xf32, #tpu.memory_space<hbm>>
    tpu.enqueue_indirect_dma source(%dma_start3A_310 : memref<10000x144xf32, #tpu.memory_space<hbm>>) target(%arg15 : memref<40x144xf32, #tpu.memory_space<vmem>>) offsets(%dma_start3A_307 : memref<40xi32, #tpu.memory_space<vmem>>) semaphore(%arg21 : memref<!tpu.dma_semaphore, #tpu.memory_space<semaphore_mem>>)
    %scan3A_311 = arith.constant 0 : i32
    %scan3A_312 = arith.constant 0 : i32
    %scan3A_313 = arith.constant 250 : i32
    %scan3A_314 = arith.addi %scan3A_312, %scan3A_313 : i32
    %scan3A_315 = arith.constant 1 : i32
    %scan3A_316 = scf.for %scan3A_326 = %scan3A_312 to %scan3A_314 step %scan3A_315 iter_args(%scan3A_327 = %scan3A_311) -> (i32)  : i32 {
      %jit3A = arith.constant 5 : i32
      %eq3A = arith.constant 0 : i32
      %eq3A_328 = arith.cmpi eq, %jit3A, %eq3A : i32
      %jit3A_329 = arith.constant 1 : i32
      %select_n3A = arith.select %eq3A_328, %jit3A_329, %jit3A : i32
      %rem3A = arith.remsi %scan3A_326, %select_n3A : i32
      %ne3A = arith.constant 0 : i32
      %ne3A_330 = arith.cmpi ne, %rem3A, %ne3A : i32
      %lt3A = arith.constant 0 : i32
      %lt3A_331 = arith.cmpi slt, %rem3A, %lt3A : i32
      %lt3A_332 = arith.constant 0 : i32
      %lt3A_333 = arith.cmpi slt, %select_n3A, %lt3A_332 : i32
      %ne3A_334 = arith.xori %lt3A_331, %lt3A_333 : i1
      %and3A = arith.andi %ne3A_334, %ne3A_330 : i1
      %add3A_335 = arith.addi %rem3A, %select_n3A : i32
      %select_n3A_336 = arith.select %and3A, %add3A_335, %rem3A : i32
      %eq3A_337 = arith.constant 0 : i32
      %eq3A_338 = arith.cmpi eq, %select_n3A_336, %eq3A_337 : i32
      %convert_element_type3A = arith.extui %eq3A_338 : i1 to i32
      %cond3A = arith.constant 0 : i32
      %cond3A_339 = arith.cmpi ne, %convert_element_type3A, %cond3A : i32
      scf.if %cond3A_339 {
        %dma_wait3A_425 = arith.constant 0 : i32
        %dma_wait3A_426 = arith.constant 0 : i32
        %dma_wait3A_427 = tpu.memref_slice %arg6[%dma_wait3A_425, %dma_wait3A_426] : memref<250x40xi32, #tpu.memory_space<vmem>> -> memref<1x40xi32, #tpu.memory_space<vmem>>
        %dma_wait3A_428 = tpu.memref_squeeze %dma_wait3A_427 : memref<1x40xi32, #tpu.memory_space<vmem>> -> memref<40xi32, #tpu.memory_space<vmem>>
        %dma_wait3A_429 = arith.constant 0 : i32
        %dma_wait3A_430 = arith.constant 0 : i32
        %dma_wait3A_431 = tpu.memref_slice %arg2[%dma_wait3A_429, %dma_wait3A_430] : memref<10000x144xf32, #tpu.memory_space<hbm>> -> memref<10000x144xf32, #tpu.memory_space<hbm>>
        tpu.wait_indirect_dma semaphore(%arg18 : memref<!tpu.dma_semaphore, #tpu.memory_space<semaphore_mem>>) src(%dma_wait3A_431 : memref<10000x144xf32, #tpu.memory_space<hbm>>) dst(%arg12 : memref<40x144xf32, #tpu.memory_space<vmem>>)
        %dma_wait3A_432 = arith.constant 0 : i32
        %dma_wait3A_433 = tpu.memref_slice %arg4[%add3A, %dma_wait3A_432] : memref<8000x40xi32, #tpu.memory_space<hbm>> -> memref<1x40xi32, #tpu.memory_space<hbm>>
        %dma_wait3A_434 = tpu.memref_squeeze %dma_wait3A_433 : memref<1x40xi32, #tpu.memory_space<hbm>> -> memref<40xi32, #tpu.memory_space<hbm>>
        %dma_wait3A_435 = arith.constant 0 : i32
        %dma_wait3A_436 = tpu.memref_slice %arg4[%add3A, %dma_wait3A_435] : memref<8000x40xi32, #tpu.memory_space<hbm>> -> memref<1x40xi32, #tpu.memory_space<hbm>>
        %dma_wait3A_437 = tpu.memref_squeeze %dma_wait3A_436 : memref<1x40xi32, #tpu.memory_space<hbm>> -> memref<40xi32, #tpu.memory_space<hbm>>
        tpu.wait_dma2 semaphore(%arg28 : memref<!tpu.dma_semaphore, #tpu.memory_space<semaphore_mem>>) src(%dma_wait3A_437 : memref<40xi32, #tpu.memory_space<hbm>>) dst(%arg7 : memref<40xi32, #tpu.memory_space<vmem>>)
        %dma_start3A_438 = arith.constant 0 : i32
        %dma_start3A_439 = arith.constant 0 : i32
        %dma_start3A_440 = tpu.memref_slice %arg17[%dma_start3A_438, %dma_start3A_439] : memref<10112x144xf32, #tpu.memory_space<vmem_shared>> -> memref<10112x144xf32, #tpu.memory_space<vmem_shared>>
        tpu.enqueue_indirect_dma source(%arg12 : memref<40x144xf32, #tpu.memory_space<vmem>>) target(%dma_start3A_440 : memref<10112x144xf32, #tpu.memory_space<vmem_shared>>) offsets(%arg7 : memref<40xi32, #tpu.memory_space<vmem>>) semaphore(%arg23 : memref<!tpu.dma_semaphore, #tpu.memory_space<semaphore_mem>>) {add = true}
        %ge3A = arith.constant 1 : i32
        %ge3A_441 = arith.cmpi sge, %scan3A_326, %ge3A : i32
        %convert_element_type3A_442 = arith.extui %ge3A_441 : i1 to i32
        %cond3A_443 = arith.constant 0 : i32
        %cond3A_444 = arith.cmpi ne, %convert_element_type3A_442, %cond3A_443 : i32
        scf.if %cond3A_444 {
          %dma_wait3A_452 = arith.constant 0 : i32
          %dma_wait3A_453 = arith.constant 0 : i32
          %dma_wait3A_454 = tpu.memref_slice %arg17[%dma_wait3A_452, %dma_wait3A_453] : memref<10112x144xf32, #tpu.memory_space<vmem_shared>> -> memref<10112x144xf32, #tpu.memory_space<vmem_shared>>
          tpu.wait_indirect_dma semaphore(%arg27 : memref<!tpu.dma_semaphore, #tpu.memory_space<semaphore_mem>>) src(%arg16 : memref<40x144xf32, #tpu.memory_space<vmem>>) dst(%dma_wait3A_454 : memref<10112x144xf32, #tpu.memory_space<vmem_shared>>)
        } else {
        }
        %add3A_445 = arith.constant 4 : i32
        %add3A_446 = arith.addi %scan3A_326, %add3A_445 : i32
        %lt3A_447 = arith.constant 250 : i32
        %lt3A_448 = arith.cmpi slt, %add3A_446, %lt3A_447 : i32
        %convert_element_type3A_449 = arith.extui %lt3A_448 : i1 to i32
        %cond3A_450 = arith.constant 0 : i32
        %cond3A_451 = arith.cmpi ne, %convert_element_type3A_449, %cond3A_450 : i32
        scf.if %cond3A_451 {
          %add3A_452 = arith.constant 4 : i32
          %add3A_453 = arith.addi %scan3A_326, %add3A_452 : i32
          %add3A_454 = arith.addi %add3A, %add3A_453 : i32
          %dma_start3A_455 = arith.constant 0 : i32
          %dma_start3A_456 = tpu.memref_slice %arg4[%add3A_454, %dma_start3A_455] : memref<8000x40xi32, #tpu.memory_space<hbm>> -> memref<1x40xi32, #tpu.memory_space<hbm>>
          %dma_start3A_457 = tpu.memref_squeeze %dma_start3A_456 : memref<1x40xi32, #tpu.memory_space<hbm>> -> memref<40xi32, #tpu.memory_space<hbm>>
          %dma_start3A_458 = arith.constant 0 : i32
          %dma_start3A_459 = tpu.memref_slice %arg4[%add3A_454, %dma_start3A_458] : memref<8000x40xi32, #tpu.memory_space<hbm>> -> memref<1x40xi32, #tpu.memory_space<hbm>>
          %dma_start3A_460 = tpu.memref_squeeze %dma_start3A_459 : memref<1x40xi32, #tpu.memory_space<hbm>> -> memref<40xi32, #tpu.memory_space<hbm>>
          tpu.enqueue_dma source(%dma_start3A_460 : memref<40xi32, #tpu.memory_space<hbm>>) target(%arg11 : memref<40xi32, #tpu.memory_space<vmem>>) target_semaphore(%arg32 : memref<!tpu.dma_semaphore, #tpu.memory_space<semaphore_mem>>)
          %add3A_461 = arith.constant 4 : i32
          %add3A_462 = arith.addi %scan3A_326, %add3A_461 : i32
          %dma_start3A_463 = arith.constant 0 : i32
          %dma_start3A_464 = tpu.memref_slice %arg6[%add3A_462, %dma_start3A_463] : memref<250x40xi32, #tpu.memory_space<vmem>> -> memref<1x40xi32, #tpu.memory_space<vmem>>
          %dma_start3A_465 = tpu.memref_squeeze %dma_start3A_464 : memref<1x40xi32, #tpu.memory_space<vmem>> -> memref<40xi32, #tpu.memory_space<vmem>>
          %dma_start3A_466 = arith.constant 0 : i32
          %dma_start3A_467 = arith.constant 0 : i32
          %dma_start3A_468 = tpu.memref_slice %arg2[%dma_start3A_466, %dma_start3A_467] : memref<10000x144xf32, #tpu.memory_space<hbm>> -> memref<10000x144xf32, #tpu.memory_space<hbm>>
          tpu.enqueue_indirect_dma source(%dma_start3A_468 : memref<10000x144xf32, #tpu.memory_space<hbm>>) target(%arg16 : memref<40x144xf32, #tpu.memory_space<vmem>>) offsets(%dma_start3A_465 : memref<40xi32, #tpu.memory_space<vmem>>) semaphore(%arg22 : memref<!tpu.dma_semaphore, #tpu.memory_space<semaphore_mem>>)
        } else {
        }
      } else {
      }
      %jit3A_340 = arith.constant 5 : i32
      %eq3A_341 = arith.constant 0 : i32
      %eq3A_342 = arith.cmpi eq, %jit3A_340, %eq3A_341 : i32
      %jit3A_343 = arith.constant 1 : i32
      %select_n3A_344 = arith.select %eq3A_342, %jit3A_343, %jit3A_340 : i32
      %rem3A_345 = arith.remsi %scan3A_326, %select_n3A_344 : i32
      %ne3A_346 = arith.constant 0 : i32
      %ne3A_347 = arith.cmpi ne, %rem3A_345, %ne3A_346 : i32
      %lt3A_348 = arith.constant 0 : i32
      %lt3A_349 = arith.cmpi slt, %rem3A_345, %lt3A_348 : i32
      %lt3A_350 = arith.constant 0 : i32
      %lt3A_351 = arith.cmpi slt, %select_n3A_344, %lt3A_350 : i32
      %ne3A_352 = arith.xori %lt3A_349, %lt3A_351 : i1
      %and3A_353 = arith.andi %ne3A_352, %ne3A_347 : i1
      %add3A_354 = arith.addi %rem3A_345, %select_n3A_344 : i32
      %select_n3A_355 = arith.select %and3A_353, %add3A_354, %rem3A_345 : i32
      %eq3A_356 = arith.constant 1 : i32
      %eq3A_357 = arith.cmpi eq, %select_n3A_355, %eq3A_356 : i32
      %convert_element_type3A_358 = arith.extui %eq3A_357 : i1 to i32
      %cond3A_359 = arith.constant 0 : i32
      %cond3A_360 = arith.cmpi ne, %convert_element_type3A_358, %cond3A_359 : i32
      scf.if %cond3A_360 {
        %dma_wait3A_425 = arith.constant 0 : i32
        %dma_wait3A_426 = arith.constant 0 : i32
        %dma_wait3A_427 = tpu.memref_slice %arg6[%dma_wait3A_425, %dma_wait3A_426] : memref<250x40xi32, #tpu.memory_space<vmem>> -> memref<1x40xi32, #tpu.memory_space<vmem>>
        %dma_wait3A_428 = tpu.memref_squeeze %dma_wait3A_427 : memref<1x40xi32, #tpu.memory_space<vmem>> -> memref<40xi32, #tpu.memory_space<vmem>>
        %dma_wait3A_429 = arith.constant 0 : i32
        %dma_wait3A_430 = arith.constant 0 : i32
        %dma_wait3A_431 = tpu.memref_slice %arg2[%dma_wait3A_429, %dma_wait3A_430] : memref<10000x144xf32, #tpu.memory_space<hbm>> -> memref<10000x144xf32, #tpu.memory_space<hbm>>
        tpu.wait_indirect_dma semaphore(%arg19 : memref<!tpu.dma_semaphore, #tpu.memory_space<semaphore_mem>>) src(%dma_wait3A_431 : memref<10000x144xf32, #tpu.memory_space<hbm>>) dst(%arg13 : memref<40x144xf32, #tpu.memory_space<vmem>>)
        %dma_wait3A_432 = arith.constant 0 : i32
        %dma_wait3A_433 = tpu.memref_slice %arg4[%add3A, %dma_wait3A_432] : memref<8000x40xi32, #tpu.memory_space<hbm>> -> memref<1x40xi32, #tpu.memory_space<hbm>>
        %dma_wait3A_434 = tpu.memref_squeeze %dma_wait3A_433 : memref<1x40xi32, #tpu.memory_space<hbm>> -> memref<40xi32, #tpu.memory_space<hbm>>
        %dma_wait3A_435 = arith.constant 0 : i32
        %dma_wait3A_436 = tpu.memref_slice %arg4[%add3A, %dma_wait3A_435] : memref<8000x40xi32, #tpu.memory_space<hbm>> -> memref<1x40xi32, #tpu.memory_space<hbm>>
        %dma_wait3A_437 = tpu.memref_squeeze %dma_wait3A_436 : memref<1x40xi32, #tpu.memory_space<hbm>> -> memref<40xi32, #tpu.memory_space<hbm>>
        tpu.wait_dma2 semaphore(%arg29 : memref<!tpu.dma_semaphore, #tpu.memory_space<semaphore_mem>>) src(%dma_wait3A_437 : memref<40xi32, #tpu.memory_space<hbm>>) dst(%arg8 : memref<40xi32, #tpu.memory_space<vmem>>)
        %dma_start3A_438 = arith.constant 0 : i32
        %dma_start3A_439 = arith.constant 0 : i32
        %dma_start3A_440 = tpu.memref_slice %arg17[%dma_start3A_438, %dma_start3A_439] : memref<10112x144xf32, #tpu.memory_space<vmem_shared>> -> memref<10112x144xf32, #tpu.memory_space<vmem_shared>>
        tpu.enqueue_indirect_dma source(%arg13 : memref<40x144xf32, #tpu.memory_space<vmem>>) target(%dma_start3A_440 : memref<10112x144xf32, #tpu.memory_space<vmem_shared>>) offsets(%arg8 : memref<40xi32, #tpu.memory_space<vmem>>) semaphore(%arg24 : memref<!tpu.dma_semaphore, #tpu.memory_space<semaphore_mem>>) {add = true}
        %ge3A = arith.constant 1 : i32
        %ge3A_441 = arith.cmpi sge, %scan3A_326, %ge3A : i32
        %convert_element_type3A_442 = arith.extui %ge3A_441 : i1 to i32
        %cond3A_443 = arith.constant 0 : i32
        %cond3A_444 = arith.cmpi ne, %convert_element_type3A_442, %cond3A_443 : i32
        scf.if %cond3A_444 {
          %dma_wait3A_452 = arith.constant 0 : i32
          %dma_wait3A_453 = arith.constant 0 : i32
          %dma_wait3A_454 = tpu.memref_slice %arg17[%dma_wait3A_452, %dma_wait3A_453] : memref<10112x144xf32, #tpu.memory_space<vmem_shared>> -> memref<10112x144xf32, #tpu.memory_space<vmem_shared>>
          tpu.wait_indirect_dma semaphore(%arg23 : memref<!tpu.dma_semaphore, #tpu.memory_space<semaphore_mem>>) src(%arg12 : memref<40x144xf32, #tpu.memory_space<vmem>>) dst(%dma_wait3A_454 : memref<10112x144xf32, #tpu.memory_space<vmem_shared>>)
        } else {
        }
        %add3A_445 = arith.constant 4 : i32
        %add3A_446 = arith.addi %scan3A_326, %add3A_445 : i32
        %lt3A_447 = arith.constant 250 : i32
        %lt3A_448 = arith.cmpi slt, %add3A_446, %lt3A_447 : i32
        %convert_element_type3A_449 = arith.extui %lt3A_448 : i1 to i32
        %cond3A_450 = arith.constant 0 : i32
        %cond3A_451 = arith.cmpi ne, %convert_element_type3A_449, %cond3A_450 : i32
        scf.if %cond3A_451 {
          %add3A_452 = arith.constant 4 : i32
          %add3A_453 = arith.addi %scan3A_326, %add3A_452 : i32
          %add3A_454 = arith.addi %add3A, %add3A_453 : i32
          %dma_start3A_455 = arith.constant 0 : i32
          %dma_start3A_456 = tpu.memref_slice %arg4[%add3A_454, %dma_start3A_455] : memref<8000x40xi32, #tpu.memory_space<hbm>> -> memref<1x40xi32, #tpu.memory_space<hbm>>
          %dma_start3A_457 = tpu.memref_squeeze %dma_start3A_456 : memref<1x40xi32, #tpu.memory_space<hbm>> -> memref<40xi32, #tpu.memory_space<hbm>>
          %dma_start3A_458 = arith.constant 0 : i32
          %dma_start3A_459 = tpu.memref_slice %arg4[%add3A_454, %dma_start3A_458] : memref<8000x40xi32, #tpu.memory_space<hbm>> -> memref<1x40xi32, #tpu.memory_space<hbm>>
          %dma_start3A_460 = tpu.memref_squeeze %dma_start3A_459 : memref<1x40xi32, #tpu.memory_space<hbm>> -> memref<40xi32, #tpu.memory_space<hbm>>
          tpu.enqueue_dma source(%dma_start3A_460 : memref<40xi32, #tpu.memory_space<hbm>>) target(%arg7 : memref<40xi32, #tpu.memory_space<vmem>>) target_semaphore(%arg28 : memref<!tpu.dma_semaphore, #tpu.memory_space<semaphore_mem>>)
          %add3A_461 = arith.constant 4 : i32
          %add3A_462 = arith.addi %scan3A_326, %add3A_461 : i32
          %dma_start3A_463 = arith.constant 0 : i32
          %dma_start3A_464 = tpu.memref_slice %arg6[%add3A_462, %dma_start3A_463] : memref<250x40xi32, #tpu.memory_space<vmem>> -> memref<1x40xi32, #tpu.memory_space<vmem>>
          %dma_start3A_465 = tpu.memref_squeeze %dma_start3A_464 : memref<1x40xi32, #tpu.memory_space<vmem>> -> memref<40xi32, #tpu.memory_space<vmem>>
          %dma_start3A_466 = arith.constant 0 : i32
          %dma_start3A_467 = arith.constant 0 : i32
          %dma_start3A_468 = tpu.memref_slice %arg2[%dma_start3A_466, %dma_start3A_467] : memref<10000x144xf32, #tpu.memory_space<hbm>> -> memref<10000x144xf32, #tpu.memory_space<hbm>>
          tpu.enqueue_indirect_dma source(%dma_start3A_468 : memref<10000x144xf32, #tpu.memory_space<hbm>>) target(%arg12 : memref<40x144xf32, #tpu.memory_space<vmem>>) offsets(%dma_start3A_465 : memref<40xi32, #tpu.memory_space<vmem>>) semaphore(%arg18 : memref<!tpu.dma_semaphore, #tpu.memory_space<semaphore_mem>>)
        } else {
        }
      } else {
      }
      %jit3A_361 = arith.constant 5 : i32
      %eq3A_362 = arith.constant 0 : i32
      %eq3A_363 = arith.cmpi eq, %jit3A_361, %eq3A_362 : i32
      %jit3A_364 = arith.constant 1 : i32
      %select_n3A_365 = arith.select %eq3A_363, %jit3A_364, %jit3A_361 : i32
      %rem3A_366 = arith.remsi %scan3A_326, %select_n3A_365 : i32
      %ne3A_367 = arith.constant 0 : i32
      %ne3A_368 = arith.cmpi ne, %rem3A_366, %ne3A_367 : i32
      %lt3A_369 = arith.constant 0 : i32
      %lt3A_370 = arith.cmpi slt, %rem3A_366, %lt3A_369 : i32
      %lt3A_371 = arith.constant 0 : i32
      %lt3A_372 = arith.cmpi slt, %select_n3A_365, %lt3A_371 : i32
      %ne3A_373 = arith.xori %lt3A_370, %lt3A_372 : i1
      %and3A_374 = arith.andi %ne3A_373, %ne3A_368 : i1
      %add3A_375 = arith.addi %rem3A_366, %select_n3A_365 : i32
      %select_n3A_376 = arith.select %and3A_374, %add3A_375, %rem3A_366 : i32
      %eq3A_377 = arith.constant 2 : i32
      %eq3A_378 = arith.cmpi eq, %select_n3A_376, %eq3A_377 : i32
      %convert_element_type3A_379 = arith.extui %eq3A_378 : i1 to i32
      %cond3A_380 = arith.constant 0 : i32
      %cond3A_381 = arith.cmpi ne, %convert_element_type3A_379, %cond3A_380 : i32
      scf.if %cond3A_381 {
        %dma_wait3A_425 = arith.constant 0 : i32
        %dma_wait3A_426 = arith.constant 0 : i32
        %dma_wait3A_427 = tpu.memref_slice %arg6[%dma_wait3A_425, %dma_wait3A_426] : memref<250x40xi32, #tpu.memory_space<vmem>> -> memref<1x40xi32, #tpu.memory_space<vmem>>
        %dma_wait3A_428 = tpu.memref_squeeze %dma_wait3A_427 : memref<1x40xi32, #tpu.memory_space<vmem>> -> memref<40xi32, #tpu.memory_space<vmem>>
        %dma_wait3A_429 = arith.constant 0 : i32
        %dma_wait3A_430 = arith.constant 0 : i32
        %dma_wait3A_431 = tpu.memref_slice %arg2[%dma_wait3A_429, %dma_wait3A_430] : memref<10000x144xf32, #tpu.memory_space<hbm>> -> memref<10000x144xf32, #tpu.memory_space<hbm>>
        tpu.wait_indirect_dma semaphore(%arg20 : memref<!tpu.dma_semaphore, #tpu.memory_space<semaphore_mem>>) src(%dma_wait3A_431 : memref<10000x144xf32, #tpu.memory_space<hbm>>) dst(%arg14 : memref<40x144xf32, #tpu.memory_space<vmem>>)
        %dma_wait3A_432 = arith.constant 0 : i32
        %dma_wait3A_433 = tpu.memref_slice %arg4[%add3A, %dma_wait3A_432] : memref<8000x40xi32, #tpu.memory_space<hbm>> -> memref<1x40xi32, #tpu.memory_space<hbm>>
        %dma_wait3A_434 = tpu.memref_squeeze %dma_wait3A_433 : memref<1x40xi32, #tpu.memory_space<hbm>> -> memref<40xi32, #tpu.memory_space<hbm>>
        %dma_wait3A_435 = arith.constant 0 : i32
        %dma_wait3A_436 = tpu.memref_slice %arg4[%add3A, %dma_wait3A_435] : memref<8000x40xi32, #tpu.memory_space<hbm>> -> memref<1x40xi32, #tpu.memory_space<hbm>>
        %dma_wait3A_437 = tpu.memref_squeeze %dma_wait3A_436 : memref<1x40xi32, #tpu.memory_space<hbm>> -> memref<40xi32, #tpu.memory_space<hbm>>
        tpu.wait_dma2 semaphore(%arg30 : memref<!tpu.dma_semaphore, #tpu.memory_space<semaphore_mem>>) src(%dma_wait3A_437 : memref<40xi32, #tpu.memory_space<hbm>>) dst(%arg9 : memref<40xi32, #tpu.memory_space<vmem>>)
        %dma_start3A_438 = arith.constant 0 : i32
        %dma_start3A_439 = arith.constant 0 : i32
        %dma_start3A_440 = tpu.memref_slice %arg17[%dma_start3A_438, %dma_start3A_439] : memref<10112x144xf32, #tpu.memory_space<vmem_shared>> -> memref<10112x144xf32, #tpu.memory_space<vmem_shared>>
        tpu.enqueue_indirect_dma source(%arg14 : memref<40x144xf32, #tpu.memory_space<vmem>>) target(%dma_start3A_440 : memref<10112x144xf32, #tpu.memory_space<vmem_shared>>) offsets(%arg9 : memref<40xi32, #tpu.memory_space<vmem>>) semaphore(%arg25 : memref<!tpu.dma_semaphore, #tpu.memory_space<semaphore_mem>>) {add = true}
        %ge3A = arith.constant 1 : i32
        %ge3A_441 = arith.cmpi sge, %scan3A_326, %ge3A : i32
        %convert_element_type3A_442 = arith.extui %ge3A_441 : i1 to i32
        %cond3A_443 = arith.constant 0 : i32
        %cond3A_444 = arith.cmpi ne, %convert_element_type3A_442, %cond3A_443 : i32
        scf.if %cond3A_444 {
          %dma_wait3A_452 = arith.constant 0 : i32
          %dma_wait3A_453 = arith.constant 0 : i32
          %dma_wait3A_454 = tpu.memref_slice %arg17[%dma_wait3A_452, %dma_wait3A_453] : memref<10112x144xf32, #tpu.memory_space<vmem_shared>> -> memref<10112x144xf32, #tpu.memory_space<vmem_shared>>
          tpu.wait_indirect_dma semaphore(%arg24 : memref<!tpu.dma_semaphore, #tpu.memory_space<semaphore_mem>>) src(%arg13 : memref<40x144xf32, #tpu.memory_space<vmem>>) dst(%dma_wait3A_454 : memref<10112x144xf32, #tpu.memory_space<vmem_shared>>)
        } else {
        }
        %add3A_445 = arith.constant 4 : i32
        %add3A_446 = arith.addi %scan3A_326, %add3A_445 : i32
        %lt3A_447 = arith.constant 250 : i32
        %lt3A_448 = arith.cmpi slt, %add3A_446, %lt3A_447 : i32
        %convert_element_type3A_449 = arith.extui %lt3A_448 : i1 to i32
        %cond3A_450 = arith.constant 0 : i32
        %cond3A_451 = arith.cmpi ne, %convert_element_type3A_449, %cond3A_450 : i32
        scf.if %cond3A_451 {
          %add3A_452 = arith.constant 4 : i32
          %add3A_453 = arith.addi %scan3A_326, %add3A_452 : i32
          %add3A_454 = arith.addi %add3A, %add3A_453 : i32
          %dma_start3A_455 = arith.constant 0 : i32
          %dma_start3A_456 = tpu.memref_slice %arg4[%add3A_454, %dma_start3A_455] : memref<8000x40xi32, #tpu.memory_space<hbm>> -> memref<1x40xi32, #tpu.memory_space<hbm>>
          %dma_start3A_457 = tpu.memref_squeeze %dma_start3A_456 : memref<1x40xi32, #tpu.memory_space<hbm>> -> memref<40xi32, #tpu.memory_space<hbm>>
          %dma_start3A_458 = arith.constant 0 : i32
          %dma_start3A_459 = tpu.memref_slice %arg4[%add3A_454, %dma_start3A_458] : memref<8000x40xi32, #tpu.memory_space<hbm>> -> memref<1x40xi32, #tpu.memory_space<hbm>>
          %dma_start3A_460 = tpu.memref_squeeze %dma_start3A_459 : memref<1x40xi32, #tpu.memory_space<hbm>> -> memref<40xi32, #tpu.memory_space<hbm>>
          tpu.enqueue_dma source(%dma_start3A_460 : memref<40xi32, #tpu.memory_space<hbm>>) target(%arg8 : memref<40xi32, #tpu.memory_space<vmem>>) target_semaphore(%arg29 : memref<!tpu.dma_semaphore, #tpu.memory_space<semaphore_mem>>)
          %add3A_461 = arith.constant 4 : i32
          %add3A_462 = arith.addi %scan3A_326, %add3A_461 : i32
          %dma_start3A_463 = arith.constant 0 : i32
          %dma_start3A_464 = tpu.memref_slice %arg6[%add3A_462, %dma_start3A_463] : memref<250x40xi32, #tpu.memory_space<vmem>> -> memref<1x40xi32, #tpu.memory_space<vmem>>
          %dma_start3A_465 = tpu.memref_squeeze %dma_start3A_464 : memref<1x40xi32, #tpu.memory_space<vmem>> -> memref<40xi32, #tpu.memory_space<vmem>>
          %dma_start3A_466 = arith.constant 0 : i32
          %dma_start3A_467 = arith.constant 0 : i32
          %dma_start3A_468 = tpu.memref_slice %arg2[%dma_start3A_466, %dma_start3A_467] : memref<10000x144xf32, #tpu.memory_space<hbm>> -> memref<10000x144xf32, #tpu.memory_space<hbm>>
          tpu.enqueue_indirect_dma source(%dma_start3A_468 : memref<10000x144xf32, #tpu.memory_space<hbm>>) target(%arg13 : memref<40x144xf32, #tpu.memory_space<vmem>>) offsets(%dma_start3A_465 : memref<40xi32, #tpu.memory_space<vmem>>) semaphore(%arg19 : memref<!tpu.dma_semaphore, #tpu.memory_space<semaphore_mem>>)
        } else {
        }
      } else {
      }
      %jit3A_382 = arith.constant 5 : i32
      %eq3A_383 = arith.constant 0 : i32
      %eq3A_384 = arith.cmpi eq, %jit3A_382, %eq3A_383 : i32
      %jit3A_385 = arith.constant 1 : i32
      %select_n3A_386 = arith.select %eq3A_384, %jit3A_385, %jit3A_382 : i32
      %rem3A_387 = arith.remsi %scan3A_326, %select_n3A_386 : i32
      %ne3A_388 = arith.constant 0 : i32
      %ne3A_389 = arith.cmpi ne, %rem3A_387, %ne3A_388 : i32
      %lt3A_390 = arith.constant 0 : i32
      %lt3A_391 = arith.cmpi slt, %rem3A_387, %lt3A_390 : i32
      %lt3A_392 = arith.constant 0 : i32
      %lt3A_393 = arith.cmpi slt, %select_n3A_386, %lt3A_392 : i32
      %ne3A_394 = arith.xori %lt3A_391, %lt3A_393 : i1
      %and3A_395 = arith.andi %ne3A_394, %ne3A_389 : i1
      %add3A_396 = arith.addi %rem3A_387, %select_n3A_386 : i32
      %select_n3A_397 = arith.select %and3A_395, %add3A_396, %rem3A_387 : i32
      %eq3A_398 = arith.constant 3 : i32
      %eq3A_399 = arith.cmpi eq, %select_n3A_397, %eq3A_398 : i32
      %convert_element_type3A_400 = arith.extui %eq3A_399 : i1 to i32
      %cond3A_401 = arith.constant 0 : i32
      %cond3A_402 = arith.cmpi ne, %convert_element_type3A_400, %cond3A_401 : i32
      scf.if %cond3A_402 {
        %dma_wait3A_425 = arith.constant 0 : i32
        %dma_wait3A_426 = arith.constant 0 : i32
        %dma_wait3A_427 = tpu.memref_slice %arg6[%dma_wait3A_425, %dma_wait3A_426] : memref<250x40xi32, #tpu.memory_space<vmem>> -> memref<1x40xi32, #tpu.memory_space<vmem>>
        %dma_wait3A_428 = tpu.memref_squeeze %dma_wait3A_427 : memref<1x40xi32, #tpu.memory_space<vmem>> -> memref<40xi32, #tpu.memory_space<vmem>>
        %dma_wait3A_429 = arith.constant 0 : i32
        %dma_wait3A_430 = arith.constant 0 : i32
        %dma_wait3A_431 = tpu.memref_slice %arg2[%dma_wait3A_429, %dma_wait3A_430] : memref<10000x144xf32, #tpu.memory_space<hbm>> -> memref<10000x144xf32, #tpu.memory_space<hbm>>
        tpu.wait_indirect_dma semaphore(%arg21 : memref<!tpu.dma_semaphore, #tpu.memory_space<semaphore_mem>>) src(%dma_wait3A_431 : memref<10000x144xf32, #tpu.memory_space<hbm>>) dst(%arg15 : memref<40x144xf32, #tpu.memory_space<vmem>>)
        %dma_wait3A_432 = arith.constant 0 : i32
        %dma_wait3A_433 = tpu.memref_slice %arg4[%add3A, %dma_wait3A_432] : memref<8000x40xi32, #tpu.memory_space<hbm>> -> memref<1x40xi32, #tpu.memory_space<hbm>>
        %dma_wait3A_434 = tpu.memref_squeeze %dma_wait3A_433 : memref<1x40xi32, #tpu.memory_space<hbm>> -> memref<40xi32, #tpu.memory_space<hbm>>
        %dma_wait3A_435 = arith.constant 0 : i32
        %dma_wait3A_436 = tpu.memref_slice %arg4[%add3A, %dma_wait3A_435] : memref<8000x40xi32, #tpu.memory_space<hbm>> -> memref<1x40xi32, #tpu.memory_space<hbm>>
        %dma_wait3A_437 = tpu.memref_squeeze %dma_wait3A_436 : memref<1x40xi32, #tpu.memory_space<hbm>> -> memref<40xi32, #tpu.memory_space<hbm>>
        tpu.wait_dma2 semaphore(%arg31 : memref<!tpu.dma_semaphore, #tpu.memory_space<semaphore_mem>>) src(%dma_wait3A_437 : memref<40xi32, #tpu.memory_space<hbm>>) dst(%arg10 : memref<40xi32, #tpu.memory_space<vmem>>)
        %dma_start3A_438 = arith.constant 0 : i32
        %dma_start3A_439 = arith.constant 0 : i32
        %dma_start3A_440 = tpu.memref_slice %arg17[%dma_start3A_438, %dma_start3A_439] : memref<10112x144xf32, #tpu.memory_space<vmem_shared>> -> memref<10112x144xf32, #tpu.memory_space<vmem_shared>>
        tpu.enqueue_indirect_dma source(%arg15 : memref<40x144xf32, #tpu.memory_space<vmem>>) target(%dma_start3A_440 : memref<10112x144xf32, #tpu.memory_space<vmem_shared>>) offsets(%arg10 : memref<40xi32, #tpu.memory_space<vmem>>) semaphore(%arg26 : memref<!tpu.dma_semaphore, #tpu.memory_space<semaphore_mem>>) {add = true}
        %ge3A = arith.constant 1 : i32
        %ge3A_441 = arith.cmpi sge, %scan3A_326, %ge3A : i32
        %convert_element_type3A_442 = arith.extui %ge3A_441 : i1 to i32
        %cond3A_443 = arith.constant 0 : i32
        %cond3A_444 = arith.cmpi ne, %convert_element_type3A_442, %cond3A_443 : i32
        scf.if %cond3A_444 {
          %dma_wait3A_452 = arith.constant 0 : i32
          %dma_wait3A_453 = arith.constant 0 : i32
          %dma_wait3A_454 = tpu.memref_slice %arg17[%dma_wait3A_452, %dma_wait3A_453] : memref<10112x144xf32, #tpu.memory_space<vmem_shared>> -> memref<10112x144xf32, #tpu.memory_space<vmem_shared>>
          tpu.wait_indirect_dma semaphore(%arg25 : memref<!tpu.dma_semaphore, #tpu.memory_space<semaphore_mem>>) src(%arg14 : memref<40x144xf32, #tpu.memory_space<vmem>>) dst(%dma_wait3A_454 : memref<10112x144xf32, #tpu.memory_space<vmem_shared>>)
        } else {
        }
        %add3A_445 = arith.constant 4 : i32
        %add3A_446 = arith.addi %scan3A_326, %add3A_445 : i32
        %lt3A_447 = arith.constant 250 : i32
        %lt3A_448 = arith.cmpi slt, %add3A_446, %lt3A_447 : i32
        %convert_element_type3A_449 = arith.extui %lt3A_448 : i1 to i32
        %cond3A_450 = arith.constant 0 : i32
        %cond3A_451 = arith.cmpi ne, %convert_element_type3A_449, %cond3A_450 : i32
        scf.if %cond3A_451 {
          %add3A_452 = arith.constant 4 : i32
          %add3A_453 = arith.addi %scan3A_326, %add3A_452 : i32
          %add3A_454 = arith.addi %add3A, %add3A_453 : i32
          %dma_start3A_455 = arith.constant 0 : i32
          %dma_start3A_456 = tpu.memref_slice %arg4[%add3A_454, %dma_start3A_455] : memref<8000x40xi32, #tpu.memory_space<hbm>> -> memref<1x40xi32, #tpu.memory_space<hbm>>
          %dma_start3A_457 = tpu.memref_squeeze %dma_start3A_456 : memref<1x40xi32, #tpu.memory_space<hbm>> -> memref<40xi32, #tpu.memory_space<hbm>>
          %dma_start3A_458 = arith.constant 0 : i32
          %dma_start3A_459 = tpu.memref_slice %arg4[%add3A_454, %dma_start3A_458] : memref<8000x40xi32, #tpu.memory_space<hbm>> -> memref<1x40xi32, #tpu.memory_space<hbm>>
          %dma_start3A_460 = tpu.memref_squeeze %dma_start3A_459 : memref<1x40xi32, #tpu.memory_space<hbm>> -> memref<40xi32, #tpu.memory_space<hbm>>
          tpu.enqueue_dma source(%dma_start3A_460 : memref<40xi32, #tpu.memory_space<hbm>>) target(%arg9 : memref<40xi32, #tpu.memory_space<vmem>>) target_semaphore(%arg30 : memref<!tpu.dma_semaphore, #tpu.memory_space<semaphore_mem>>)
          %add3A_461 = arith.constant 4 : i32
          %add3A_462 = arith.addi %scan3A_326, %add3A_461 : i32
          %dma_start3A_463 = arith.constant 0 : i32
          %dma_start3A_464 = tpu.memref_slice %arg6[%add3A_462, %dma_start3A_463] : memref<250x40xi32, #tpu.memory_space<vmem>> -> memref<1x40xi32, #tpu.memory_space<vmem>>
          %dma_start3A_465 = tpu.memref_squeeze %dma_start3A_464 : memref<1x40xi32, #tpu.memory_space<vmem>> -> memref<40xi32, #tpu.memory_space<vmem>>
          %dma_start3A_466 = arith.constant 0 : i32
          %dma_start3A_467 = arith.constant 0 : i32
          %dma_start3A_468 = tpu.memref_slice %arg2[%dma_start3A_466, %dma_start3A_467] : memref<10000x144xf32, #tpu.memory_space<hbm>> -> memref<10000x144xf32, #tpu.memory_space<hbm>>
          tpu.enqueue_indirect_dma source(%dma_start3A_468 : memref<10000x144xf32, #tpu.memory_space<hbm>>) target(%arg14 : memref<40x144xf32, #tpu.memory_space<vmem>>) offsets(%dma_start3A_465 : memref<40xi32, #tpu.memory_space<vmem>>) semaphore(%arg20 : memref<!tpu.dma_semaphore, #tpu.memory_space<semaphore_mem>>)
        } else {
        }
      } else {
      }
      %jit3A_403 = arith.constant 5 : i32
      %eq3A_404 = arith.constant 0 : i32
      %eq3A_405 = arith.cmpi eq, %jit3A_403, %eq3A_404 : i32
      %jit3A_406 = arith.constant 1 : i32
      %select_n3A_407 = arith.select %eq3A_405, %jit3A_406, %jit3A_403 : i32
      %rem3A_408 = arith.remsi %scan3A_326, %select_n3A_407 : i32
      %ne3A_409 = arith.constant 0 : i32
      %ne3A_410 = arith.cmpi ne, %rem3A_408, %ne3A_409 : i32
      %lt3A_411 = arith.constant 0 : i32
      %lt3A_412 = arith.cmpi slt, %rem3A_408, %lt3A_411 : i32
      %lt3A_413 = arith.constant 0 : i32
      %lt3A_414 = arith.cmpi slt, %select_n3A_407, %lt3A_413 : i32
      %ne3A_415 = arith.xori %lt3A_412, %lt3A_414 : i1
      %and3A_416 = arith.andi %ne3A_415, %ne3A_410 : i1
      %add3A_417 = arith.addi %rem3A_408, %select_n3A_407 : i32
      %select_n3A_418 = arith.select %and3A_416, %add3A_417, %rem3A_408 : i32
      %eq3A_419 = arith.constant 4 : i32
      %eq3A_420 = arith.cmpi eq, %select_n3A_418, %eq3A_419 : i32
      %convert_element_type3A_421 = arith.extui %eq3A_420 : i1 to i32
      %cond3A_422 = arith.constant 0 : i32
      %cond3A_423 = arith.cmpi ne, %convert_element_type3A_421, %cond3A_422 : i32
      scf.if %cond3A_423 {
        %dma_wait3A_425 = arith.constant 0 : i32
        %dma_wait3A_426 = arith.constant 0 : i32
        %dma_wait3A_427 = tpu.memref_slice %arg6[%dma_wait3A_425, %dma_wait3A_426] : memref<250x40xi32, #tpu.memory_space<vmem>> -> memref<1x40xi32, #tpu.memory_space<vmem>>
        %dma_wait3A_428 = tpu.memref_squeeze %dma_wait3A_427 : memref<1x40xi32, #tpu.memory_space<vmem>> -> memref<40xi32, #tpu.memory_space<vmem>>
        %dma_wait3A_429 = arith.constant 0 : i32
        %dma_wait3A_430 = arith.constant 0 : i32
        %dma_wait3A_431 = tpu.memref_slice %arg2[%dma_wait3A_429, %dma_wait3A_430] : memref<10000x144xf32, #tpu.memory_space<hbm>> -> memref<10000x144xf32, #tpu.memory_space<hbm>>
        tpu.wait_indirect_dma semaphore(%arg22 : memref<!tpu.dma_semaphore, #tpu.memory_space<semaphore_mem>>) src(%dma_wait3A_431 : memref<10000x144xf32, #tpu.memory_space<hbm>>) dst(%arg16 : memref<40x144xf32, #tpu.memory_space<vmem>>)
        %dma_wait3A_432 = arith.constant 0 : i32
        %dma_wait3A_433 = tpu.memref_slice %arg4[%add3A, %dma_wait3A_432] : memref<8000x40xi32, #tpu.memory_space<hbm>> -> memref<1x40xi32, #tpu.memory_space<hbm>>
        %dma_wait3A_434 = tpu.memref_squeeze %dma_wait3A_433 : memref<1x40xi32, #tpu.memory_space<hbm>> -> memref<40xi32, #tpu.memory_space<hbm>>
        %dma_wait3A_435 = arith.constant 0 : i32
        %dma_wait3A_436 = tpu.memref_slice %arg4[%add3A, %dma_wait3A_435] : memref<8000x40xi32, #tpu.memory_space<hbm>> -> memref<1x40xi32, #tpu.memory_space<hbm>>
        %dma_wait3A_437 = tpu.memref_squeeze %dma_wait3A_436 : memref<1x40xi32, #tpu.memory_space<hbm>> -> memref<40xi32, #tpu.memory_space<hbm>>
        tpu.wait_dma2 semaphore(%arg32 : memref<!tpu.dma_semaphore, #tpu.memory_space<semaphore_mem>>) src(%dma_wait3A_437 : memref<40xi32, #tpu.memory_space<hbm>>) dst(%arg11 : memref<40xi32, #tpu.memory_space<vmem>>)
        %dma_start3A_438 = arith.constant 0 : i32
        %dma_start3A_439 = arith.constant 0 : i32
        %dma_start3A_440 = tpu.memref_slice %arg17[%dma_start3A_438, %dma_start3A_439] : memref<10112x144xf32, #tpu.memory_space<vmem_shared>> -> memref<10112x144xf32, #tpu.memory_space<vmem_shared>>
        tpu.enqueue_indirect_dma source(%arg16 : memref<40x144xf32, #tpu.memory_space<vmem>>) target(%dma_start3A_440 : memref<10112x144xf32, #tpu.memory_space<vmem_shared>>) offsets(%arg11 : memref<40xi32, #tpu.memory_space<vmem>>) semaphore(%arg27 : memref<!tpu.dma_semaphore, #tpu.memory_space<semaphore_mem>>) {add = true}
        %ge3A = arith.constant 1 : i32
        %ge3A_441 = arith.cmpi sge, %scan3A_326, %ge3A : i32
        %convert_element_type3A_442 = arith.extui %ge3A_441 : i1 to i32
        %cond3A_443 = arith.constant 0 : i32
        %cond3A_444 = arith.cmpi ne, %convert_element_type3A_442, %cond3A_443 : i32
        scf.if %cond3A_444 {
          %dma_wait3A_452 = arith.constant 0 : i32
          %dma_wait3A_453 = arith.constant 0 : i32
          %dma_wait3A_454 = tpu.memref_slice %arg17[%dma_wait3A_452, %dma_wait3A_453] : memref<10112x144xf32, #tpu.memory_space<vmem_shared>> -> memref<10112x144xf32, #tpu.memory_space<vmem_shared>>
          tpu.wait_indirect_dma semaphore(%arg26 : memref<!tpu.dma_semaphore, #tpu.memory_space<semaphore_mem>>) src(%arg15 : memref<40x144xf32, #tpu.memory_space<vmem>>) dst(%dma_wait3A_454 : memref<10112x144xf32, #tpu.memory_space<vmem_shared>>)
        } else {
        }
        %add3A_445 = arith.constant 4 : i32
        %add3A_446 = arith.addi %scan3A_326, %add3A_445 : i32
        %lt3A_447 = arith.constant 250 : i32
        %lt3A_448 = arith.cmpi slt, %add3A_446, %lt3A_447 : i32
        %convert_element_type3A_449 = arith.extui %lt3A_448 : i1 to i32
        %cond3A_450 = arith.constant 0 : i32
        %cond3A_451 = arith.cmpi ne, %convert_element_type3A_449, %cond3A_450 : i32
        scf.if %cond3A_451 {
          %add3A_452 = arith.constant 4 : i32
          %add3A_453 = arith.addi %scan3A_326, %add3A_452 : i32
          %add3A_454 = arith.addi %add3A, %add3A_453 : i32
          %dma_start3A_455 = arith.constant 0 : i32
          %dma_start3A_456 = tpu.memref_slice %arg4[%add3A_454, %dma_start3A_455] : memref<8000x40xi32, #tpu.memory_space<hbm>> -> memref<1x40xi32, #tpu.memory_space<hbm>>
          %dma_start3A_457 = tpu.memref_squeeze %dma_start3A_456 : memref<1x40xi32, #tpu.memory_space<hbm>> -> memref<40xi32, #tpu.memory_space<hbm>>
          %dma_start3A_458 = arith.constant 0 : i32
          %dma_start3A_459 = tpu.memref_slice %arg4[%add3A_454, %dma_start3A_458] : memref<8000x40xi32, #tpu.memory_space<hbm>> -> memref<1x40xi32, #tpu.memory_space<hbm>>
          %dma_start3A_460 = tpu.memref_squeeze %dma_start3A_459 : memref<1x40xi32, #tpu.memory_space<hbm>> -> memref<40xi32, #tpu.memory_space<hbm>>
          tpu.enqueue_dma source(%dma_start3A_460 : memref<40xi32, #tpu.memory_space<hbm>>) target(%arg10 : memref<40xi32, #tpu.memory_space<vmem>>) target_semaphore(%arg31 : memref<!tpu.dma_semaphore, #tpu.memory_space<semaphore_mem>>)
          %add3A_461 = arith.constant 4 : i32
          %add3A_462 = arith.addi %scan3A_326, %add3A_461 : i32
          %dma_start3A_463 = arith.constant 0 : i32
          %dma_start3A_464 = tpu.memref_slice %arg6[%add3A_462, %dma_start3A_463] : memref<250x40xi32, #tpu.memory_space<vmem>> -> memref<1x40xi32, #tpu.memory_space<vmem>>
          %dma_start3A_465 = tpu.memref_squeeze %dma_start3A_464 : memref<1x40xi32, #tpu.memory_space<vmem>> -> memref<40xi32, #tpu.memory_space<vmem>>
          %dma_start3A_466 = arith.constant 0 : i32
          %dma_start3A_467 = arith.constant 0 : i32
          %dma_start3A_468 = tpu.memref_slice %arg2[%dma_start3A_466, %dma_start3A_467] : memref<10000x144xf32, #tpu.memory_space<hbm>> -> memref<10000x144xf32, #tpu.memory_space<hbm>>
          tpu.enqueue_indirect_dma source(%dma_start3A_468 : memref<10000x144xf32, #tpu.memory_space<hbm>>) target(%arg15 : memref<40x144xf32, #tpu.memory_space<vmem>>) offsets(%dma_start3A_465 : memref<40xi32, #tpu.memory_space<vmem>>) semaphore(%arg21 : memref<!tpu.dma_semaphore, #tpu.memory_space<semaphore_mem>>)
        } else {
        }
      } else {
      }
      %scan3A_424 = arith.constant 0 : i32
      scf.yield %scan3A_424 : i32
    }
    %scan3A_317 = arith.constant 250 : i32
    %dma_wait3A_318 = arith.constant 0 : i32
    %dma_wait3A_319 = arith.constant 0 : i32
    %dma_wait3A_320 = tpu.memref_slice %arg17[%dma_wait3A_318, %dma_wait3A_319] : memref<10112x144xf32, #tpu.memory_space<vmem_shared>> -> memref<10112x144xf32, #tpu.memory_space<vmem_shared>>
    tpu.wait_indirect_dma semaphore(%arg27 : memref<!tpu.dma_semaphore, #tpu.memory_space<semaphore_mem>>) src(%arg16 : memref<40x144xf32, #tpu.memory_space<vmem>>) dst(%dma_wait3A_320 : memref<10112x144xf32, #tpu.memory_space<vmem_shared>>)
    %barrier3A_321 = arith.constant 0 : index
    tpu.barrier barrier_id(%barrier3A_321)
    %mul3A_322 = arith.constant 632 : i32
    %mul3A_323 = arith.muli %arg1, %mul3A_322 : i32
    %mul3A_324 = arith.constant 632 : i32
    %mul3A_325 = arith.muli %arg1, %mul3A_324 : i32
    "tpu.region"() ({
      %run_scoped3A = tpu.sem_alloc : memref<!tpu.dma_semaphore, #tpu.memory_space<semaphore_mem>>
      %dma_start3A_326 = arith.constant 0 : i32
      %dma_start3A_327 = tpu.memref_slice %arg5[%arg0, %mul3A_325, %dma_start3A_326] : memref<2x10112x144xf32, #tpu.memory_space<hbm>> -> memref<1x632x144xf32, #tpu.memory_space<hbm>>
      %dma_start3A_328 = tpu.memref_squeeze %dma_start3A_327 : memref<1x632x144xf32, #tpu.memory_space<hbm>> -> memref<632x144xf32, #tpu.memory_space<hbm>>
      %dma_start3A_329 = arith.constant 0 : i32
      %dma_start3A_330 = tpu.memref_slice %arg17[%mul3A_323, %dma_start3A_329] : memref<10112x144xf32, #tpu.memory_space<vmem_shared>> -> memref<632x144xf32, #tpu.memory_space<vmem_shared>>
      tpu.enqueue_dma source(%dma_start3A_330 : memref<632x144xf32, #tpu.memory_space<vmem_shared>>) target(%dma_start3A_328 : memref<632x144xf32, #tpu.memory_space<hbm>>) target_semaphore(%run_scoped3A : memref<!tpu.dma_semaphore, #tpu.memory_space<semaphore_mem>>)
      %dma_wait3A_331 = arith.constant 0 : i32
      %dma_wait3A_332 = tpu.memref_slice %arg5[%arg0, %mul3A_325, %dma_wait3A_331] : memref<2x10112x144xf32, #tpu.memory_space<hbm>> -> memref<1x632x144xf32, #tpu.memory_space<hbm>>
      %dma_wait3A_333 = tpu.memref_squeeze %dma_wait3A_332 : memref<1x632x144xf32, #tpu.memory_space<hbm>> -> memref<632x144xf32, #tpu.memory_space<hbm>>
      %dma_wait3A_334 = arith.constant 0 : i32
      %dma_wait3A_335 = tpu.memref_slice %arg17[%mul3A_323, %dma_wait3A_334] : memref<10112x144xf32, #tpu.memory_space<vmem_shared>> -> memref<632x144xf32, #tpu.memory_space<vmem_shared>>
      tpu.wait_dma2 semaphore(%run_scoped3A : memref<!tpu.dma_semaphore, #tpu.memory_space<semaphore_mem>>) src(%dma_wait3A_335 : memref<632x144xf32, #tpu.memory_space<vmem_shared>>) dst(%dma_wait3A_333 : memref<632x144xf32, #tpu.memory_space<hbm>>)
      tpu.yield
    }) : () -> ()
    return
  }
}

module attributes {stable_mosaic.version = 14 : i64} {
  func.func @_tcr_body(%arg0: i32, %arg1: memref<2000x128xf32, #tpu.memory_space<vmem>>, %arg2: memref<128x128xf32, #tpu.memory_space<vmem>>, %arg3: memref<128xf32, #tpu.memory_space<vmem>>, %arg4: memref<2000x128xf32, #tpu.memory_space<vmem>>) attributes {dimension_semantics = [#tpu.dimension_semantics<arbitrary>], iteration_bounds = array<i64: 5>, scalar_prefetch = 0 : i64, scratch_operands = 0 : i64, tpu.core_type = #tpu.core_type<tc>, window_params = [{transform_indices = @transform_0, window_bounds = array<i64: 2000, 128>}, {pipeline_mode = #tpu.pipeline_mode<synchronous>, transform_indices = @transform_1, window_bounds = array<i64: 128, 128>}, {pipeline_mode = #tpu.pipeline_mode<synchronous>, transform_indices = @transform_2, window_bounds = array<i64: 128>}, {transform_indices = @transform_3, window_bounds = array<i64: 2000, 128>}]} {
    %get3A = arith.constant 0 : index
    %get3A_0 = arith.constant 0 : index
    %get3A_1 = vector.load %arg1[%get3A, %get3A_0] : memref<2000x128xf32, #tpu.memory_space<vmem>>, vector<2000x128xf32>
    %get3A_2 = arith.constant 0 : index
    %get3A_3 = arith.constant 0 : index
    %get3A_4 = vector.load %arg2[%get3A_2, %get3A_3] : memref<128x128xf32, #tpu.memory_space<vmem>>, vector<128x128xf32>
    %dot_general3A = arith.constant dense<0.000000e+00> : vector<2000x128xf32>
    %dot_general3A_5 = tpu.matmul %get3A_1, %get3A_4, %dot_general3A {dimension_numbers = #tpu.dot_dimension_numbers<[1], [0], [0], [1], [0, 0, 1, 1], [], []>, precision = #tpu.contract_precision<fp32>, transpose_lhs_hint = false} : vector<2000x128xf32>, vector<128x128xf32>, vector<2000x128xf32> -> vector<2000x128xf32>
    %get3A_6 = arith.constant 0 : index
    %get3A_7 = vector.load %arg3[%get3A_6] : memref<128xf32, #tpu.memory_space<vmem>>, vector<128xf32>
    %broadcast_in_dim3A = vector.shape_cast %get3A_7 : vector<128xf32> to vector<1x128xf32>
    %add3A = vector.broadcast %broadcast_in_dim3A : vector<1x128xf32> to vector<2000x128xf32>
    %add3A_8 = arith.addf %dot_general3A_5, %add3A : vector<2000x128xf32>
    %swap3A = arith.constant 0 : index
    %swap3A_9 = arith.constant 0 : index
    %swap3A_10 = vector.load %arg4[%swap3A, %swap3A_9] : memref<2000x128xf32, #tpu.memory_space<vmem>>, vector<2000x128xf32>
    tpu.vector_store %arg4[%swap3A, %swap3A_9], %add3A_8 {strides = array<i32>} : memref<2000x128xf32, #tpu.memory_space<vmem>>, vector<2000x128xf32>,
    return
  }
  func.func @transform_0(%arg0: i32) -> (i32, i32) {
    %c0_i32 = arith.constant 0 : i32
    %c0_i32_0 = arith.constant 0 : i32
    return %arg0, %c0_i32 : i32, i32
  }
  func.func @transform_1(%arg0: i32) -> (i32, i32) {
    %c0_i32 = arith.constant 0 : i32
    %c0_i32_0 = arith.constant 0 : i32
    %c0_i32_1 = arith.constant 0 : i32
    return %c0_i32, %c0_i32_0 : i32, i32
  }
  func.func @transform_2(%arg0: i32) -> i32 {
    %c0_i32 = arith.constant 0 : i32
    %c0_i32_0 = arith.constant 0 : i32
    return %c0_i32 : i32
  }
  func.func @transform_3(%arg0: i32) -> (i32, i32) {
    %c0_i32 = arith.constant 0 : i32
    %c0_i32_0 = arith.constant 0 : i32
    return %arg0, %c0_i32 : i32, i32
  }
}

module attributes {stable_mosaic.version = 14 : i64} {
  func.func @_tc1_body(%arg0: i32, %arg1: memref<2x2000x144xf32, #tpu.memory_space<vmem>>, %arg2: memref<2000x128xf32, #tpu.memory_space<vmem>>, %arg3: memref<128x128xf32, #tpu.memory_space<vmem>>, %arg4: memref<2000x128xf32, #tpu.memory_space<vmem>>, %arg5: memref<2000x1xf32, #tpu.memory_space<vmem>>) attributes {dimension_semantics = [#tpu.dimension_semantics<arbitrary>], iteration_bounds = array<i64: 5>, scalar_prefetch = 0 : i64, scratch_operands = 0 : i64, tpu.core_type = #tpu.core_type<tc>, window_params = [{transform_indices = @transform_0, window_bounds = array<i64: 2, 2000, 144>}, {transform_indices = @transform_1, window_bounds = array<i64: 2000, 128>}, {pipeline_mode = #tpu.pipeline_mode<synchronous>, transform_indices = @transform_2, window_bounds = array<i64: 128, 128>}, {transform_indices = @transform_3, window_bounds = array<i64: 2000, 128>}, {transform_indices = @transform_4, window_bounds = array<i64: 2000, 1>}]} {
    %get3A = arith.constant 0 : index
    %get3A_0 = arith.constant 0 : index
    %get3A_1 = arith.constant 0 : index
    %get3A_2 = vector.load %arg1[%get3A, %get3A_0, %get3A_1] : memref<2x2000x144xf32, #tpu.memory_space<vmem>>, vector<1x2000x144xf32>
    %get3A_3 = vector.shape_cast %get3A_2 : vector<1x2000x144xf32> to vector<2000x144xf32>
    %get3A_4 = arith.constant 1 : index
    %get3A_5 = arith.constant 0 : index
    %get3A_6 = arith.constant 0 : index
    %get3A_7 = vector.load %arg1[%get3A_4, %get3A_5, %get3A_6] : memref<2x2000x144xf32, #tpu.memory_space<vmem>>, vector<1x2000x144xf32>
    %get3A_8 = vector.shape_cast %get3A_7 : vector<1x2000x144xf32> to vector<2000x144xf32>
    %slice3A = vector.extract_strided_slice %get3A_3 {offsets = [0, 0], sizes = [2000, 128], strides = [1, 1]} : vector<2000x144xf32> to vector<2000x128xf32>
    %slice3A_9 = vector.extract_strided_slice %get3A_8 {offsets = [0, 0], sizes = [2000, 128], strides = [1, 1]} : vector<2000x144xf32> to vector<2000x128xf32>
    %add3A = arith.addf %slice3A, %slice3A_9 : vector<2000x128xf32>
    %slice3A_10 = vector.extract_strided_slice %get3A_3 {offsets = [0, 128], sizes = [2000, 1], strides = [1, 1]} : vector<2000x144xf32> to vector<2000x1xf32>
    %slice3A_11 = vector.extract_strided_slice %get3A_8 {offsets = [0, 128], sizes = [2000, 1], strides = [1, 1]} : vector<2000x144xf32> to vector<2000x1xf32>
    %add3A_12 = arith.addf %slice3A_10, %slice3A_11 : vector<2000x1xf32>
    %max3A = arith.constant 1.000000e+00 : f32
    %max3A_13 = vector.broadcast %max3A : f32 to vector<2000x1xf32>
    %max3A_14 = arith.maximumf %add3A_12, %max3A_13 : vector<2000x1xf32>
    %div3A = vector.broadcast %max3A_14 : vector<2000x1xf32> to vector<2000x128xf32>
    %div3A_15 = arith.divf %add3A, %div3A : vector<2000x128xf32>
    %get3A_16 = arith.constant 0 : index
    %get3A_17 = arith.constant 0 : index
    %get3A_18 = vector.load %arg3[%get3A_16, %get3A_17] : memref<128x128xf32, #tpu.memory_space<vmem>>, vector<128x128xf32>
    %dot_general3A = arith.constant dense<0.000000e+00> : vector<2000x128xf32>
    %dot_general3A_19 = tpu.matmul %div3A_15, %get3A_18, %dot_general3A {dimension_numbers = #tpu.dot_dimension_numbers<[1], [0], [0], [1], [0, 0, 1, 1], [], []>, precision = #tpu.contract_precision<fp32>, transpose_lhs_hint = false} : vector<2000x128xf32>, vector<128x128xf32>, vector<2000x128xf32> -> vector<2000x128xf32>
    %get3A_20 = arith.constant 0 : index
    %get3A_21 = arith.constant 0 : index
    %get3A_22 = vector.load %arg2[%get3A_20, %get3A_21] : memref<2000x128xf32, #tpu.memory_space<vmem>>, vector<2000x128xf32>
    %add3A_23 = arith.addf %dot_general3A_19, %get3A_22 : vector<2000x128xf32>
    %max3A_24 = arith.constant 0.000000e+00 : f32
    %max3A_25 = vector.broadcast %max3A_24 : f32 to vector<2000x128xf32>
    %max3A_26 = arith.maximumf %add3A_23, %max3A_25 : vector<2000x128xf32>
    %swap3A = arith.constant 0 : index
    %swap3A_27 = arith.constant 0 : index
    %swap3A_28 = vector.load %arg4[%swap3A, %swap3A_27] : memref<2000x128xf32, #tpu.memory_space<vmem>>, vector<2000x128xf32>
    tpu.vector_store %arg4[%swap3A, %swap3A_27], %max3A_26 {strides = array<i32>} : memref<2000x128xf32, #tpu.memory_space<vmem>>, vector<2000x128xf32>,
    %swap3A_29 = arith.constant 0 : index
    %swap3A_30 = arith.constant 0 : index
    %swap3A_31 = vector.load %arg5[%swap3A_29, %swap3A_30] : memref<2000x1xf32, #tpu.memory_space<vmem>>, vector<2000x1xf32>
    tpu.vector_store %arg5[%swap3A_29, %swap3A_30], %max3A_14 {strides = array<i32>} : memref<2000x1xf32, #tpu.memory_space<vmem>>, vector<2000x1xf32>,
    return
  }
  func.func @transform_0(%arg0: i32) -> (i32, i32, i32) {
    %c0_i32 = arith.constant 0 : i32
    %c0_i32_0 = arith.constant 0 : i32
    %c0_i32_1 = arith.constant 0 : i32
    return %c0_i32, %arg0, %c0_i32_0 : i32, i32, i32
  }
  func.func @transform_1(%arg0: i32) -> (i32, i32) {
    %c0_i32 = arith.constant 0 : i32
    %c0_i32_0 = arith.constant 0 : i32
    return %arg0, %c0_i32 : i32, i32
  }
  func.func @transform_2(%arg0: i32) -> (i32, i32) {
    %c0_i32 = arith.constant 0 : i32
    %c0_i32_0 = arith.constant 0 : i32
    %c0_i32_1 = arith.constant 0 : i32
    return %c0_i32, %c0_i32_0 : i32, i32
  }
  func.func @transform_3(%arg0: i32) -> (i32, i32) {
    %c0_i32 = arith.constant 0 : i32
    %c0_i32_0 = arith.constant 0 : i32
    return %arg0, %c0_i32 : i32, i32
  }
  func.func @transform_4(%arg0: i32) -> (i32, i32) {
    %c0_i32 = arith.constant 0 : i32
    %c0_i32_0 = arith.constant 0 : i32
    return %arg0, %c0_i32 : i32, i32
  }
}

module attributes {stable_mosaic.version = 14 : i64} {
  func.func @_tc2_body(%arg0: i32, %arg1: memref<2x2000x128xf32, #tpu.memory_space<vmem>>, %arg2: memref<2000x128xf32, #tpu.memory_space<vmem>>, %arg3: memref<2000x1xf32, #tpu.memory_space<vmem>>, %arg4: memref<128x128xf32, #tpu.memory_space<vmem>>, %arg5: memref<2000x128xf32, #tpu.memory_space<vmem>>) attributes {dimension_semantics = [#tpu.dimension_semantics<arbitrary>], iteration_bounds = array<i64: 5>, scalar_prefetch = 0 : i64, scratch_operands = 0 : i64, tpu.core_type = #tpu.core_type<tc>, window_params = [{transform_indices = @transform_0, window_bounds = array<i64: 2, 2000, 128>}, {transform_indices = @transform_1, window_bounds = array<i64: 2000, 128>}, {transform_indices = @transform_2, window_bounds = array<i64: 2000, 1>}, {pipeline_mode = #tpu.pipeline_mode<synchronous>, transform_indices = @transform_3, window_bounds = array<i64: 128, 128>}, {transform_indices = @transform_4, window_bounds = array<i64: 2000, 128>}]} {
    %get3A = arith.constant 0 : index
    %get3A_0 = arith.constant 0 : index
    %get3A_1 = arith.constant 0 : index
    %get3A_2 = vector.load %arg1[%get3A, %get3A_0, %get3A_1] : memref<2x2000x128xf32, #tpu.memory_space<vmem>>, vector<1x2000x128xf32>
    %get3A_3 = vector.shape_cast %get3A_2 : vector<1x2000x128xf32> to vector<2000x128xf32>
    %get3A_4 = arith.constant 1 : index
    %get3A_5 = arith.constant 0 : index
    %get3A_6 = arith.constant 0 : index
    %get3A_7 = vector.load %arg1[%get3A_4, %get3A_5, %get3A_6] : memref<2x2000x128xf32, #tpu.memory_space<vmem>>, vector<1x2000x128xf32>
    %get3A_8 = vector.shape_cast %get3A_7 : vector<1x2000x128xf32> to vector<2000x128xf32>
    %add3A = arith.addf %get3A_3, %get3A_8 : vector<2000x128xf32>
    %get3A_9 = arith.constant 0 : index
    %get3A_10 = arith.constant 0 : index
    %get3A_11 = vector.load %arg3[%get3A_9, %get3A_10] : memref<2000x1xf32, #tpu.memory_space<vmem>>, vector<2000x1xf32>
    %div3A = vector.broadcast %get3A_11 : vector<2000x1xf32> to vector<2000x128xf32>
    %div3A_12 = arith.divf %add3A, %div3A : vector<2000x128xf32>
    %get3A_13 = arith.constant 0 : index
    %get3A_14 = arith.constant 0 : index
    %get3A_15 = vector.load %arg4[%get3A_13, %get3A_14] : memref<128x128xf32, #tpu.memory_space<vmem>>, vector<128x128xf32>
    %dot_general3A = arith.constant dense<0.000000e+00> : vector<2000x128xf32>
    %dot_general3A_16 = tpu.matmul %div3A_12, %get3A_15, %dot_general3A {dimension_numbers = #tpu.dot_dimension_numbers<[1], [0], [0], [1], [0, 0, 1, 1], [], []>, precision = #tpu.contract_precision<fp32>, transpose_lhs_hint = false} : vector<2000x128xf32>, vector<128x128xf32>, vector<2000x128xf32> -> vector<2000x128xf32>
    %get3A_17 = arith.constant 0 : index
    %get3A_18 = arith.constant 0 : index
    %get3A_19 = vector.load %arg2[%get3A_17, %get3A_18] : memref<2000x128xf32, #tpu.memory_space<vmem>>, vector<2000x128xf32>
    %add3A_20 = arith.addf %dot_general3A_16, %get3A_19 : vector<2000x128xf32>
    %swap3A = arith.constant 0 : index
    %swap3A_21 = arith.constant 0 : index
    %swap3A_22 = vector.load %arg5[%swap3A, %swap3A_21] : memref<2000x128xf32, #tpu.memory_space<vmem>>, vector<2000x128xf32>
    tpu.vector_store %arg5[%swap3A, %swap3A_21], %add3A_20 {strides = array<i32>} : memref<2000x128xf32, #tpu.memory_space<vmem>>, vector<2000x128xf32>,
    return
  }
  func.func @transform_0(%arg0: i32) -> (i32, i32, i32) {
    %c0_i32 = arith.constant 0 : i32
    %c0_i32_0 = arith.constant 0 : i32
    %c0_i32_1 = arith.constant 0 : i32
    return %c0_i32, %arg0, %c0_i32_0 : i32, i32, i32
  }
  func.func @transform_1(%arg0: i32) -> (i32, i32) {
    %c0_i32 = arith.constant 0 : i32
    %c0_i32_0 = arith.constant 0 : i32
    return %arg0, %c0_i32 : i32, i32
  }
  func.func @transform_2(%arg0: i32) -> (i32, i32) {
    %c0_i32 = arith.constant 0 : i32
    %c0_i32_0 = arith.constant 0 : i32
    return %arg0, %c0_i32 : i32, i32
  }
  func.func @transform_3(%arg0: i32) -> (i32, i32) {
    %c0_i32 = arith.constant 0 : i32
    %c0_i32_0 = arith.constant 0 : i32
    %c0_i32_1 = arith.constant 0 : i32
    return %c0_i32, %c0_i32_0 : i32, i32
  }
  func.func @transform_4(%arg0: i32) -> (i32, i32) {
    %c0_i32 = arith.constant 0 : i32
    %c0_i32_0 = arith.constant 0 : i32
    return %arg0, %c0_i32 : i32, i32
  }
}

</mosaic_0001>

<sc_bundles>
// kernel: kernel.11.cloned.1.call-start
scs
__scs_entry_jumppad:
0x0: {  	(pc) =	sbr.rel $0x88, $3  }
0x1: {  	(tag) =	ssettag $0x0;
	lr =	simm.s32 $0x1  }
0x2: {  	[smem:$0x3F99] =	sst lr;
	_ =	strace $0xD0000000  }
0x3: {  	_ = 	snop  }
0x4: {  	_ = 	snop  }
0x5: {  	_ = 	snop  }
0x6: {  	_ = 	snop  }
0x7: {  	_ = 	snop  }
__scs_overlays_trampoline_lowered:
0x8: {  	[smem:$0x3FA8] =	sst s0  }
0x9: {  	[smem:$0x3FA9] =	sst s1  }
0xa: {  	[smem:$0x3FAA] =	sst s2  }
0xb: {  	[smem:$0x3FAB] =	sst s3  }
0xc: {  	[smem:$0x3FAC] =	sst s4  }
0xd: {  	[smem:$0x3FAD] =	sst s5  }
0xe: {  	[smem:$0x3FAE] =	sst s6  }
0xf: {  	[smem:$0x3FAF] =	sst s7  }
0x10: {  	[smem:$0x3FB0] =	sst s8  }
0x11: {  	[smem:$0x3FB1] =	sst s9;
	s0 =	simm.s32 @!p0 $0x0  }
0x12: {  	s1 =	sld [smem:$0x3F97];
	s0 =	simm.s32 @p0 $0x1  }
0x13: {  	[smem:$0x3FB2] =	sst s0;
	s0 =	simm.s32 @!p1 $0x0  }
0x14: {  	s2 =	sld [smem:$0x3F96];
	s0 =	simm.s32 @p1 $0x1  }
0x15: {  	[smem:$0x3FB3] =	sst s0;
	s0 =	simm.s32 @!p2 $0x0  }
0x16: {  	s3 =	sld [smem:$0x3FDB];
	s0 =	simm.s32 @p2 $0x1  }
0x17: {  	s4 =	simm.s32 $0x1BF5;
	[smem:$0x3FB5] =	sst s0  }
0x18: {  	s0 =	sld [smem:$0x3F98];
	_ =	swait.ge [sflag:s4], $0x0  }
0x19: {  	s7 =	sld [smem:$0x3F99]  }
0x1a: {  	s8 =	sadd.s32 $0xFFFFE003, lr  }
0x1b: {  	s9 =	sadd.s32 $0xFFFFFEF7, lr;
	s5 =	simm.s32 $0xFFFFFFFF;
	p2 =	slt.u32 s8, $0xFFFFF086  }
0x1c: {  	p1 =	slt.u32 s9, $0xF7A;
	s5 =	simm.s32 @!p2 $0x0  }
0x1d: {  	s5 =	simm.s32 @p1 $0x1;
	p0 =	seq.s32 s7, s2  }
0x1e: {  	s7 =	smul.u32 @!p0 $0xF7A, s2;
	p2 =	seq.s32 @!p0 s5, $0x0  }
0x1f: {  	s9 =	smul.u32 $0xF7A, s1;
	s8 =	simm.s32 @!p0 $0x1BF5;
	p2 =	por !p2, p0  }
0x20: {  	[sflag:s8] =	ssyncset.s32 @!p0 $0xFFFFF086;
	s6 =	sadd.s32 @!p0 s3, s7;
	s7 =	simm.s32 @!p0 $0x108  }
0x21: {  	s3 =	sadd.s32 s3, s9;
	s6 =	sadd.s32 @!p0 $0x88, s6;
	s7 =	simm.s32 @p2 $0x1082  }
0x22: {  	[simem:s7], [sflag:s8] =	dma.local @!p0 [hbm:s6], $0xF7A  }
0x23: {  	s9 =	sor.u32 $0xD0000000, s2;
	s6 =	simm.s32 $0x108;
	_ =	swait.ge @!p0 [sflag:s8], $0x0  }
0x24: {  	s3 =	sadd.s32 $0x88, s3;
	s6 =	simm.s32 @!p1 $0x1082;
	[sflag:s4] =	ssyncset.s32 $0xFFFFF086  }
0x25: {  	[simem:s6], [sflag:s4] =	dma.local [hbm:s3], $0xF7A  }
0x26: {  	[smem:$0x3F99] =	sst s1;
	(tag) =	ssettag s2;
	_ =	strace s9  }
0x27: {  	s1 =	sld [smem:$0x3FA9]  }
0x28: {  	s2 =	sld [smem:$0x3FAA]  }
0x29: {  	s4 =	sld [smem:$0x3FAC]  }
0x2a: {  	p0 =	seq.s32 s5, $0x0;
	s5 =	sld [smem:$0x3FAD]  }
0x2b: {  	s6 =	sld [smem:$0x3FAE]  }
0x2c: {  	s7 =	sld [smem:$0x3FAF]  }
0x2d: {  	s3 =	simm.s32 $0x108;
	s8 =	sld [smem:$0x3FB0]  }
0x2e: {  	s3 =	simm.s32 @!p0 $0x1082;
	s9 =	sld [smem:$0x3FB1]  }
0x2f: {  	lr =	sadd.s32 s0, s3;
	s0 =	sld [smem:$0x3FA8]  }
0x30: {  	s3 =	sld [smem:$0x3FAB]  }
0x31: {  	[smem:$0x3FB4] =	sst s10  }
0x32: {  	s10 =	sld [smem:$0x3FB2];
	_ =	sdelay $0x3  }
0x33: {  	p0 =	seq.s32 s10, $0x1;
	s10 =	sld [smem:$0x3FB4];
	_ =	sdelay $0x3  }
0x34: {  	[smem:$0x3FB4] =	sst s10  }
0x35: {  	s10 =	sld [smem:$0x3FB3];
	_ =	sdelay $0x3  }
0x36: {  	p1 =	seq.s32 s10, $0x1;
	s10 =	sld [smem:$0x3FB4];
	_ =	sdelay $0x3  }
0x37: {  	[smem:$0x3FB4] =	sst s10  }
0x38: {  	s10 =	sld [smem:$0x3FB5]  }
0x39: {  	_ = 	snop;
	(pc) =	sbr.ind lr, $3  }
0x3a: {  	_ = 	snop  }
0x3b: {  	_ = 	snop  }
0x3c: {  	p2 =	seq.s32 s10, $0x1;
	s10 =	sld [smem:$0x3FB4]  }
0x3d: {  	_ =	shalt  }
0x3e: {  	_ =	shalt  }
0x3f: {  	_ =	shalt  }
0x40: {  	_ =	shalt  }
0x41: {  	_ =	shalt  }
0x42: {  	_ =	shalt  }
0x43: {  	_ =	shalt  }
0x44: {  	_ =	shalt  }
0x45: {  	_ =	shalt  }
0x46: {  	_ =	shalt  }
0x47: {  	_ =	shalt  }
0x48: {  	_ =	shalt  }
0x49: {  	_ =	shalt  }
0x4a: {  	_ =	shalt  }
0x4b: {  	_ =	shalt  }
0x4c: {  	_ =	shalt  }
0x4d: {  	_ =	shalt  }
0x4e: {  	_ =	shalt  }
0x4f: {  	_ =	shalt  }
0x50: {  	_ =	shalt  }
0x51: {  	_ =	shalt  }
0x52: {  	_ =	shalt  }
0x53: {  	_ =	shalt  }
0x54: {  	_ =	shalt  }
0x55: {  	_ =	shalt  }
0x56: {  	_ =	shalt  }
0x57: {  	_ =	shalt  }
0x58: {  	_ =	shalt  }
0x59: {  	_ =	shalt  }
0x5a: {  	_ =	shalt  }
0x5b: {  	_ =	shalt  }
0x5c: {  	_ =	shalt  }
0x5d: {  	_ =	shalt  }
0x5e: {  	_ =	shalt  }
0x5f: {  	_ =	shalt  }
0x60: {  	_ =	shalt  }
0x61: {  	_ =	shalt  }
0x62: {  	_ =	shalt  }
0x63: {  	_ =	shalt  }
0x64: {  	_ =	shalt  }
0x65: {  	_ =	shalt  }
0x66: {  	_ =	shalt  }
0x67: {  	_ =	shalt  }
0x68: {  	_ =	shalt  }
0x69: {  	_ =	shalt  }
0x6a: {  	_ =	shalt  }
0x6b: {  	_ =	shalt  }
0x6c: {  	_ =	shalt  }
0x6d: {  	_ =	shalt  }
0x6e: {  	_ =	shalt  }
0x6f: {  	_ =	shalt  }
0x70: {  	_ =	shalt  }
0x71: {  	_ =	shalt  }
0x72: {  	_ =	shalt  }
0x73: {  	_ =	shalt  }
0x74: {  	_ =	shalt  }
0x75: {  	_ =	shalt  }
0x76: {  	_ =	shalt  }
0x77: {  	_ =	shalt  }
0x78: {  	_ =	shalt  }
0x79: {  	_ =	shalt  }
0x7a: {  	_ =	shalt  }
0x7b: {  	_ =	shalt  }
0x7c: {  	_ =	shalt  }
0x7d: {  	_ =	shalt  }
0x7e: {  	_ =	shalt  }
0x7f: {  	_ =	shalt  }
0x80: {  	_ =	shalt  }
0x81: {  	_ =	shalt  }
0x82: {  	_ =	shalt  }
0x83: {  	_ =	shalt  }
0x84: {  	_ =	shalt  }
0x85: {  	_ =	shalt  }
0x86: {  	_ =	shalt  }
0x87: {  	_ =	shalt  }
.Lfunc_end0:
.L_simem_size_0:
called_computation.1_lowered:
.L_overlay_start_0:
0x88: {  	s2 =	sld [smem:$0x3FD9]  }
0x89: {  	s3 =	sld [smem:$0x3FFE];
	_ =	sdelay $0x1  }
0x8a: {  	s1 =	srdreg.scid  }
0x8b: {  	s0 =	sand.u32 $0x1, s1  }
0x8c: {  	s17 =	sshll.u32 s0, $0xA;
	s2 =	sadd.s32 s3, s2  }
0x8d: {  	s2 =	sadd.s32 s2, s17  }
0x8e: {  	[smem:$0x3FC0] =	sst s2  }
0x8f: {  	_ = 	snop  }
0x90: {  	s2 =	sld [smem:$0x3FD0];
	(tm) =	ssettm $0x1  }
0x91: {  	s18 =	sld [smem:$0x3FFB];
	_ =	sdelay $0x3  }
0x92: {  	_ =	strace s18  }
0x93: {  	s3 =	sld [smem:$0x3FFC];
	_ =	sdelay $0x3  }
0x94: {  	_ =	strace s3  }
0x95: {  	s3 =	sld [smem:$0x3FFD];
	_ =	sdelay $0x3  }
0x96: {  	_ =	strace s3  }
0x97: {  	_ =	strace $0x8FFFFFFF  }
0x98: {  	s19 =	sld [smem:$0x3FDB];
	_ =	sdelay $0x1  }
0x99: {  	s4 =	simm.s32 $_scs_section_size  }
0x9a: {  	s5 =	simm.s32 $_size__tile_overlayer_lowered;
	s6 =	simm.s32 $_tile_overlayer_lowered  }
0x9b: {  	s22 =	simm.s32 $0x1BFF;
	s21 =	sshll.u32 s6, $0x1;
	s3 =	sadd.s32 s4, s19  }
0x9c: {  	s7 =	simm.s32 $0x0;
	s20 =	sshll.u32 s5, $0x1;
	s5 =	sadd.s32 s21, s3  }
0x9d: {  	[timem:s7], [sflag:s22] =	dma.local [hbm:s5], s20  }
0x9e: {  	_ =	swait.ge [sflag:s22], s20  }
0x9f: {  	s4 =	ssub.s32 $0x0, s20;
	[sflag:s22] =	ssyncset.done $0x0  }
0xa0: {  	[sflag:s22] =	ssyncadd.s32 s4;
	_ =	sdelay $0x1  }
0xa1: {  	s23 =	simm.s32 $0x1B8B  }
0xa2: {  	_ =	swait.ge [sflag:s23], $0x1  }
0xa3: {  	[sflag:s23] =	ssyncset.done $0x0  }
0xa4: {  	s25 =	simm.s32 $0x1B8E;
	s24 =	sld [smem:$0x3FFE];
	[sflag:s23] =	ssyncadd.s32 $0xFFFFFFFF  }
0xa5: {  	s26 =	simm.s32 $execute0_lowered;
	[smem:$0x3FD2] =	sst s25  }
0xa6: {  	s5 =	sshll.u32 s26, $0x1;
	_ =	strace $0x80000049;
	[dreg:$0x1] =	wrdreg $0xFFFFFFFF  }
0xa7: {  	s28 =	simm.s32 $_size_execute0_lowered;
	s3 =	sadd.s32 s3, s5;
	[dreg:$0x0] =	wrdreg $0x0  }
0xa8: {  	s5 =	sshll.u32 s28, $0x1;
	[dreg:$0x2] =	wrdreg s3  }
0xa9: {  	[dreg:$0x3] =	wrdreg s5  }
0xaa: {  	[dreg:$0x4] =	wrdreg $0xC0  }
0xab: {  	_ =	task [dreg:s7], $0x5FFFF  }
0xac: {  	[dreg:$0x1] =	wrdreg $0xFFFFFFFF  }
0xad: {  	[dreg:$0x0] =	wrdreg $0x60  }
0xae: {  	[dreg:$0x2] =	wrdreg s2  }
0xaf: {  	[dreg:$0x3] =	wrdreg s24  }
0xb0: {  	[dreg:$0x4] =	wrdreg $0x8BD80  }
0xb1: {  	[dreg:$0x5] =	wrdreg $0x9  }
0xb2: {  	_ =	task.clear_ibuf [dreg:s7], $0x6FFFF;
	_ =	strace $0x90000049  }
0xb3: {  	s29 =	simm.s32 $0x9;
	_ =	strace $0x8000004B  }
0xb4: {  	_ =	swait.ge [sflag:s29], $0x1  }
0xb5: {  	[sflag:s29] =	ssyncadd.s32 $0xFFFFFFFF  }
0xb6: {  	_ =	strace $0x9000004B  }
0xb7: {  	_ =	sfence  }
0xb8: {  	s30 =	sld [smem:$0x0];
	_ =	sdelay $0x2  }
0xb9: {  	s31 =	sshll.u32 s1, $0xD;
	s1 =	sshrl.u32 s1, $0x2  }
0xba: {  	s3 =	sand.u32 $0x4000, s31;
	s1 =	sadd.s32 s1, s30  }
0xbb: {  	s0 =	sor.u32 s3, s0;
	s1 =	sshll.u32 s1, $0x11  }
0xbc: {  	s0 =	sor.u32 s1, s0  }
0xbd: {  	s0 =	sadd.s32 $0x8F2B, s0  }
0xbe: {  	[sflag:s0] =	ssyncadd.remote.s32 $0x1  }
0xbf: {  	_ =	sfence.sel $0xFFFF  }
0xc0: {  	[dreg:$0x0] =	wrdreg $0xFFFFFFFF;
	(pc) =	sbr.abs _section_cstart, $3  }
0xc1: {  	[dreg:$0x1] =	wrdreg $0xFFFFFFFF  }
0xc2: {  	_ =	task.clear_ibuf [dreg:s7], $0x2FFFF;
	_ =	strace $0x9FFFFFFF  }
0xc3: {  	(tm) =	ssettm $0x7FFFFFFF  }
tec
execute0_lowered:
.L_overlay_start_1:
0x0: {  	(tag) =	ssettag $0x1  }
0x1: {  	s14 =	stileid.u32  }
0x2: {  	s0 =	srdreg.scid;
	s3 =	smul.u32 $0xFA, s14  }
0x3: {  	s2 =	rddreg [dreg:$0x0];
	s6 =	smul.u32 $0x13C00, s14  }
0x4: {  	s5 =	rddreg [dreg:$0x1];
	s10 =	smul.u32 $0x4F000, s14  }
0x5: {  	s4 =	simm.s32 $0x0;
	s0 =	sand.u32 $0x1, s0;
	s21 =	smul.u32 $0x4E2, s14  }
0x6: {  	s30 =	simm.s32 $0x27D8;
	s31 =	simm.s32 $0x6;
	s1 =	smul.u32 $0xFA0, s0  }
0x7: {  	[smem:$0x7FF] =	sst s4;
	s11 =	sadd.s32 $0x1600, s5;
	s8 =	smul.u32 $0x13C000, s0  }
0x8: {  	s14 =	simm.s32 $0xC;
	s12 =	ssub.s32 $0x2, s0;
	s0 =	smul.u32 $0x4E20, s0  }
0x9: {  	s10 =	sshrl.u32 s10, $0x2;
	s1 =	sadd.s32 s3, s1;
	s3 =	rddreg [dreg:$0x2]  }
0xa: {  	s13 =	sshrl.u32 s12, $0x1;
	_ =	strace $0x8000004A;
	s10 =	sadd.s32 s10, s3  }
0xb: {  	s8 =	sadd.s32 s6, s8;
	s0 =	sadd.s32 s0, s11;
	s24 =	sadd.s32 $0x1400, s10  }
0xc: {  	s7 =	smul.u32 $0x5, s1;
	s25 =	sadd.s32 $0x2800, s10;
	[dreg:$0x5] =	wrdreg s24  }
0xd: {  	s8 =	sshrl.u32 s8, $0x3;
	s26 =	sadd.s32 $0x3C00, s10;
	[dreg:$0x6] =	wrdreg s25  }
0xe: {  	s6 =	sadd.s32 s6, s3;
	s29 =	sadd.s32 $0x5000, s10;
	[dreg:$0x7] =	wrdreg s26  }
0xf: {  	s1 =	smul.u32 $0x28, s1;
	s15 =	sadd.s32 $0x8C00, s10;
	[dreg:$0x8] =	wrdreg s29  }
0x10: {  	s0 =	sadd.s32 s21, s0;
	s16 =	sadd.s32 $0xA000, s10;
	[dreg:$0xb] =	wrdreg s15  }
0x11: {  	s18 =	sadd.s32 $0xB400, s10;
	s22 =	sadd.s32 $0xC800, s10;
	[dreg:$0xc] =	wrdreg s16  }
0x12: {  	s23 =	sadd.s32 $0xDC00, s10;
	s9 =	sadd.s32 s7, s5;
	[dreg:$0xd] =	wrdreg s18  }
0x13: {  	s5 =	sadd.s32 s8, s5;
	s8 =	ssub.s32 s12, s13;
	[dreg:$0x11] =	wrdreg s22  }
0x14: {  	s12 =	sadd.s32 $0x6400, s10;
	s13 =	sadd.s32 $0x7800, s10;
	[dreg:$0x12] =	wrdreg s23  }
0x15: {  	s17 =	sadd.s32 $0x28, s1;
	s7 =	sadd.s32 s11, s7;
	[dreg:$0x9] =	wrdreg s12  }
0x16: {  	s20 =	sadd.s32 $0x78, s1;
	s1 =	sshrl.u32 s1, $0x3;
	[dreg:$0xa] =	wrdreg s13  }
0x17: {  	s24 =	sadd.s32 $0xF000, s10;
	s25 =	sadd.s32 $0x10400, s10;
	[dreg:$0xe] =	wrdreg s7  }
0x18: {  	s26 =	sadd.s32 $0x11800, s10;
	s29 =	sadd.s32 $0x12C00, s10;
	[dreg:$0x13] =	wrdreg s24  }
0x19: {  	s10 =	simm.s32 $0xB;
	s15 =	simm.s32 $0xA;
	[dreg:$0x14] =	wrdreg s25  }
0x1a: {  	s16 =	simm.s32 $0x10;
	s9 =	sadd.s32 $0xB400, s9;
	[dreg:$0x15] =	wrdreg s26  }
0x1b: {  	s19 =	sshrl.u32 s17, $0x3;
	s1 =	sadd.s32 s11, s1;
	[dreg:$0x16] =	wrdreg s29  }
0x1c: {  	s26 =	sadd.s32 $0x15200, s5;
	s28 =	smax.u32 s8, $0x1;
	s5 =	simm.s32 $0x2710  }
0x1d: {  	s8 =	simm.s32 $0x2738;
	s12 =	simm.s32 $0x77D8;
	s13 =	simm.s32 $0x2  }
.Ltmp0:
0x1e: {  	s17 =	simm.s32 $0x0;
	[dreg:$0x4] =	wrdreg s9;
	(pc) =	sbr.rel .LBB2_1-.Ltmp0, $4  }
0x1f: {  	s7 =	sadd.s32 s11, s19;
	s25 =	sadd.s32 $0xA, s1;
	s1 =	simm.s32 $0x7  }
0x20: {  	s9 =	simm.s32 $0x3BD8;
	[dreg:$0xf] =	wrdreg s7;
	s7 =	sshrl.u32 s20, $0x3  }
0x21: {  	s20 =	sadd.s32 $0x14, s0;
	s0 =	simm.s32 $0x1;
	s7 =	sadd.s32 s11, s7  }
0x22: {  	v0 =	vimm.f32 $0.0e+00;
	s11 =	simm.s32 $0x27B0;
	[dreg:$0x10] =	wrdreg s7;
	s7 =	simm.s32 $0x28  }
.LBB2_10:
0x23: {  	_ =	swait.ge [sflag:s15], $0x1400;
	s18 =	stileid.u32  }
0x24: {  	s19 =	sshrl.u32 s6, $0x3;
	s17 =	sadd.s32 $0x1, s17;
	[sflag:s15] =	ssyncset.done $0x0  }
0x25: {  	s18 =	sshll.u32 s18, $0x6;
	p0 =	sne.s32 s17, s28;
	[sflag:s15] =	ssyncadd.s32 $0xFFFFEC00  }
.Ltmp1:
0x26: {  	s18 =	sor.u32 $0x1C10, s18;
	[bflag:$0x0] =	sbarrier.arrive $0xFFFF;
	(pc) =	sbr.rel @!p0 .LBB2_11-.Ltmp1, $4  }
0x27: {  	[hbm:s26], [sflag:s18] =	dma.local [spmem:s19], $0x2780  }
0x28: {  	_ =	swait.ge [sflag:s16], $0x2780  }
0x29: {  	[sflag:s16] =	ssyncset.done $0x0  }
0x2a: {  	[sflag:s16] =	ssyncadd.s32 $0xFFFFD880  }
.LBB2_1:
0x2b: {  	s18 =	rddreg [dreg:$0x4]  }
0x2c: {  	[tilespmem:s4], [sflag:$0x1] =	stream.linear.gather [hbm4b:s18+s4], $0x2710, $0x38;
	[tilespmem:$0x1C7D8] =	vst v63  }
0x2d: {  	s19 =	simm.s32 $0x3C0;
	s18 =	simm.s32 $0x70  }
.LBB2_2:
0x2e: {  	p0 =	sne.s32 s19, $0x4FC0;
	[tilespmem:s18+$0x27D8] =	vst v0  }
0x2f: {  	[tilespmem:s18+$0x2768] =	vst v0  }
0x30: {  	[tilespmem:s18+$0x2778] =	vst v0  }
.Ltmp2:
0x31: {  	[tilespmem:s18+$0x2788] =	vst v0;
	(pc) =	sbr.rel @p0 .LBB2_2-.Ltmp2, $4  }
0x32: {  	[tilespmem:s18+$0x2798] =	vst v0  }
0x33: {  	[tilespmem:s18+$0x27A8] =	vst v0  }
0x34: {  	[tilespmem:s18+$0x27B8] =	vst v0  }
0x35: {  	[tilespmem:s18+$0x27C8] =	vst v0;
	s18 =	sshra.s32 s19, $0x2;
	s19 =	sadd.s32 $0x200, s19  }
0x36: {  	[tilespmem:s18+$0x27D8] =	vst v0  }
0x37: {  	[tilespmem:s18+$0x2768] =	vst v0  }
0x38: {  	[tilespmem:s18+$0x2778] =	vst v0  }
0x39: {  	[tilespmem:s18+$0x2788] =	vst v0  }
0x3a: {  	[tilespmem:s18+$0x2798] =	vst v0  }
0x3b: {  	[tilespmem:s18+$0x27A8] =	vst v0  }
0x3c: {  	[tilespmem:s18+$0x27B8] =	vst v0  }
0x3d: {  	[tilespmem:s18+$0x27C8] =	vst v0  }
0x3e: {  	[spmem:s6] =	stream.linear.scatter [tilespmem:s30], [sflag:$0x6], $0x1400, $0x38;
	[tilespmem:$0x1C7D8] =	vst v63  }
0x3f: {  	s22 =	rddreg [dreg:$0x5]  }
0x40: {  	[spmem:s22] =	stream.linear.scatter [tilespmem:s30], [sflag:$0x6], $0x1400, $0x38;
	[tilespmem:$0x1C7D8] =	vst v63  }
0x41: {  	s23 =	rddreg [dreg:$0x6]  }
0x42: {  	[spmem:s23] =	stream.linear.scatter [tilespmem:s30], [sflag:$0x6], $0x1400, $0x38;
	[tilespmem:$0x1C7D8] =	vst v63  }
0x43: {  	s24 =	rddreg [dreg:$0x7]  }
0x44: {  	[spmem:s24] =	stream.linear.scatter [tilespmem:s30], [sflag:$0x6], $0x1400, $0x38;
	[tilespmem:$0x1C7D8] =	vst v63  }
0x45: {  	s19 =	rddreg [dreg:$0x8]  }
0x46: {  	[spmem:s19] =	stream.linear.scatter [tilespmem:s30], [sflag:$0x6], $0x1400, $0x38;
	[tilespmem:$0x1C7D8] =	vst v63  }
0x47: {  	s21 =	rddreg [dreg:$0x9]  }
0x48: {  	[spmem:s21] =	stream.linear.scatter [tilespmem:s30], [sflag:$0x6], $0x1400, $0x38;
	[tilespmem:$0x1C7D8] =	vst v63  }
0x49: {  	s22 =	rddreg [dreg:$0xa]  }
0x4a: {  	[spmem:s22] =	stream.linear.scatter [tilespmem:s30], [sflag:$0x6], $0x1400, $0x38;
	[tilespmem:$0x1C7D8] =	vst v63  }
0x4b: {  	s23 =	rddreg [dreg:$0xb]  }
0x4c: {  	[spmem:s23] =	stream.linear.scatter [tilespmem:s30], [sflag:$0x6], $0x1400, $0x38;
	[tilespmem:$0x1C7D8] =	vst v63  }
0x4d: {  	s24 =	rddreg [dreg:$0xc]  }
0x4e: {  	[spmem:s24] =	stream.linear.scatter [tilespmem:s30], [sflag:$0x6], $0x1400, $0x38;
	[tilespmem:$0x1C7D8] =	vst v63  }
0x4f: {  	s19 =	rddreg [dreg:$0xd]  }
0x50: {  	[spmem:s19] =	stream.linear.scatter [tilespmem:s30], [sflag:$0x6], $0x1400, $0x38;
	[tilespmem:$0x1C7D8] =	vst v63  }
0x51: {  	s21 =	rddreg [dreg:$0x11]  }
0x52: {  	[spmem:s21] =	stream.linear.scatter [tilespmem:s30], [sflag:$0x6], $0x1400, $0x38;
	[tilespmem:$0x1C7D8] =	vst v63  }
0x53: {  	s22 =	rddreg [dreg:$0x12]  }
0x54: {  	[spmem:s22] =	stream.linear.scatter [tilespmem:s30], [sflag:$0x6], $0x1400, $0x38;
	[tilespmem:$0x1C7D8] =	vst v63  }
0x55: {  	s23 =	rddreg [dreg:$0x13]  }
0x56: {  	[spmem:s23] =	stream.linear.scatter [tilespmem:s30], [sflag:$0x6], $0x1400, $0x38;
	[tilespmem:$0x1C7D8] =	vst v63  }
0x57: {  	s24 =	rddreg [dreg:$0x14]  }
0x58: {  	[spmem:s24] =	stream.linear.scatter [tilespmem:s30], [sflag:$0x6], $0x1400, $0x38;
	[tilespmem:$0x1C7D8] =	vst v63  }
0x59: {  	s19 =	rddreg [dreg:$0x15]  }
0x5a: {  	[spmem:s19] =	stream.linear.scatter [tilespmem:s30], [sflag:$0x6], $0x1400, $0x38;
	[tilespmem:$0x1C7D8] =	vst v63  }
0x5b: {  	s21 =	rddreg [dreg:$0x16]  }
0x5c: {  	[spmem:s21] =	stream.linear.scatter [tilespmem:s30], [sflag:$0x7], $0x1000, $0x38;
	[tilespmem:$0x1C7D8] =	vst v63  }
0x5d: {  	_ =	swait.ge [sflag:s31], $0x1400  }
0x5e: {  	[sflag:s31] =	ssyncset.done $0x0  }
0x5f: {  	[sflag:s31] =	ssyncadd.s32 $0xFFFFEC00  }
0x60: {  	_ =	swait.ge [sflag:s31], $0x1400  }
0x61: {  	[sflag:s31] =	ssyncset.done $0x0  }
0x62: {  	[sflag:s31] =	ssyncadd.s32 $0xFFFFEC00  }
0x63: {  	_ =	swait.ge [sflag:s31], $0x1400  }
0x64: {  	[sflag:s31] =	ssyncset.done $0x0  }
0x65: {  	[sflag:s31] =	ssyncadd.s32 $0xFFFFEC00  }
0x66: {  	_ =	swait.ge [sflag:s31], $0x1400  }
0x67: {  	[sflag:s31] =	ssyncset.done $0x0  }
0x68: {  	[sflag:s31] =	ssyncadd.s32 $0xFFFFEC00  }
0x69: {  	_ =	swait.ge [sflag:s31], $0x1400  }
0x6a: {  	[sflag:s31] =	ssyncset.done $0x0  }
0x6b: {  	[sflag:s31] =	ssyncadd.s32 $0xFFFFEC00  }
0x6c: {  	_ =	swait.ge [sflag:s31], $0x1400  }
0x6d: {  	[sflag:s31] =	ssyncset.done $0x0  }
0x6e: {  	[sflag:s31] =	ssyncadd.s32 $0xFFFFEC00  }
0x6f: {  	_ =	swait.ge [sflag:s31], $0x1400  }
0x70: {  	[sflag:s31] =	ssyncset.done $0x0  }
0x71: {  	[sflag:s31] =	ssyncadd.s32 $0xFFFFEC00  }
0x72: {  	_ =	swait.ge [sflag:s31], $0x1400  }
0x73: {  	[sflag:s31] =	ssyncset.done $0x0  }
0x74: {  	[sflag:s31] =	ssyncadd.s32 $0xFFFFEC00  }
0x75: {  	_ =	swait.ge [sflag:s31], $0x1400  }
0x76: {  	[sflag:s31] =	ssyncset.done $0x0  }
0x77: {  	[sflag:s31] =	ssyncadd.s32 $0xFFFFEC00  }
0x78: {  	_ =	swait.ge [sflag:s31], $0x1400  }
0x79: {  	[sflag:s31] =	ssyncset.done $0x0  }
0x7a: {  	[sflag:s31] =	ssyncadd.s32 $0xFFFFEC00  }
0x7b: {  	_ =	swait.ge [sflag:s31], $0x1400  }
0x7c: {  	[sflag:s31] =	ssyncset.done $0x0  }
0x7d: {  	[sflag:s31] =	ssyncadd.s32 $0xFFFFEC00  }
0x7e: {  	_ =	swait.ge [sflag:s31], $0x1400  }
0x7f: {  	[sflag:s31] =	ssyncset.done $0x0  }
0x80: {  	[sflag:s31] =	ssyncadd.s32 $0xFFFFEC00  }
0x81: {  	_ =	swait.ge [sflag:s31], $0x1400  }
0x82: {  	[sflag:s31] =	ssyncset.done $0x0  }
0x83: {  	[sflag:s31] =	ssyncadd.s32 $0xFFFFEC00  }
0x84: {  	_ =	swait.ge [sflag:s31], $0x1400  }
0x85: {  	[sflag:s31] =	ssyncset.done $0x0  }
0x86: {  	[sflag:s31] =	ssyncadd.s32 $0xFFFFEC00  }
0x87: {  	_ =	swait.ge [sflag:s31], $0x1400  }
0x88: {  	[sflag:s31] =	ssyncset.done $0x0  }
0x89: {  	[sflag:s31] =	ssyncadd.s32 $0xFFFFEC00  }
0x8a: {  	_ =	swait.ge [sflag:s1], $0x1000  }
0x8b: {  	[sflag:s1] =	ssyncset.done $0x0  }
0x8c: {  	[sflag:s1] =	ssyncadd.s32 $0xFFFFF000  }
0x8d: {  	_ =	swait.ge [sflag:s0], $0x2710  }
0x8e: {  	[sflag:s0] =	ssyncset.done $0x0  }
0x8f: {  	[sflag:s0] =	ssyncadd.s32 $0xFFFFD8F0  }
0x90: {  	[bflag:$0x0] =	sbarrier.arrive $0xFFFF  }
0x91: {  	s18 =	simm.s32 $0x0;
	s19 =	rddreg [dreg:$0xe]  }
0x92: {  	[tilespmem:s5], [sflag:$0xB] =	stream.linear.gather [hbm4b:s19+s18], $0x28, $0x38;
	[tilespmem:$0x1C7D8] =	vst v63  }
0x93: {  	_ = 	snop  }
0x94: {  	[tilespmem:s30], [sflag:$0x1] =	stream.indirect.gather [hbm4b:s2+s7], $0x80, s18, s7, $0xb8;
	[tilespmem:$0x1C7D8] =	vst v63  }
0x95: {  	s22 =	rddreg [dreg:$0xf]  }
0x96: {  	[tilespmem:s8], [sflag:$0xC] =	stream.linear.gather [hbm4b:s22+s18], $0x28, $0x38;
	[tilespmem:$0x1C7D8] =	vst v63  }
0x97: {  	_ = 	snop  }
0x98: {  	[tilespmem:s9], [sflag:$0x2] =	stream.indirect.gather [hbm4b:s2+s7], $0x80, s7, s7, $0xb8;
	[tilespmem:$0x1C7D8] =	vst v63  }
0x99: {  	s23 =	simm.s32 $0x2760  }
0x9a: {  	[tilespmem:s23], [sflag:$0xD] =	stream.linear.gather [hbm4b:s25+s18], $0x28, $0x38;
	[tilespmem:$0x1C7D8] =	vst v63  }
0x9b: {  	s24 =	simm.s32 $0x50;
	s21 =	simm.s32 $0x4FD8  }
0x9c: {  	[tilespmem:s21], [sflag:$0x3] =	stream.indirect.gather [hbm4b:s2+s7], $0x80, s24, s7, $0xb8;
	[tilespmem:$0x1C7D8] =	vst v63  }
.Ltmp3:
0x9d: {  	_ = 	snop;
	(pc) =	sbr.rel .LBB2_4-.Ltmp3, $4  }
0x9e: {  	s29 =	smov.u32 s20;
	s22 =	simm.s32 $0x2788;
	s21 =	rddreg [dreg:$0x10]  }
0x9f: {  	[tilespmem:s22], [sflag:$0xE] =	stream.linear.gather [hbm4b:s21+s18], $0x28, $0x38;
	[tilespmem:$0x1C7D8] =	vst v63  }
0xa0: {  	s19 =	simm.s32 $0xA0;
	s23 =	simm.s32 $0x78;
	s24 =	simm.s32 $0x63D8  }
0xa1: {  	[tilespmem:s24], [sflag:$0x4] =	stream.indirect.gather [hbm4b:s2+s7], $0x80, s23, s7, $0xb8;
	[tilespmem:$0x1C7D8] =	vst v63  }
.LBB2_12:
0xa2: {  	p0 =	seq.s32 s21, $0x2  }
0xa3: {  	s22 =	simm.s32 @p0 $0x3  }
0xa4: {  	_ =	swait.ge @p0 [sflag:s22], $0x1400  }
0xa5: {  	[sflag:s22] =	ssyncset.done @p0 $0x0  }
0xa6: {  	[sflag:s22] =	ssyncadd.s32 @p0 $0xFFFFEC00;
	s22 =	simm.s32 @p0 $0xD  }
0xa7: {  	_ =	swait.ge @p0 [sflag:s22], $0x28  }
0xa8: {  	s23 =	simm.s32 @p0 $0x2760;
	[sflag:s22] =	ssyncset.done @p0 $0x0  }
0xa9: {  	s24 =	simm.s32 @p0 $0x4FD8;
	[sflag:s22] =	ssyncadd.s32 @p0 $0xFFFFFFD8;
	s22 =	simm.s32 @p0 $0x28  }
0xaa: {  	[spmem:s3] =	stream.indirect.scatter.add.f32 @p0 [tilespmem:s24], [sflag:$0x8], $0x80, s23, s22, $0xb8;
	[tilespmem:$0x1C7D8] =	vst v63  }
0xab: {  	s22 =	simm.s32 @p0 $0x7  }
0xac: {  	p1 =	sgt.u32 @p0 s18, $0xF5;
	_ =	swait.ge @p0 [sflag:s22], $0x1400  }
0xad: {  	p1 =	por p1, !p0;
	[sflag:s22] =	ssyncset.done @p0 $0x0  }
0xae: {  	s23 =	simm.s32 @!p1 $0x2738;
	[sflag:s22] =	ssyncadd.s32 @p0 $0xFFFFEC00;
	s22 =	simm.s32 @!p1 $0x0  }
0xaf: {  	[tilespmem:s23], [sflag:$0xC] =	stream.linear.gather @!p1 [hbm4b:s29+s22], $0x28, $0x38;
	[tilespmem:$0x1C7D8] =	vst v63  }
0xb0: {  	s22 =	simm.s32 @!p1 $0x28;
	s23 =	simm.s32 @!p1 $0x3BD8  }
0xb1: {  	[tilespmem:s23], [sflag:$0x2] =	stream.indirect.gather @!p1 [hbm4b:s2+s22], $0x80, s19, s22, $0xb8;
	[tilespmem:$0x1C7D8] =	vst v63  }
0xb2: {  	p1 =	seq.s32 @!p0 s21, $0x3  }
0xb3: {  	p2 =	por !p1, p0  }
0xb4: {  	s21 =	simm.s32 @!p2 $0x4  }
0xb5: {  	_ =	swait.ge @!p2 [sflag:s21], $0x1400  }
0xb6: {  	[sflag:s21] =	ssyncset.done @!p2 $0x0  }
0xb7: {  	[sflag:s21] =	ssyncadd.s32 @!p2 $0xFFFFEC00;
	s21 =	simm.s32 @!p2 $0xE  }
0xb8: {  	_ =	swait.ge @!p2 [sflag:s21], $0x28  }
0xb9: {  	s22 =	simm.s32 @!p2 $0x2788;
	[sflag:s21] =	ssyncset.done @!p2 $0x0  }
0xba: {  	s23 =	simm.s32 @!p2 $0x63D8;
	[sflag:s21] =	ssyncadd.s32 @!p2 $0xFFFFFFD8;
	s21 =	simm.s32 @!p2 $0x28  }
0xbb: {  	[spmem:s3] =	stream.indirect.scatter.add.f32 @!p2 [tilespmem:s23], [sflag:$0x9], $0x80, s22, s21, $0xb8;
	[tilespmem:$0x1C7D8] =	vst v63  }
0xbc: {  	p3 =	sgt.u32 @!p2 s18, $0xF5;
	s21 =	simm.s32 @!p2 $0x8  }
0xbd: {  	p3 =	por @!p0 p3, !p1;
	_ =	swait.ge @!p2 [sflag:s21], $0x1400  }
0xbe: {  	p3 =	por p3, p0;
	[sflag:s21] =	ssyncset.done @!p2 $0x0  }
0xbf: {  	s22 =	simm.s32 @!p3 $0x2760;
	[sflag:s21] =	ssyncadd.s32 @!p2 $0xFFFFEC00;
	s21 =	simm.s32 @!p3 $0x0  }
0xc0: {  	[tilespmem:s22], [sflag:$0xD] =	stream.linear.gather @!p3 [hbm4b:s29+s21], $0x28, $0x38;
	[tilespmem:$0x1C7D8] =	vst v63  }
0xc1: {  	p2 =	por p1, p0;
	s21 =	simm.s32 @!p3 $0x28;
	s22 =	simm.s32 @!p3 $0x4FD8  }
0xc2: {  	[tilespmem:s22], [sflag:$0x3] =	stream.indirect.gather @!p3 [hbm4b:s2+s21], $0x80, s19, s21, $0xb8;
	[tilespmem:$0x1C7D8] =	vst v63  }
0xc3: {  	s21 =	simm.s32 @!p2 $0x5  }
0xc4: {  	_ =	swait.ge @!p2 [sflag:s21], $0x1400  }
0xc5: {  	[sflag:s21] =	ssyncset.done @!p2 $0x0  }
0xc6: {  	[sflag:s21] =	ssyncadd.s32 @!p2 $0xFFFFEC00;
	s21 =	simm.s32 @!p2 $0xF  }
0xc7: {  	_ =	swait.ge @!p2 [sflag:s21], $0x28  }
0xc8: {  	s23 =	simm.s32 @!p2 $0x77D8;
	[sflag:s21] =	ssyncset.done @!p2 $0x0  }
0xc9: {  	s22 =	simm.s32 @!p2 $0x27B0;
	[sflag:s21] =	ssyncadd.s32 @!p2 $0xFFFFFFD8;
	s21 =	simm.s32 @!p2 $0x28  }
0xca: {  	[spmem:s3] =	stream.indirect.scatter.add.f32 @!p2 [tilespmem:s23], [sflag:$0xA], $0x80, s22, s21, $0xb8;
	[tilespmem:$0x1C7D8] =	vst v63  }
0xcb: {  	p3 =	sgt.u32 @!p2 s18, $0xF5;
	s21 =	simm.s32 @!p2 $0x9  }
0xcc: {  	p1 =	por @!p0 p3, p1;
	_ =	swait.ge @!p2 [sflag:s21], $0x1400  }
0xcd: {  	p0 =	por p1, p0;
	[sflag:s21] =	ssyncset.done @!p2 $0x0  }
0xce: {  	s22 =	simm.s32 @!p0 $0x2788;
	[sflag:s21] =	ssyncadd.s32 @!p2 $0xFFFFEC00;
	s21 =	simm.s32 @!p0 $0x0  }
0xcf: {  	[tilespmem:s22], [sflag:$0xE] =	stream.linear.gather @!p0 [hbm4b:s29+s21], $0x28, $0x38;
	[tilespmem:$0x1C7D8] =	vst v63  }
0xd0: {  	s21 =	simm.s32 @!p0 $0x28;
	s22 =	simm.s32 @!p0 $0x63D8  }
0xd1: {  	[tilespmem:s22], [sflag:$0x4] =	stream.indirect.gather @!p0 [hbm4b:s2+s21], $0x80, s19, s21, $0xb8;
	[tilespmem:$0x1C7D8] =	vst v63  }
.LBB2_9:
0xd2: {  	s18 =	sadd.s32 $0x1, s18  }
0xd3: {  	p0 =	sne.s32 s18, $0xFA  }
.Ltmp4:
0xd4: {  	_ = 	snop;
	(pc) =	sbr.rel @!p0 .LBB2_10-.Ltmp4, $2  }
0xd5: {  	_ =	sdelay $0x2  }
0xd6: {  	s19 =	sadd.s32 $0x28, s19;
	s29 =	sadd.s32 $0x5, s29  }
.LBB2_4:
0xd7: {  	s21 =	smul.u32 $0xCD, s18;
	_ =	sdelay $0x1  }
0xd8: {  	s21 =	sshrl.u32 s21, $0xA  }
0xd9: {  	s21 =	sand.u32 $0x3F, s21  }
0xda: {  	s21 =	smul.u32 $0x5, s21;
	_ =	sdelay $0x1  }
0xdb: {  	s21 =	ssub.s32 s18, s21  }
0xdc: {  	s21 =	sand.u32 $0xFF, s21  }
0xdd: {  	p0 =	sgt.s32 s21, $0x1  }
.Ltmp5:
0xde: {  	_ = 	snop;
	(pc) =	sbr.rel @p0 .LBB2_12-.Ltmp5, $1  }
0xdf: {  	_ =	sdelay $0x3  }
0xe0: {  	p0 =	seq.s32 s21, $0x0  }
.Ltmp6:
0xe1: {  	_ = 	snop;
	(pc) =	sbr.rel @!p0 .LBB2_8-.Ltmp6, $1  }
0xe2: {  	_ =	sdelay $0x3  }
0xe3: {  	_ =	swait.ge [sflag:s0], $0x1400  }
0xe4: {  	[sflag:s0] =	ssyncset.done $0x0  }
0xe5: {  	p0 =	seq.s32 s18, $0x0;
	[sflag:s0] =	ssyncadd.s32 $0xFFFFEC00  }
0xe6: {  	p1 =	sgt.u32 @!p0 s18, $0xF5;
	_ =	swait.ge [sflag:s10], $0x28  }
0xe7: {  	p1 =	por p0, !p1;
	[sflag:s10] =	ssyncset.done $0x0  }
.Ltmp7:
0xe8: {  	s21 =	simm.s32 @!p0 $0xA;
	[sflag:s10] =	ssyncadd.s32 $0xFFFFFFD8;
	(pc) =	sbr.rel @!p1 .LBB2_9-.Ltmp7, $4  }
0xe9: {  	[spmem:s3] =	stream.indirect.scatter.add.f32 [tilespmem:s30], [sflag:$0x6], $0x80, s5, s7, $0xb8;
	[tilespmem:$0x1C7D8] =	vst v63  }
0xea: {  	_ =	swait.ge @!p0 [sflag:s21], $0x1400  }
0xeb: {  	[sflag:s21] =	ssyncset.done @!p0 $0x0  }
0xec: {  	[sflag:s21] =	ssyncadd.s32 @!p0 $0xFFFFEC00  }
.Ltmp8:
0xed: {  	(pc) =	sbr.rel .LBB2_9-.Ltmp8, $4  }
0xee: {  	_ = 	snop  }
0xef: {  	[tilespmem:s11], [sflag:$0xF] =	stream.linear.gather [hbm4b:s29+s4], $0x28, $0x38;
	[tilespmem:$0x1C7D8] =	vst v63  }
0xf0: {  	_ = 	snop  }
0xf1: {  	[tilespmem:s12], [sflag:$0x5] =	stream.indirect.gather [hbm4b:s2+s7], $0x80, s19, s7, $0xb8;
	[tilespmem:$0x1C7D8] =	vst v63  }
.LBB2_8:
0xf2: {  	_ =	swait.ge [sflag:s13], $0x1400  }
0xf3: {  	[sflag:s13] =	ssyncset.done $0x0  }
0xf4: {  	[sflag:s13] =	ssyncadd.s32 $0xFFFFEC00  }
0xf5: {  	_ =	swait.ge [sflag:s14], $0x28  }
0xf6: {  	[sflag:s14] =	ssyncset.done $0x0  }
0xf7: {  	[sflag:s14] =	ssyncadd.s32 $0xFFFFFFD8  }
0xf8: {  	[spmem:s3] =	stream.indirect.scatter.add.f32 [tilespmem:s9], [sflag:$0x7], $0x80, s8, s7, $0xb8;
	[tilespmem:$0x1C7D8] =	vst v63  }
0xf9: {  	_ =	swait.ge [sflag:s31], $0x1400  }
.Ltmp9:
0xfa: {  	p0 =	sgt.u32 s18, $0xF5;
	[sflag:s31] =	ssyncset.done $0x0;
	(pc) =	sbr.rel .LBB2_9-.Ltmp9, $4  }
0xfb: {  	s21 =	simm.s32 @!p0 $0x0;
	s22 =	simm.s32 @!p0 $0x2710;
	[sflag:s31] =	ssyncadd.s32 $0xFFFFEC00  }
0xfc: {  	[tilespmem:s22], [sflag:$0xB] =	stream.linear.gather @!p0 [hbm4b:s29+s21], $0x28, $0x38;
	[tilespmem:$0x1C7D8] =	vst v63  }
0xfd: {  	s21 =	simm.s32 @!p0 $0x28;
	s22 =	simm.s32 @!p0 $0x27D8  }
0xfe: {  	[tilespmem:s22], [sflag:$0x1] =	stream.indirect.gather @!p0 [hbm4b:s2+s21], $0x80, s19, s21, $0xb8;
	[tilespmem:$0x1C7D8] =	vst v63  }
.LBB2_11:
0xff: {  	_ =	sfence.sel $0x180000  }
0x100: {  	[bflag:$0x0] =	sbarrier.arrive $0xFFFF  }
0x101: {  	_ =	strace $0x9000004A  }
0x102: {  	s0 =	stileid.u32;
	[bflag:$0x2] =	sbarrier.arrive $0xFFFF  }
0x103: {  	p0 =	sne.s32 s0, $0x0;
	s0 =	rddreg [dreg:$0x3]  }
0x104: {  	s0 =	sadd.s32 @!p0 $0x100000, s0  }
0x105: {  	[sflag:s0] =	ssyncadd.tile.s32 @!p0 $0x1;
	_ =	shalt  }
.Lfunc_end2:
_tile_overlayer_lowered:
.L_overlay_start_2:
0x106: {  	(tag) =	ssettag $0x2  }
0x107: {  	s0 =	rddreg [dreg:$0x0];
	s2 =	stileid.u32  }
0x108: {  	s1 =	rddreg [dreg:$0x1];
	p0 =	sne.s32 s2, $0x0  }
0x109: {  	s3 =	rddreg [dreg:$0x2];
	[bflag:$0x3] =	sbarrier.arrive $0xFFFF;
	s2 =	simm.s32 @!p0 $0x1C10  }
0x10a: {  	[timem:s3], [sflag:s2] =	dma.local @!p0 [hbm:s0], s1  }
0x10b: {  	s0 =	simm.s32 @!p0 $0x10  }
0x10c: {  	_ =	swait.ge @!p0 [sflag:s0], s1  }
0x10d: {  	s1 =	ssub.s32 @!p0 $0x0, s1;
	[sflag:s0] =	ssyncset.done @!p0 $0x0  }
0x10e: {  	[sflag:s0] =	ssyncadd.s32 @!p0 s1  }
0x10f: {  	[bflag:$0x3] =	sbarrier.arrive $0xFFFF  }
0x110: {  	_ =	shalt  }

// kernel: kernel.8.cloned.1.call-start
scs
__scs_entry_jumppad:
0x0: {  	(pc) =	sbr.rel $0x88, $3  }
0x1: {  	(tag) =	ssettag $0x0;
	lr =	simm.s32 $0x1  }
0x2: {  	[smem:$0x3F99] =	sst lr;
	_ =	strace $0xD0000000  }
0x3: {  	_ = 	snop  }
0x4: {  	_ = 	snop  }
0x5: {  	_ = 	snop  }
0x6: {  	_ = 	snop  }
0x7: {  	_ = 	snop  }
__scs_overlays_trampoline_lowered:
0x8: {  	[smem:$0x3FA8] =	sst s0  }
0x9: {  	[smem:$0x3FA9] =	sst s1  }
0xa: {  	[smem:$0x3FAA] =	sst s2  }
0xb: {  	[smem:$0x3FAB] =	sst s3  }
0xc: {  	[smem:$0x3FAC] =	sst s4  }
0xd: {  	[smem:$0x3FAD] =	sst s5  }
0xe: {  	[smem:$0x3FAE] =	sst s6  }
0xf: {  	[smem:$0x3FAF] =	sst s7  }
0x10: {  	[smem:$0x3FB0] =	sst s8  }
0x11: {  	[smem:$0x3FB1] =	sst s9;
	s0 =	simm.s32 @!p0 $0x0  }
0x12: {  	s1 =	sld [smem:$0x3F97];
	s0 =	simm.s32 @p0 $0x1  }
0x13: {  	[smem:$0x3FB2] =	sst s0;
	s0 =	simm.s32 @!p1 $0x0  }
0x14: {  	s2 =	sld [smem:$0x3F96];
	s0 =	simm.s32 @p1 $0x1  }
0x15: {  	[smem:$0x3FB3] =	sst s0;
	s0 =	simm.s32 @!p2 $0x0  }
0x16: {  	s3 =	sld [smem:$0x3FDB];
	s0 =	simm.s32 @p2 $0x1  }
0x17: {  	s4 =	simm.s32 $0x1BF5;
	[smem:$0x3FB5] =	sst s0  }
0x18: {  	s0 =	sld [smem:$0x3F98];
	_ =	swait.ge [sflag:s4], $0x0  }
0x19: {  	s7 =	sld [smem:$0x3F99]  }
0x1a: {  	s8 =	sadd.s32 $0xFFFFE003, lr  }
0x1b: {  	s9 =	sadd.s32 $0xFFFFFEF7, lr;
	s5 =	simm.s32 $0xFFFFFFFF;
	p2 =	slt.u32 s8, $0xFFFFF086  }
0x1c: {  	p1 =	slt.u32 s9, $0xF7A;
	s5 =	simm.s32 @!p2 $0x0  }
0x1d: {  	s5 =	simm.s32 @p1 $0x1;
	p0 =	seq.s32 s7, s2  }
0x1e: {  	s7 =	smul.u32 @!p0 $0xF7A, s2;
	p2 =	seq.s32 @!p0 s5, $0x0  }
0x1f: {  	s9 =	smul.u32 $0xF7A, s1;
	s8 =	simm.s32 @!p0 $0x1BF5;
	p2 =	por !p2, p0  }
0x20: {  	[sflag:s8] =	ssyncset.s32 @!p0 $0xFFFFF086;
	s6 =	sadd.s32 @!p0 s3, s7;
	s7 =	simm.s32 @!p0 $0x108  }
0x21: {  	s3 =	sadd.s32 s3, s9;
	s6 =	sadd.s32 @!p0 $0x88, s6;
	s7 =	simm.s32 @p2 $0x1082  }
0x22: {  	[simem:s7], [sflag:s8] =	dma.local @!p0 [hbm:s6], $0xF7A  }
0x23: {  	s9 =	sor.u32 $0xD0000000, s2;
	s6 =	simm.s32 $0x108;
	_ =	swait.ge @!p0 [sflag:s8], $0x0  }
0x24: {  	s3 =	sadd.s32 $0x88, s3;
	s6 =	simm.s32 @!p1 $0x1082;
	[sflag:s4] =	ssyncset.s32 $0xFFFFF086  }
0x25: {  	[simem:s6], [sflag:s4] =	dma.local [hbm:s3], $0xF7A  }
0x26: {  	[smem:$0x3F99] =	sst s1;
	(tag) =	ssettag s2;
	_ =	strace s9  }
0x27: {  	s1 =	sld [smem:$0x3FA9]  }
0x28: {  	s2 =	sld [smem:$0x3FAA]  }
0x29: {  	s4 =	sld [smem:$0x3FAC]  }
0x2a: {  	p0 =	seq.s32 s5, $0x0;
	s5 =	sld [smem:$0x3FAD]  }
0x2b: {  	s6 =	sld [smem:$0x3FAE]  }
0x2c: {  	s7 =	sld [smem:$0x3FAF]  }
0x2d: {  	s3 =	simm.s32 $0x108;
	s8 =	sld [smem:$0x3FB0]  }
0x2e: {  	s3 =	simm.s32 @!p0 $0x1082;
	s9 =	sld [smem:$0x3FB1]  }
0x2f: {  	lr =	sadd.s32 s0, s3;
	s0 =	sld [smem:$0x3FA8]  }
0x30: {  	s3 =	sld [smem:$0x3FAB]  }
0x31: {  	[smem:$0x3FB4] =	sst s10  }
0x32: {  	s10 =	sld [smem:$0x3FB2];
	_ =	sdelay $0x3  }
0x33: {  	p0 =	seq.s32 s10, $0x1;
	s10 =	sld [smem:$0x3FB4];
	_ =	sdelay $0x3  }
0x34: {  	[smem:$0x3FB4] =	sst s10  }
0x35: {  	s10 =	sld [smem:$0x3FB3];
	_ =	sdelay $0x3  }
0x36: {  	p1 =	seq.s32 s10, $0x1;
	s10 =	sld [smem:$0x3FB4];
	_ =	sdelay $0x3  }
0x37: {  	[smem:$0x3FB4] =	sst s10  }
0x38: {  	s10 =	sld [smem:$0x3FB5]  }
0x39: {  	_ = 	snop;
	(pc) =	sbr.ind lr, $3  }
0x3a: {  	_ = 	snop  }
0x3b: {  	_ = 	snop  }
0x3c: {  	p2 =	seq.s32 s10, $0x1;
	s10 =	sld [smem:$0x3FB4]  }
0x3d: {  	_ =	shalt  }
0x3e: {  	_ =	shalt  }
0x3f: {  	_ =	shalt  }
0x40: {  	_ =	shalt  }
0x41: {  	_ =	shalt  }
0x42: {  	_ =	shalt  }
0x43: {  	_ =	shalt  }
0x44: {  	_ =	shalt  }
0x45: {  	_ =	shalt  }
0x46: {  	_ =	shalt  }
0x47: {  	_ =	shalt  }
0x48: {  	_ =	shalt  }
0x49: {  	_ =	shalt  }
0x4a: {  	_ =	shalt  }
0x4b: {  	_ =	shalt  }
0x4c: {  	_ =	shalt  }
0x4d: {  	_ =	shalt  }
0x4e: {  	_ =	shalt  }
0x4f: {  	_ =	shalt  }
0x50: {  	_ =	shalt  }
0x51: {  	_ =	shalt  }
0x52: {  	_ =	shalt  }
0x53: {  	_ =	shalt  }
0x54: {  	_ =	shalt  }
0x55: {  	_ =	shalt  }
0x56: {  	_ =	shalt  }
0x57: {  	_ =	shalt  }
0x58: {  	_ =	shalt  }
0x59: {  	_ =	shalt  }
0x5a: {  	_ =	shalt  }
0x5b: {  	_ =	shalt  }
0x5c: {  	_ =	shalt  }
0x5d: {  	_ =	shalt  }
0x5e: {  	_ =	shalt  }
0x5f: {  	_ =	shalt  }
0x60: {  	_ =	shalt  }
0x61: {  	_ =	shalt  }
0x62: {  	_ =	shalt  }
0x63: {  	_ =	shalt  }
0x64: {  	_ =	shalt  }
0x65: {  	_ =	shalt  }
0x66: {  	_ =	shalt  }
0x67: {  	_ =	shalt  }
0x68: {  	_ =	shalt  }
0x69: {  	_ =	shalt  }
0x6a: {  	_ =	shalt  }
0x6b: {  	_ =	shalt  }
0x6c: {  	_ =	shalt  }
0x6d: {  	_ =	shalt  }
0x6e: {  	_ =	shalt  }
0x6f: {  	_ =	shalt  }
0x70: {  	_ =	shalt  }
0x71: {  	_ =	shalt  }
0x72: {  	_ =	shalt  }
0x73: {  	_ =	shalt  }
0x74: {  	_ =	shalt  }
0x75: {  	_ =	shalt  }
0x76: {  	_ =	shalt  }
0x77: {  	_ =	shalt  }
0x78: {  	_ =	shalt  }
0x79: {  	_ =	shalt  }
0x7a: {  	_ =	shalt  }
0x7b: {  	_ =	shalt  }
0x7c: {  	_ =	shalt  }
0x7d: {  	_ =	shalt  }
0x7e: {  	_ =	shalt  }
0x7f: {  	_ =	shalt  }
0x80: {  	_ =	shalt  }
0x81: {  	_ =	shalt  }
0x82: {  	_ =	shalt  }
0x83: {  	_ =	shalt  }
0x84: {  	_ =	shalt  }
0x85: {  	_ =	shalt  }
0x86: {  	_ =	shalt  }
0x87: {  	_ =	shalt  }
.Lfunc_end0:
.L_simem_size_0:
called_computation_lowered:
.L_overlay_start_0:
0x88: {  	s2 =	sld [smem:$0x3FD9]  }
0x89: {  	s3 =	sld [smem:$0x3FFE];
	_ =	sdelay $0x1  }
0x8a: {  	s1 =	srdreg.scid  }
0x8b: {  	s0 =	sand.u32 $0x1, s1  }
0x8c: {  	s16 =	sshll.u32 s0, $0xA;
	s2 =	sadd.s32 s3, s2  }
0x8d: {  	s2 =	sadd.s32 s2, s16  }
0x8e: {  	[smem:$0x3FC0] =	sst s2  }
0x8f: {  	_ = 	snop  }
0x90: {  	(tm) =	ssettm $0x1  }
0x91: {  	s17 =	sld [smem:$0x3FFB];
	_ =	sdelay $0x3  }
0x92: {  	_ =	strace s17  }
0x93: {  	s2 =	sld [smem:$0x3FFC];
	_ =	sdelay $0x3  }
0x94: {  	_ =	strace s2  }
0x95: {  	s2 =	sld [smem:$0x3FFD];
	_ =	sdelay $0x3  }
0x96: {  	_ =	strace s2  }
0x97: {  	_ =	strace $0x8FFFFFFF  }
0x98: {  	s18 =	sld [smem:$0x3FDB];
	_ =	sdelay $0x1  }
0x99: {  	s19 =	simm.s32 $_scs_section_size  }
0x9a: {  	s4 =	simm.s32 $_size__tile_overlayer_lowered;
	s5 =	simm.s32 $_tile_overlayer_lowered  }
0x9b: {  	s22 =	simm.s32 $0x1BFF;
	s21 =	sshll.u32 s5, $0x1;
	s2 =	sadd.s32 s19, s18  }
0x9c: {  	s6 =	simm.s32 $0x0;
	s20 =	sshll.u32 s4, $0x1;
	s4 =	sadd.s32 s21, s2  }
0x9d: {  	[timem:s6], [sflag:s22] =	dma.local [hbm:s4], s20  }
0x9e: {  	_ =	swait.ge [sflag:s22], s20  }
0x9f: {  	s3 =	ssub.s32 $0x0, s20;
	[sflag:s22] =	ssyncset.done $0x0  }
0xa0: {  	[sflag:s22] =	ssyncadd.s32 s3;
	_ =	sdelay $0x1  }
0xa1: {  	s23 =	simm.s32 $0x1B8B  }
0xa2: {  	_ =	swait.ge [sflag:s23], $0x1  }
0xa3: {  	[sflag:s23] =	ssyncset.done $0x0  }
0xa4: {  	s25 =	simm.s32 $0x1B8E;
	s24 =	sld [smem:$0x3FFE];
	[sflag:s23] =	ssyncadd.s32 $0xFFFFFFFF  }
0xa5: {  	s26 =	simm.s32 $execute0_lowered;
	[smem:$0x3FD2] =	sst s25  }
0xa6: {  	s4 =	sshll.u32 s26, $0x1;
	_ =	strace $0x80000046;
	[dreg:$0x1] =	wrdreg $0xFFFFFFFF  }
0xa7: {  	s28 =	simm.s32 $_size_execute0_lowered;
	s2 =	sadd.s32 s2, s4;
	[dreg:$0x0] =	wrdreg $0x0  }
0xa8: {  	s4 =	sshll.u32 s28, $0x1;
	[dreg:$0x2] =	wrdreg s2  }
0xa9: {  	[dreg:$0x3] =	wrdreg s4  }
0xaa: {  	[dreg:$0x4] =	wrdreg $0xC0  }
0xab: {  	_ =	task [dreg:s6], $0x5FFFF  }
0xac: {  	[dreg:$0x1] =	wrdreg $0xFFFFFFFF  }
0xad: {  	[dreg:$0x0] =	wrdreg $0x60  }
0xae: {  	[dreg:$0x2] =	wrdreg s24  }
0xaf: {  	[dreg:$0x3] =	wrdreg $0x98580  }
0xb0: {  	[dreg:$0x4] =	wrdreg $0x9  }
0xb1: {  	_ =	task.clear_ibuf [dreg:s6], $0x5FFFF;
	_ =	strace $0x90000046  }
0xb2: {  	s29 =	simm.s32 $0x9;
	_ =	strace $0x80000048  }
0xb3: {  	_ =	swait.ge [sflag:s29], $0x1  }
0xb4: {  	[sflag:s29] =	ssyncadd.s32 $0xFFFFFFFF  }
0xb5: {  	_ =	strace $0x90000048  }
0xb6: {  	_ =	sfence  }
0xb7: {  	s30 =	sld [smem:$0x0];
	_ =	sdelay $0x2  }
0xb8: {  	s31 =	sshll.u32 s1, $0xD;
	s1 =	sshrl.u32 s1, $0x2  }
0xb9: {  	s3 =	sand.u32 $0x4000, s31;
	s1 =	sadd.s32 s1, s30  }
0xba: {  	s0 =	sor.u32 s3, s0;
	s1 =	sshll.u32 s1, $0x11  }
0xbb: {  	s0 =	sor.u32 s1, s0  }
0xbc: {  	s0 =	sadd.s32 $0x8F2B, s0  }
0xbd: {  	[sflag:s0] =	ssyncadd.remote.s32 $0x1  }
0xbe: {  	_ =	sfence.sel $0xFFFF  }
0xbf: {  	[dreg:$0x0] =	wrdreg $0xFFFFFFFF;
	(pc) =	sbr.abs _section_cstart, $3  }
0xc0: {  	[dreg:$0x1] =	wrdreg $0xFFFFFFFF  }
0xc1: {  	_ =	task.clear_ibuf [dreg:s6], $0x2FFFF;
	_ =	strace $0x9FFFFFFF  }
0xc2: {  	(tm) =	ssettm $0x7FFFFFFF  }
0xc3: {  	_ =	shalt  }
tec
execute0_lowered:
.L_overlay_start_1:
0x0: {  	(tag) =	ssettag $0x1  }
0x1: {  	s14 =	stileid.u32  }
0x2: {  	s0 =	srdreg.scid;
	s3 =	smul.u32 $0xFA, s14  }
0x3: {  	s5 =	rddreg [dreg:$0x0];
	s6 =	smul.u32 $0x16380, s14  }
0x4: {  	s2 =	rddreg [dreg:$0x1];
	s10 =	smul.u32 $0x58E00, s14  }
0x5: {  	s30 =	simm.s32 $0x27D8;
	s0 =	sand.u32 $0x1, s0;
	s21 =	smul.u32 $0x4E2, s14  }
0x6: {  	s31 =	simm.s32 $0x6;
	s4 =	sadd.s32 $0x15200, s5;
	s1 =	smul.u32 $0xFA0, s0  }
0x7: {  	s11 =	sadd.s32 $0x1600, s5;
	s14 =	simm.s32 $0xC;
	s8 =	smul.u32 $0x163800, s0  }
0x8: {  	s12 =	ssub.s32 $0x2, s0;
	s0 =	smul.u32 $0x4E20, s0;
	s10 =	sshrl.u32 s10, $0x2  }
0x9: {  	s1 =	sadd.s32 s3, s1;
	s3 =	simm.s32 $0x0;
	s10 =	sadd.s32 s10, s2  }
0xa: {  	s13 =	sshrl.u32 s12, $0x1;
	[smem:$0x7FF] =	sst s3;
	s24 =	sadd.s32 $0x1680, s10  }
0xb: {  	s25 =	sadd.s32 $0x2D00, s10;
	_ =	strace $0x80000047;
	[dreg:$0x4] =	wrdreg s24  }
0xc: {  	s8 =	sadd.s32 s6, s8;
	s26 =	sadd.s32 $0x4380, s10;
	[dreg:$0x5] =	wrdreg s25  }
0xd: {  	s6 =	sadd.s32 s6, s2;
	s29 =	sadd.s32 $0x5A00, s10;
	[dreg:$0x6] =	wrdreg s26  }
0xe: {  	s0 =	sadd.s32 s0, s11;
	s15 =	sadd.s32 $0x9D80, s10;
	[dreg:$0x7] =	wrdreg s29  }
0xf: {  	s7 =	smul.u32 $0x5, s1;
	s16 =	sadd.s32 $0xB400, s10;
	[dreg:$0xa] =	wrdreg s15  }
0x10: {  	s8 =	sshrl.u32 s8, $0x3;
	s18 =	sadd.s32 $0xCA80, s10;
	[dreg:$0xb] =	wrdreg s16  }
0x11: {  	s1 =	smul.u32 $0x28, s1;
	s22 =	sadd.s32 $0xE100, s10;
	[dreg:$0xc] =	wrdreg s18  }
0x12: {  	s0 =	sadd.s32 s21, s0;
	s23 =	sadd.s32 $0xF780, s10;
	[dreg:$0x10] =	wrdreg s22  }
0x13: {  	[dreg:$0x11] =	wrdreg s23;
	s24 =	sadd.s32 $0x10E00, s10;
	s25 =	sadd.s32 $0x12480, s10  }
0x14: {  	s26 =	sadd.s32 $0x13B00, s10;
	s29 =	sadd.s32 $0x15180, s10;
	s15 =	simm.s32 $0xA  }
0x15: {  	s16 =	simm.s32 $0x10;
	s9 =	sadd.s32 s7, s5;
	[dreg:$0x12] =	wrdreg s24  }
0x16: {  	s5 =	sadd.s32 s8, s5;
	s8 =	ssub.s32 s12, s13;
	[dreg:$0x13] =	wrdreg s25  }
0x17: {  	s12 =	sadd.s32 $0x7080, s10;
	s13 =	sadd.s32 $0x8700, s10;
	[dreg:$0x14] =	wrdreg s26  }
0x18: {  	s17 =	sadd.s32 $0x28, s1;
	s7 =	sadd.s32 s11, s7;
	[dreg:$0x15] =	wrdreg s29  }
0x19: {  	s20 =	sadd.s32 $0x78, s1;
	s1 =	sshrl.u32 s1, $0x3;
	[dreg:$0x8] =	wrdreg s12  }
0x1a: {  	s10 =	simm.s32 $0xB;
	s9 =	sadd.s32 $0xB400, s9;
	[dreg:$0x9] =	wrdreg s13  }
0x1b: {  	[dreg:$0xd] =	wrdreg s7;
	s19 =	sshrl.u32 s17, $0x3;
	s1 =	sadd.s32 s11, s1  }
0x1c: {  	s26 =	sadd.s32 $0x41200, s5;
	s28 =	smax.u32 s8, $0x1;
	s5 =	simm.s32 $0x2710  }
0x1d: {  	s8 =	simm.s32 $0x2738;
	s12 =	simm.s32 $0x81D8;
	s13 =	simm.s32 $0x2  }
.Ltmp0:
0x1e: {  	s17 =	simm.s32 $0x0;
	[dreg:$0x3] =	wrdreg s9;
	(pc) =	sbr.rel .LBB2_1-.Ltmp0, $4  }
0x1f: {  	s7 =	sadd.s32 s11, s19;
	s25 =	sadd.s32 $0xA, s1;
	s1 =	simm.s32 $0x7  }
0x20: {  	s9 =	simm.s32 $0x3E58;
	[dreg:$0xe] =	wrdreg s7;
	s7 =	sshrl.u32 s20, $0x3  }
0x21: {  	s20 =	sadd.s32 $0x14, s0;
	s0 =	simm.s32 $0x1;
	s7 =	sadd.s32 s11, s7  }
0x22: {  	v0 =	vimm.f32 $0.0e+00;
	s11 =	simm.s32 $0x27B0;
	[dreg:$0xf] =	wrdreg s7;
	s7 =	simm.s32 $0x28  }
.LBB2_10:
0x23: {  	_ =	swait.ge [sflag:s15], $0x1680;
	s18 =	stileid.u32  }
0x24: {  	s19 =	sshrl.u32 s6, $0x3;
	s17 =	sadd.s32 $0x1, s17;
	[sflag:s15] =	ssyncset.done $0x0  }
0x25: {  	s18 =	sshll.u32 s18, $0x6;
	p0 =	sne.s32 s17, s28;
	[sflag:s15] =	ssyncadd.s32 $0xFFFFE980  }
.Ltmp1:
0x26: {  	s18 =	sor.u32 $0x1C10, s18;
	[bflag:$0x0] =	sbarrier.arrive $0xFFFF;
	(pc) =	sbr.rel @!p0 .LBB2_11-.Ltmp1, $4  }
0x27: {  	[hbm:s26], [sflag:s18] =	dma.local [spmem:s19], $0x2C70  }
0x28: {  	_ =	swait.ge [sflag:s16], $0x2C70  }
0x29: {  	[sflag:s16] =	ssyncset.done $0x0  }
0x2a: {  	[sflag:s16] =	ssyncadd.s32 $0xFFFFD390  }
.LBB2_1:
0x2b: {  	s18 =	rddreg [dreg:$0x3]  }
0x2c: {  	[tilespmem:s3], [sflag:$0x1] =	stream.linear.gather [hbm4b:s18+s3], $0x2710, $0x38;
	[tilespmem:$0x1FBD8] =	vst v63  }
0x2d: {  	s19 =	simm.s32 $0x440;
	s18 =	simm.s32 $0x80  }
.LBB2_2:
0x2e: {  	p0 =	sne.s32 s19, $0x59C0;
	[tilespmem:s18+$0x27D8] =	vst v0  }
0x2f: {  	[tilespmem:s18+$0x2758] =	vst v0  }
0x30: {  	[tilespmem:s18+$0x2768] =	vst v0  }
0x31: {  	[tilespmem:s18+$0x2778] =	vst v0  }
.Ltmp2:
0x32: {  	[tilespmem:s18+$0x2788] =	vst v0;
	(pc) =	sbr.rel @p0 .LBB2_2-.Ltmp2, $4  }
0x33: {  	[tilespmem:s18+$0x2798] =	vst v0  }
0x34: {  	[tilespmem:s18+$0x27A8] =	vst v0  }
0x35: {  	[tilespmem:s18+$0x27B8] =	vst v0  }
0x36: {  	[tilespmem:s18+$0x27C8] =	vst v0;
	s18 =	sshra.s32 s19, $0x2;
	s19 =	sadd.s32 $0x240, s19  }
0x37: {  	[tilespmem:s18+$0x27D8] =	vst v0  }
0x38: {  	[tilespmem:s18+$0x2758] =	vst v0  }
0x39: {  	[tilespmem:s18+$0x2768] =	vst v0  }
0x3a: {  	[tilespmem:s18+$0x2778] =	vst v0  }
0x3b: {  	[tilespmem:s18+$0x2788] =	vst v0  }
0x3c: {  	[tilespmem:s18+$0x2798] =	vst v0  }
0x3d: {  	[tilespmem:s18+$0x27A8] =	vst v0  }
0x3e: {  	[tilespmem:s18+$0x27B8] =	vst v0  }
0x3f: {  	[tilespmem:s18+$0x27C8] =	vst v0  }
0x40: {  	[spmem:s6] =	stream.linear.scatter [tilespmem:s30], [sflag:$0x6], $0x1680, $0x38;
	[tilespmem:$0x1FBD8] =	vst v63  }
0x41: {  	s22 =	rddreg [dreg:$0x4]  }
0x42: {  	[spmem:s22] =	stream.linear.scatter [tilespmem:s30], [sflag:$0x6], $0x1680, $0x38;
	[tilespmem:$0x1FBD8] =	vst v63  }
0x43: {  	s23 =	rddreg [dreg:$0x5]  }
0x44: {  	[spmem:s23] =	stream.linear.scatter [tilespmem:s30], [sflag:$0x6], $0x1680, $0x38;
	[tilespmem:$0x1FBD8] =	vst v63  }
0x45: {  	s24 =	rddreg [dreg:$0x6]  }
0x46: {  	[spmem:s24] =	stream.linear.scatter [tilespmem:s30], [sflag:$0x6], $0x1680, $0x38;
	[tilespmem:$0x1FBD8] =	vst v63  }
0x47: {  	s19 =	rddreg [dreg:$0x7]  }
0x48: {  	[spmem:s19] =	stream.linear.scatter [tilespmem:s30], [sflag:$0x6], $0x1680, $0x38;
	[tilespmem:$0x1FBD8] =	vst v63  }
0x49: {  	s21 =	rddreg [dreg:$0x8]  }
0x4a: {  	[spmem:s21] =	stream.linear.scatter [tilespmem:s30], [sflag:$0x6], $0x1680, $0x38;
	[tilespmem:$0x1FBD8] =	vst v63  }
0x4b: {  	s22 =	rddreg [dreg:$0x9]  }
0x4c: {  	[spmem:s22] =	stream.linear.scatter [tilespmem:s30], [sflag:$0x6], $0x1680, $0x38;
	[tilespmem:$0x1FBD8] =	vst v63  }
0x4d: {  	s23 =	rddreg [dreg:$0xa]  }
0x4e: {  	[spmem:s23] =	stream.linear.scatter [tilespmem:s30], [sflag:$0x6], $0x1680, $0x38;
	[tilespmem:$0x1FBD8] =	vst v63  }
0x4f: {  	s24 =	rddreg [dreg:$0xb]  }
0x50: {  	[spmem:s24] =	stream.linear.scatter [tilespmem:s30], [sflag:$0x6], $0x1680, $0x38;
	[tilespmem:$0x1FBD8] =	vst v63  }
0x51: {  	s19 =	rddreg [dreg:$0xc]  }
0x52: {  	[spmem:s19] =	stream.linear.scatter [tilespmem:s30], [sflag:$0x6], $0x1680, $0x38;
	[tilespmem:$0x1FBD8] =	vst v63  }
0x53: {  	s21 =	rddreg [dreg:$0x10]  }
0x54: {  	[spmem:s21] =	stream.linear.scatter [tilespmem:s30], [sflag:$0x6], $0x1680, $0x38;
	[tilespmem:$0x1FBD8] =	vst v63  }
0x55: {  	s22 =	rddreg [dreg:$0x11]  }
0x56: {  	[spmem:s22] =	stream.linear.scatter [tilespmem:s30], [sflag:$0x6], $0x1680, $0x38;
	[tilespmem:$0x1FBD8] =	vst v63  }
0x57: {  	s23 =	rddreg [dreg:$0x12]  }
0x58: {  	[spmem:s23] =	stream.linear.scatter [tilespmem:s30], [sflag:$0x6], $0x1680, $0x38;
	[tilespmem:$0x1FBD8] =	vst v63  }
0x59: {  	s24 =	rddreg [dreg:$0x13]  }
0x5a: {  	[spmem:s24] =	stream.linear.scatter [tilespmem:s30], [sflag:$0x6], $0x1680, $0x38;
	[tilespmem:$0x1FBD8] =	vst v63  }
0x5b: {  	s19 =	rddreg [dreg:$0x14]  }
0x5c: {  	[spmem:s19] =	stream.linear.scatter [tilespmem:s30], [sflag:$0x6], $0x1680, $0x38;
	[tilespmem:$0x1FBD8] =	vst v63  }
0x5d: {  	s21 =	rddreg [dreg:$0x15]  }
0x5e: {  	[spmem:s21] =	stream.linear.scatter [tilespmem:s30], [sflag:$0x7], $0x1200, $0x38;
	[tilespmem:$0x1FBD8] =	vst v63  }
0x5f: {  	_ =	swait.ge [sflag:s31], $0x1680  }
0x60: {  	[sflag:s31] =	ssyncset.done $0x0  }
0x61: {  	[sflag:s31] =	ssyncadd.s32 $0xFFFFE980  }
0x62: {  	_ =	swait.ge [sflag:s31], $0x1680  }
0x63: {  	[sflag:s31] =	ssyncset.done $0x0  }
0x64: {  	[sflag:s31] =	ssyncadd.s32 $0xFFFFE980  }
0x65: {  	_ =	swait.ge [sflag:s31], $0x1680  }
0x66: {  	[sflag:s31] =	ssyncset.done $0x0  }
0x67: {  	[sflag:s31] =	ssyncadd.s32 $0xFFFFE980  }
0x68: {  	_ =	swait.ge [sflag:s31], $0x1680  }
0x69: {  	[sflag:s31] =	ssyncset.done $0x0  }
0x6a: {  	[sflag:s31] =	ssyncadd.s32 $0xFFFFE980  }
0x6b: {  	_ =	swait.ge [sflag:s31], $0x1680  }
0x6c: {  	[sflag:s31] =	ssyncset.done $0x0  }
0x6d: {  	[sflag:s31] =	ssyncadd.s32 $0xFFFFE980  }
0x6e: {  	_ =	swait.ge [sflag:s31], $0x1680  }
0x6f: {  	[sflag:s31] =	ssyncset.done $0x0  }
0x70: {  	[sflag:s31] =	ssyncadd.s32 $0xFFFFE980  }
0x71: {  	_ =	swait.ge [sflag:s31], $0x1680  }
0x72: {  	[sflag:s31] =	ssyncset.done $0x0  }
0x73: {  	[sflag:s31] =	ssyncadd.s32 $0xFFFFE980  }
0x74: {  	_ =	swait.ge [sflag:s31], $0x1680  }
0x75: {  	[sflag:s31] =	ssyncset.done $0x0  }
0x76: {  	[sflag:s31] =	ssyncadd.s32 $0xFFFFE980  }
0x77: {  	_ =	swait.ge [sflag:s31], $0x1680  }
0x78: {  	[sflag:s31] =	ssyncset.done $0x0  }
0x79: {  	[sflag:s31] =	ssyncadd.s32 $0xFFFFE980  }
0x7a: {  	_ =	swait.ge [sflag:s31], $0x1680  }
0x7b: {  	[sflag:s31] =	ssyncset.done $0x0  }
0x7c: {  	[sflag:s31] =	ssyncadd.s32 $0xFFFFE980  }
0x7d: {  	_ =	swait.ge [sflag:s31], $0x1680  }
0x7e: {  	[sflag:s31] =	ssyncset.done $0x0  }
0x7f: {  	[sflag:s31] =	ssyncadd.s32 $0xFFFFE980  }
0x80: {  	_ =	swait.ge [sflag:s31], $0x1680  }
0x81: {  	[sflag:s31] =	ssyncset.done $0x0  }
0x82: {  	[sflag:s31] =	ssyncadd.s32 $0xFFFFE980  }
0x83: {  	_ =	swait.ge [sflag:s31], $0x1680  }
0x84: {  	[sflag:s31] =	ssyncset.done $0x0  }
0x85: {  	[sflag:s31] =	ssyncadd.s32 $0xFFFFE980  }
0x86: {  	_ =	swait.ge [sflag:s31], $0x1680  }
0x87: {  	[sflag:s31] =	ssyncset.done $0x0  }
0x88: {  	[sflag:s31] =	ssyncadd.s32 $0xFFFFE980  }
0x89: {  	_ =	swait.ge [sflag:s31], $0x1680  }
0x8a: {  	[sflag:s31] =	ssyncset.done $0x0  }
0x8b: {  	[sflag:s31] =	ssyncadd.s32 $0xFFFFE980  }
0x8c: {  	_ =	swait.ge [sflag:s1], $0x1200  }
0x8d: {  	[sflag:s1] =	ssyncset.done $0x0  }
0x8e: {  	[sflag:s1] =	ssyncadd.s32 $0xFFFFEE00  }
0x8f: {  	_ =	swait.ge [sflag:s0], $0x2710  }
0x90: {  	[sflag:s0] =	ssyncset.done $0x0  }
0x91: {  	[sflag:s0] =	ssyncadd.s32 $0xFFFFD8F0  }
0x92: {  	[bflag:$0x0] =	sbarrier.arrive $0xFFFF  }
0x93: {  	s18 =	simm.s32 $0x0;
	s19 =	rddreg [dreg:$0xd]  }
0x94: {  	[tilespmem:s5], [sflag:$0xB] =	stream.linear.gather [hbm4b:s19+s18], $0x28, $0x38;
	[tilespmem:$0x1FBD8] =	vst v63  }
0x95: {  	_ = 	snop  }
0x96: {  	[tilespmem:s30], [sflag:$0x1] =	stream.indirect.gather [hbm4b:s4+s7], $0x90, s18, s7, $0xb8;
	[tilespmem:$0x1FBD8] =	vst v63  }
0x97: {  	s22 =	rddreg [dreg:$0xe]  }
0x98: {  	[tilespmem:s8], [sflag:$0xC] =	stream.linear.gather [hbm4b:s22+s18], $0x28, $0x38;
	[tilespmem:$0x1FBD8] =	vst v63  }
0x99: {  	_ = 	snop  }
0x9a: {  	[tilespmem:s9], [sflag:$0x2] =	stream.indirect.gather [hbm4b:s4+s7], $0x90, s7, s7, $0xb8;
	[tilespmem:$0x1FBD8] =	vst v63  }
0x9b: {  	s23 =	simm.s32 $0x2760  }
0x9c: {  	[tilespmem:s23], [sflag:$0xD] =	stream.linear.gather [hbm4b:s25+s18], $0x28, $0x38;
	[tilespmem:$0x1FBD8] =	vst v63  }
0x9d: {  	s24 =	simm.s32 $0x50;
	s21 =	simm.s32 $0x54D8  }
0x9e: {  	[tilespmem:s21], [sflag:$0x3] =	stream.indirect.gather [hbm4b:s4+s7], $0x90, s24, s7, $0xb8;
	[tilespmem:$0x1FBD8] =	vst v63  }
.Ltmp3:
0x9f: {  	_ = 	snop;
	(pc) =	sbr.rel .LBB2_4-.Ltmp3, $4  }
0xa0: {  	s29 =	smov.u32 s20;
	s22 =	simm.s32 $0x2788;
	s21 =	rddreg [dreg:$0xf]  }
0xa1: {  	[tilespmem:s22], [sflag:$0xE] =	stream.linear.gather [hbm4b:s21+s18], $0x28, $0x38;
	[tilespmem:$0x1FBD8] =	vst v63  }
0xa2: {  	s19 =	simm.s32 $0xA0;
	s23 =	simm.s32 $0x78;
	s24 =	simm.s32 $0x6B58  }
0xa3: {  	[tilespmem:s24], [sflag:$0x4] =	stream.indirect.gather [hbm4b:s4+s7], $0x90, s23, s7, $0xb8;
	[tilespmem:$0x1FBD8] =	vst v63  }
.LBB2_12:
0xa4: {  	p0 =	seq.s32 s21, $0x2  }
0xa5: {  	s22 =	simm.s32 @p0 $0x3  }
0xa6: {  	_ =	swait.ge @p0 [sflag:s22], $0x1680  }
0xa7: {  	[sflag:s22] =	ssyncset.done @p0 $0x0  }
0xa8: {  	[sflag:s22] =	ssyncadd.s32 @p0 $0xFFFFE980;
	s22 =	simm.s32 @p0 $0xD  }
0xa9: {  	_ =	swait.ge @p0 [sflag:s22], $0x28  }
0xaa: {  	s23 =	simm.s32 @p0 $0x2760;
	[sflag:s22] =	ssyncset.done @p0 $0x0  }
0xab: {  	s24 =	simm.s32 @p0 $0x54D8;
	[sflag:s22] =	ssyncadd.s32 @p0 $0xFFFFFFD8;
	s22 =	simm.s32 @p0 $0x28  }
0xac: {  	[spmem:s2] =	stream.indirect.scatter.add.f32 @p0 [tilespmem:s24], [sflag:$0x8], $0x90, s23, s22, $0xb8;
	[tilespmem:$0x1FBD8] =	vst v63  }
0xad: {  	s22 =	simm.s32 @p0 $0x7  }
0xae: {  	p1 =	sgt.u32 @p0 s18, $0xF5;
	_ =	swait.ge @p0 [sflag:s22], $0x1680  }
0xaf: {  	p1 =	por p1, !p0;
	[sflag:s22] =	ssyncset.done @p0 $0x0  }
0xb0: {  	s23 =	simm.s32 @!p1 $0x2738;
	[sflag:s22] =	ssyncadd.s32 @p0 $0xFFFFE980;
	s22 =	simm.s32 @!p1 $0x0  }
0xb1: {  	[tilespmem:s23], [sflag:$0xC] =	stream.linear.gather @!p1 [hbm4b:s29+s22], $0x28, $0x38;
	[tilespmem:$0x1FBD8] =	vst v63  }
0xb2: {  	s22 =	simm.s32 @!p1 $0x28;
	s23 =	simm.s32 @!p1 $0x3E58  }
0xb3: {  	[tilespmem:s23], [sflag:$0x2] =	stream.indirect.gather @!p1 [hbm4b:s4+s22], $0x90, s19, s22, $0xb8;
	[tilespmem:$0x1FBD8] =	vst v63  }
0xb4: {  	p1 =	seq.s32 @!p0 s21, $0x3  }
0xb5: {  	p2 =	por !p1, p0  }
0xb6: {  	s21 =	simm.s32 @!p2 $0x4  }
0xb7: {  	_ =	swait.ge @!p2 [sflag:s21], $0x1680  }
0xb8: {  	[sflag:s21] =	ssyncset.done @!p2 $0x0  }
0xb9: {  	[sflag:s21] =	ssyncadd.s32 @!p2 $0xFFFFE980;
	s21 =	simm.s32 @!p2 $0xE  }
0xba: {  	_ =	swait.ge @!p2 [sflag:s21], $0x28  }
0xbb: {  	s22 =	simm.s32 @!p2 $0x2788;
	[sflag:s21] =	ssyncset.done @!p2 $0x0  }
0xbc: {  	s23 =	simm.s32 @!p2 $0x6B58;
	[sflag:s21] =	ssyncadd.s32 @!p2 $0xFFFFFFD8;
	s21 =	simm.s32 @!p2 $0x28  }
0xbd: {  	[spmem:s2] =	stream.indirect.scatter.add.f32 @!p2 [tilespmem:s23], [sflag:$0x9], $0x90, s22, s21, $0xb8;
	[tilespmem:$0x1FBD8] =	vst v63  }
0xbe: {  	p3 =	sgt.u32 @!p2 s18, $0xF5;
	s21 =	simm.s32 @!p2 $0x8  }
0xbf: {  	p3 =	por @!p0 p3, !p1;
	_ =	swait.ge @!p2 [sflag:s21], $0x1680  }
0xc0: {  	p3 =	por p3, p0;
	[sflag:s21] =	ssyncset.done @!p2 $0x0  }
0xc1: {  	s22 =	simm.s32 @!p3 $0x2760;
	[sflag:s21] =	ssyncadd.s32 @!p2 $0xFFFFE980;
	s21 =	simm.s32 @!p3 $0x0  }
0xc2: {  	[tilespmem:s22], [sflag:$0xD] =	stream.linear.gather @!p3 [hbm4b:s29+s21], $0x28, $0x38;
	[tilespmem:$0x1FBD8] =	vst v63  }
0xc3: {  	p2 =	por p1, p0;
	s21 =	simm.s32 @!p3 $0x28;
	s22 =	simm.s32 @!p3 $0x54D8  }
0xc4: {  	[tilespmem:s22], [sflag:$0x3] =	stream.indirect.gather @!p3 [hbm4b:s4+s21], $0x90, s19, s21, $0xb8;
	[tilespmem:$0x1FBD8] =	vst v63  }
0xc5: {  	s21 =	simm.s32 @!p2 $0x5  }
0xc6: {  	_ =	swait.ge @!p2 [sflag:s21], $0x1680  }
0xc7: {  	[sflag:s21] =	ssyncset.done @!p2 $0x0  }
0xc8: {  	[sflag:s21] =	ssyncadd.s32 @!p2 $0xFFFFE980;
	s21 =	simm.s32 @!p2 $0xF  }
0xc9: {  	_ =	swait.ge @!p2 [sflag:s21], $0x28  }
0xca: {  	s23 =	simm.s32 @!p2 $0x81D8;
	[sflag:s21] =	ssyncset.done @!p2 $0x0  }
0xcb: {  	s22 =	simm.s32 @!p2 $0x27B0;
	[sflag:s21] =	ssyncadd.s32 @!p2 $0xFFFFFFD8;
	s21 =	simm.s32 @!p2 $0x28  }
0xcc: {  	[spmem:s2] =	stream.indirect.scatter.add.f32 @!p2 [tilespmem:s23], [sflag:$0xA], $0x90, s22, s21, $0xb8;
	[tilespmem:$0x1FBD8] =	vst v63  }
0xcd: {  	p3 =	sgt.u32 @!p2 s18, $0xF5;
	s21 =	simm.s32 @!p2 $0x9  }
0xce: {  	p1 =	por @!p0 p3, p1;
	_ =	swait.ge @!p2 [sflag:s21], $0x1680  }
0xcf: {  	p0 =	por p1, p0;
	[sflag:s21] =	ssyncset.done @!p2 $0x0  }
0xd0: {  	s22 =	simm.s32 @!p0 $0x2788;
	[sflag:s21] =	ssyncadd.s32 @!p2 $0xFFFFE980;
	s21 =	simm.s32 @!p0 $0x0  }
0xd1: {  	[tilespmem:s22], [sflag:$0xE] =	stream.linear.gather @!p0 [hbm4b:s29+s21], $0x28, $0x38;
	[tilespmem:$0x1FBD8] =	vst v63  }
0xd2: {  	s21 =	simm.s32 @!p0 $0x28;
	s22 =	simm.s32 @!p0 $0x6B58  }
0xd3: {  	[tilespmem:s22], [sflag:$0x4] =	stream.indirect.gather @!p0 [hbm4b:s4+s21], $0x90, s19, s21, $0xb8;
	[tilespmem:$0x1FBD8] =	vst v63  }
.LBB2_9:
0xd4: {  	s18 =	sadd.s32 $0x1, s18  }
0xd5: {  	p0 =	sne.s32 s18, $0xFA  }
.Ltmp4:
0xd6: {  	_ = 	snop;
	(pc) =	sbr.rel @!p0 .LBB2_10-.Ltmp4, $2  }
0xd7: {  	_ =	sdelay $0x2  }
0xd8: {  	s19 =	sadd.s32 $0x28, s19;
	s29 =	sadd.s32 $0x5, s29  }
.LBB2_4:
0xd9: {  	s21 =	smul.u32 $0xCD, s18;
	_ =	sdelay $0x1  }
0xda: {  	s21 =	sshrl.u32 s21, $0xA  }
0xdb: {  	s21 =	sand.u32 $0x3F, s21  }
0xdc: {  	s21 =	smul.u32 $0x5, s21;
	_ =	sdelay $0x1  }
0xdd: {  	s21 =	ssub.s32 s18, s21  }
0xde: {  	s21 =	sand.u32 $0xFF, s21  }
0xdf: {  	p0 =	sgt.s32 s21, $0x1  }
.Ltmp5:
0xe0: {  	_ = 	snop;
	(pc) =	sbr.rel @p0 .LBB2_12-.Ltmp5, $1  }
0xe1: {  	_ =	sdelay $0x3  }
0xe2: {  	p0 =	seq.s32 s21, $0x0  }
.Ltmp6:
0xe3: {  	_ = 	snop;
	(pc) =	sbr.rel @!p0 .LBB2_8-.Ltmp6, $1  }
0xe4: {  	_ =	sdelay $0x3  }
0xe5: {  	_ =	swait.ge [sflag:s0], $0x1680  }
0xe6: {  	[sflag:s0] =	ssyncset.done $0x0  }
0xe7: {  	p0 =	seq.s32 s18, $0x0;
	[sflag:s0] =	ssyncadd.s32 $0xFFFFE980  }
0xe8: {  	p1 =	sgt.u32 @!p0 s18, $0xF5;
	_ =	swait.ge [sflag:s10], $0x28  }
0xe9: {  	p1 =	por p0, !p1;
	[sflag:s10] =	ssyncset.done $0x0  }
.Ltmp7:
0xea: {  	s21 =	simm.s32 @!p0 $0xA;
	[sflag:s10] =	ssyncadd.s32 $0xFFFFFFD8;
	(pc) =	sbr.rel @!p1 .LBB2_9-.Ltmp7, $4  }
0xeb: {  	[spmem:s2] =	stream.indirect.scatter.add.f32 [tilespmem:s30], [sflag:$0x6], $0x90, s5, s7, $0xb8;
	[tilespmem:$0x1FBD8] =	vst v63  }
0xec: {  	_ =	swait.ge @!p0 [sflag:s21], $0x1680  }
0xed: {  	[sflag:s21] =	ssyncset.done @!p0 $0x0  }
0xee: {  	[sflag:s21] =	ssyncadd.s32 @!p0 $0xFFFFE980  }
.Ltmp8:
0xef: {  	(pc) =	sbr.rel .LBB2_9-.Ltmp8, $4  }
0xf0: {  	_ = 	snop  }
0xf1: {  	[tilespmem:s11], [sflag:$0xF] =	stream.linear.gather [hbm4b:s29+s3], $0x28, $0x38;
	[tilespmem:$0x1FBD8] =	vst v63  }
0xf2: {  	_ = 	snop  }
0xf3: {  	[tilespmem:s12], [sflag:$0x5] =	stream.indirect.gather [hbm4b:s4+s7], $0x90, s19, s7, $0xb8;
	[tilespmem:$0x1FBD8] =	vst v63  }
.LBB2_8:
0xf4: {  	_ =	swait.ge [sflag:s13], $0x1680  }
0xf5: {  	[sflag:s13] =	ssyncset.done $0x0  }
0xf6: {  	[sflag:s13] =	ssyncadd.s32 $0xFFFFE980  }
0xf7: {  	_ =	swait.ge [sflag:s14], $0x28  }
0xf8: {  	[sflag:s14] =	ssyncset.done $0x0  }
0xf9: {  	[sflag:s14] =	ssyncadd.s32 $0xFFFFFFD8  }
0xfa: {  	[spmem:s2] =	stream.indirect.scatter.add.f32 [tilespmem:s9], [sflag:$0x7], $0x90, s8, s7, $0xb8;
	[tilespmem:$0x1FBD8] =	vst v63  }
0xfb: {  	_ =	swait.ge [sflag:s31], $0x1680  }
.Ltmp9:
0xfc: {  	p0 =	sgt.u32 s18, $0xF5;
	[sflag:s31] =	ssyncset.done $0x0;
	(pc) =	sbr.rel .LBB2_9-.Ltmp9, $4  }
0xfd: {  	s21 =	simm.s32 @!p0 $0x0;
	s22 =	simm.s32 @!p0 $0x2710;
	[sflag:s31] =	ssyncadd.s32 $0xFFFFE980  }
0xfe: {  	[tilespmem:s22], [sflag:$0xB] =	stream.linear.gather @!p0 [hbm4b:s29+s21], $0x28, $0x38;
	[tilespmem:$0x1FBD8] =	vst v63  }
0xff: {  	s21 =	simm.s32 @!p0 $0x28;
	s22 =	simm.s32 @!p0 $0x27D8  }
0x100: {  	[tilespmem:s22], [sflag:$0x1] =	stream.indirect.gather @!p0 [hbm4b:s4+s21], $0x90, s19, s21, $0xb8;
	[tilespmem:$0x1FBD8] =	vst v63  }
.LBB2_11:
0x101: {  	_ =	sfence.sel $0x180000  }
0x102: {  	[bflag:$0x0] =	sbarrier.arrive $0xFFFF  }
0x103: {  	_ =	strace $0x90000047  }
0x104: {  	s0 =	stileid.u32;
	[bflag:$0x2] =	sbarrier.arrive $0xFFFF  }
0x105: {  	p0 =	sne.s32 s0, $0x0;
	s0 =	rddreg [dreg:$0x2]  }
0x106: {  	s0 =	sadd.s32 @!p0 $0x100000, s0  }
0x107: {  	[sflag:s0] =	ssyncadd.tile.s32 @!p0 $0x1;
	_ =	shalt  }
.Lfunc_end2:
_tile_overlayer_lowered:
.L_overlay_start_2:
0x108: {  	(tag) =	ssettag $0x2  }
0x109: {  	s0 =	rddreg [dreg:$0x0];
	s2 =	stileid.u32  }
0x10a: {  	s1 =	rddreg [dreg:$0x1];
	p0 =	sne.s32 s2, $0x0  }
0x10b: {  	s3 =	rddreg [dreg:$0x2];
	[bflag:$0x3] =	sbarrier.arrive $0xFFFF;
	s2 =	simm.s32 @!p0 $0x1C10  }
0x10c: {  	[timem:s3], [sflag:s2] =	dma.local @!p0 [hbm:s0], s1  }
0x10d: {  	s0 =	simm.s32 @!p0 $0x10  }
0x10e: {  	_ =	swait.ge @!p0 [sflag:s0], s1  }
0x10f: {  	s1 =	ssub.s32 @!p0 $0x0, s1;
	[sflag:s0] =	ssyncset.done @!p0 $0x0  }
0x110: {  	[sflag:s0] =	ssyncadd.s32 @!p0 s1  }
0x111: {  	[bflag:$0x3] =	sbarrier.arrive $0xFFFF  }
0x112: {  	_ =	shalt  }

</sc_bundles>
